<compile_context>
chip_gen: v7x
topology: tpu7x:2x2x1
jax: 0.10.2.dev20260603
libtpu: 0.0.44.dev20260713+nightly
codegen_flags: <defaults>
</compile_context>

<pallas_src>
import functools

import numpy as np

import jax
import jax.numpy as jnp
from jax import lax
from jax.experimental import pallas as pl
from jax.experimental.pallas import tpu as pltpu
from jax.experimental.pallas import tpu_sc as plsc

_NOISE_STD = 1.0
_P_MEAN = -1.2
_P_STD = 1.5
_SIGMA_DATA = 0.5

_B = 64
_L = 1024
_NC = 2
_NS = 16
_ROWS_PER_W = _B // (_NC * _NS)
_NT = _L // 16


def _sc_body(x_hbm, basep_hbm, ns_hbm, mask_hbm, lcn_hbm, stab_hbm,
             xn_hbm, nz_hbm, sig_hbm, wt_hbm,
             v_x0, v_x1, v_bp0, v_bp1, v_nz0, v_nz1, v_xn0, v_xn1,
             v_mask0, v_mask1, v_ns0, v_ns1, v_sig0, v_sig1,
             v_wt0, v_wt1, v_lcn0, v_lcn1, v_stab, v_mw0, v_mw1,
             sem_in0, sem_in1, sem_out):
    wid = lax.axis_index("s") * _NC + lax.axis_index("c")
    pltpu.sync_copy(stab_hbm, v_stab)

    iota = lax.iota(jnp.int32, 16)
    i3 = iota * 3

    bufs = (
        (v_x0, v_bp0, v_nz0, v_xn0, v_mask0, v_ns0, v_sig0, v_wt0, v_lcn0, v_mw0),
        (v_x1, v_bp1, v_nz1, v_xn1, v_mask1, v_ns1, v_sig1, v_wt1, v_lcn1, v_mw1),
    )
    sems_in = (sem_in0, sem_in1)
    in_handles = []
    for rr in range(_ROWS_PER_W):
        r = wid * _ROWS_PER_W + rr
        sem = sems_in[rr]
        b_x, b_bp, b_nz, b_xn, b_mask, b_ns, b_sig, b_wt, b_lcn, b_maskw = bufs[rr]
        in_handles.append([
            pltpu.async_copy(x_hbm.at[r], b_x, sem),
            pltpu.async_copy(basep_hbm.at[r], b_bp, sem),
            pltpu.async_copy(ns_hbm.at[r], b_ns, sem),
            pltpu.async_copy(mask_hbm.at[r], b_maskw, sem),
            pltpu.async_copy(lcn_hbm.at[r], b_lcn, sem),
        ])

    out_handles = []
    for rr in range(_ROWS_PER_W):
        r = wid * _ROWS_PER_W + rr
        for h in in_handles[rr]:
            h.wait()
        b_x, b_bp, b_nz, b_xn, b_mask, b_ns, b_sig, b_wt, b_lcn, b_maskw = bufs[rr]
        stab_v = plsc.load_gather(v_stab, [jnp.full((16,), r, jnp.int32)])

        @plsc.parallel_loop(0, _L // 64, unroll=2)
        def expand_mask(g, _i3=i3):
            w = b_maskw[pl.ds(g * 16, 16)]
            base_i = iota * 4 + g * 64
            for sbyte in range(4):
                keep = 1.0 - ((w >> (8 * sbyte)) & 1).astype(jnp.float32)
                plsc.store_scatter(b_mask, [base_i + sbyte], keep)

        z = jnp.zeros((16,), jnp.float32)

        @plsc.parallel_loop(0, _NT, unroll=4, carry=(z, z, z, z))
        def pass_a(t, carry):
            accn, ax, ay, az = carry
            o = t * 16
            k = b_mask[pl.ds(o, 16)]
            gx = b_bp[pl.ds(o, 16)]
            gy = b_bp[pl.ds(_L + o, 16)]
            gz = b_bp[pl.ds(2 * _L + o, 16)]
            return (accn + k, ax + k * gx, ay + k * gy, az + k * gz)

        accn, ax, ay, az = pass_a
        n_at = jnp.sum(accn)
        inv = (1.0 - stab_v) / jnp.maximum(jnp.broadcast_to(n_at, (16,)), 1.0)
        cx = jnp.broadcast_to(jnp.sum(ax), (16,)) * inv
        cy = jnp.broadcast_to(jnp.sum(ay), (16,)) * inv
        cz = jnp.broadcast_to(jnp.sum(az), (16,)) * inv

        @plsc.parallel_loop(0, _NT, unroll=4)
        def pass_b(t):
            o = t * 16
            k = b_mask[pl.ds(o, 16)]
            s = _SIGMA_DATA * jnp.exp(b_ns[pl.ds(o, 16)] * _P_STD + _P_MEAN)
            b_sig[pl.ds(o, 16)] = s
            b_wt[pl.ds(o, 16)] = 4.0 + 1.0 / (s * s)
            off = t * 48
            for c, cc in enumerate((cx, cy, cz)):
                idx = i3 + (off + c)
                nf = k * (b_bp[pl.ds(c * _L + o, 16)] - cc)
                plsc.store_scatter(b_nz, [idx], nf)
                xg = plsc.load_gather(b_x, [idx])
                plsc.store_scatter(b_xn, [idx], xg + s * nf)

        @pl.when(stab_v[0] > 0.5)
        def _():
            na_i = n_at.astype(jnp.int32)
            for chunk in range(2):
                i = iota + chunk * 16
                j = i // 3
                c = i - j * 3
                b2 = ((j >> 2) & 1).astype(jnp.float32) - 0.5
                b1 = ((j >> 1) & 1).astype(jnp.float32) - 0.5
                b0 = (j & 1).astype(jnp.float32) - 0.5
                g0 = plsc.load_gather(b_lcn, [c])
                d4 = plsc.load_gather(b_lcn, [c + 12]) - g0
                d2 = plsc.load_gather(b_lcn, [c + 6]) - g0
                d1 = plsc.load_gather(b_lcn, [c + 3]) - g0
                corner = b2 * d4 + b1 * d2 + b0 * d1
                lidx = jnp.minimum(na_i + j, _L - 1)
                tidx = lidx * 3 + c
                valid = i < 24
                plsc.store_scatter(b_nz, [tidx], corner, mask=valid)
                sg = plsc.load_gather(b_sig, [lidx])
                xg = plsc.load_gather(b_x, [tidx])
                plsc.store_scatter(b_xn, [tidx], xg + sg * corner, mask=valid)

        out_handles.extend([
            pltpu.async_copy(b_nz, nz_hbm.at[r], sem_out),
            pltpu.async_copy(b_xn, xn_hbm.at[r], sem_out),
            pltpu.async_copy(b_sig, sig_hbm.at[r], sem_out),
            pltpu.async_copy(b_wt, wt_hbm.at[r], sem_out),
        ])

    for h in out_handles:
        h.wait()


_f32 = jnp.float32
_R = _ROWS_PER_W
_sc_call = pl.kernel(
    _sc_body,
    out_type=(
        jax.ShapeDtypeStruct((_B, 3 * _L), _f32),
        jax.ShapeDtypeStruct((_B, 3 * _L), _f32),
        jax.ShapeDtypeStruct((_B, _L), _f32),
        jax.ShapeDtypeStruct((_B, _L), _f32),
    ),
    mesh=plsc.VectorSubcoreMesh(
        core_axis_name="c", subcore_axis_name="s",
        num_cores=_NC, num_subcores=_NS),
    compiler_params=pltpu.CompilerParams(
        needs_layout_passes=False, disable_bounds_checks=True),
    scratch_types=(
        [pltpu.VMEM((3 * _L,), _f32)] * 8
        + [pltpu.VMEM((_L,), _f32)] * 8
        + [pltpu.VMEM((32,), _f32)] * 2
        + [pltpu.VMEM((_B,), _f32)]
        + [pltpu.VMEM((_L // 4,), jnp.int32)] * 2
        + [pltpu.SemaphoreType.DMA] * 3
    ),
)



def _np_threefry2x32(k0, k1, x0, x1):
    k0 = np.uint32(k0); k1 = np.uint32(k1)
    ks = (k0, k1, np.uint32(k0 ^ k1 ^ np.uint32(0x1BD11BDA)))
    x0 = (x0 + ks[0]).astype(np.uint32)
    x1 = (x1 + ks[1]).astype(np.uint32)
    rots = ([13, 15, 26, 6], [17, 29, 16, 24])
    for i in range(5):
        for r in rots[i % 2]:
            x0 = (x0 + x1).astype(np.uint32)
            x1 = ((x1 << np.uint32(r)) | (x1 >> np.uint32(32 - r))).astype(np.uint32)
            x1 = (x1 ^ x0).astype(np.uint32)
        x0 = (x0 + ks[(i + 1) % 3]).astype(np.uint32)
        x1 = (x1 + ks[(i + 2) % 3] + np.uint32(i + 1)).astype(np.uint32)
    return x0, x1


def _np_random_bits(k0, k1, n):
    o0, o1 = _np_threefry2x32(
        k0, k1, np.zeros(n, np.uint32), np.arange(n, dtype=np.uint32))
    return (o0 ^ o1).astype(np.uint32)


def _np_erfinv_f32(x):
    x = x.astype(np.float32)
    w = (-np.log((np.float32(1.0) - x) * (np.float32(1.0) + x))).astype(np.float32)
    wa = (w - np.float32(2.5)).astype(np.float32)
    p = np.float32(2.81022636e-08)
    for c in (3.43273939e-07, -3.5233877e-06, -4.39150654e-06, 0.00021858087,
              -0.00125372503, -0.00417768164, 0.246640727, 1.50140941):
        p = (np.float32(c) + p * wa).astype(np.float32)
    pa = p
    wb = (np.sqrt(w) - np.float32(3.0)).astype(np.float32)
    p = np.float32(-0.000200214257)
    for c in (0.000100950558, 0.00134934322, -0.00367342844, 0.00573950773,
              -0.0076224613, 0.00943887047, 1.00167406, 2.83297682):
        p = (np.float32(c) + p * wb).astype(np.float32)
    pb = p
    return (np.where(w < np.float32(5.0), pa, pb) * x).astype(np.float32)


def _np_normal(k0, k1, shape):
    n = int(np.prod(shape))
    bits = _np_random_bits(k0, k1, n)
    fb = ((bits >> np.uint32(9)) | np.uint32(0x3F800000)).view(np.float32)
    floats = (fb - np.float32(1.0)).astype(np.float32)
    lo = np.float32(np.nextafter(np.float32(-1.0), np.float32(0.0)))
    u = np.maximum(lo, (floats * (np.float32(1.0) - lo) + lo).astype(np.float32))
    return (np.float32(np.sqrt(2.0)) * _np_erfinv_f32(u)).reshape(shape)


def _noise_consts(B, L):
    o0, o1 = _np_threefry2x32(
        np.uint32(0), np.uint32(42),
        np.zeros(2, np.uint32), np.arange(2, dtype=np.uint32))
    base = _np_normal(o0[0], o1[0], (B, L, 3)) * np.float32(_NOISE_STD)
    lcn = _np_normal(o0[1], o1[1], (B, 8, 3)) * np.float32(_NOISE_STD)
    base_planar = np.ascontiguousarray(
        base.transpose(0, 2, 1)).reshape(B, 3 * L)
    lcn_pad = np.zeros((B, 32), np.float32)
    lcn_pad[:, :24] = lcn.reshape(B, 24)
    return base_planar, lcn_pad


_BASE_PLANAR, _LCN_PAD = _noise_consts(_B, _L)


def kernel(x_start, noise_step, non_atom_mask, is_stable_periodic):
    B, L = x_start.shape[0], x_start.shape[1]
    base_planar, lcn_pad = _BASE_PLANAR, _LCN_PAD

    xn, nz, sig, wt = _sc_call(
        x_start.reshape(B, 3 * L),
        base_planar,
        noise_step,
        non_atom_mask.view(jnp.uint8).view(jnp.int32),
        lcn_pad,
        is_stable_periodic.astype(jnp.float32),
    )
    return (xn.reshape(B, L, 3), nz.reshape(B, L, 3),
            sig[..., None], wt[..., None])

# --- scband reference (transcript-rebuilt; emitter-appended) ---
"""Pipeline reference for scband-diff-noise-edm-70411693850918 (READ-ONLY COPY).

The authoritative reference and input builder live on the scoring server;
editing this copy changes nothing except your own understanding.
"""

import jax, jax.numpy as jnp
import numpy as np

NOISE_STD = 1.0
P_MEAN = -1.2
P_STD = 1.5
SIGMA_DATA = 0.5


def setup_inputs(seed: int = 0) -> dict:
    key = jax.random.key(seed)
    k1, k2, k3, k4 = jax.random.split(key, 4)
    B, L = 64, 1024
    x_start = jax.random.normal(k1, (B, L, 3), dtype=jnp.float32)
    noise_step = jax.random.normal(k2, (B, L), dtype=jnp.float32)
    non_atom_mask = jax.random.randint(k3, (B, L), 0, 2).astype(bool)
    is_stable_periodic = jax.random.randint(k4, (B,), 0, 2).astype(bool)
    return {
        "x_start": x_start,
        "noise_step": noise_step,
        "non_atom_mask": non_atom_mask,
        "is_stable_periodic": is_stable_periodic,
    }


def _get_noise(pos, non_atom_mask, is_stable_periodic):
    # deterministic stand-in for torch.Generator-based randn
    nkey = jax.random.key(42)
    ka, kb = jax.random.split(nkey)
    B, L, _ = pos.shape
    noise = jax.random.normal(ka, (B, L, 3), dtype=pos.dtype) * NOISE_STD
    noise = jnp.where(non_atom_mask[..., None], 0.0, noise)
    n_atoms = jnp.sum(~non_atom_mask, axis=-1)  # [B]
    noise_center = jnp.sum(noise, axis=1, keepdims=True) / n_atoms[:, None, None].astype(pos.dtype)
    # noise[~is_stable_periodic] -= noise_center[~is_stable_periodic]
    noise = jnp.where(is_stable_periodic[:, None, None], noise, noise - noise_center)
    noise = jnp.where(non_atom_mask[..., None], 0.0, noise)
    # lattice vector noise for stable periodic graphs (computed for full batch, masked at the end)
    lattice_corner_noise = jax.random.normal(kb, (B, 8, 3), dtype=pos.dtype) * NOISE_STD
    corner0 = lattice_corner_noise[:, 0, :]  # [B, 3]
    gidx = jnp.array([0, 4, 2, 1], dtype=jnp.int32)
    lattice_vector_noise = lattice_corner_noise[:, gidx, :][:, 1:, :] - corner0[:, None, :]  # [B, 3, 3]
    cell_matrix = jnp.array(
        [[0, 0, 0], [0, 0, 1], [0, 1, 0], [0, 1, 1], [1, 0, 0], [1, 0, 1], [1, 1, 0], [1, 1, 1]],
        dtype=pos.dtype,
    )  # [8, 3]
    corner_noise = jnp.matmul(cell_matrix, lattice_vector_noise) + corner0[:, None, :]  # [B, 8, 3]
    corner_noise_center = (corner_noise[:, 0, :] + corner_noise[:, -1, :]) / 2.0
    corner_noise = corner_noise - corner_noise_center[:, None, :]
    scatter_idx = jnp.arange(8)[None, :] + n_atoms[:, None]  # [B, 8]
    scatter_idx = jnp.clip(scatter_idx, 0, L - 1)
    bidx = jnp.arange(B)[:, None]
    updated = noise.at[bidx, scatter_idx].set(corner_noise)
    noise = jnp.where(is_stable_periodic[:, None, None], updated, noise)
    return noise


def reference(x_start, noise_step, non_atom_mask, is_stable_periodic):
    # sigma(rnd) = sigma_data * exp(rnd * P_std + P_mean), then unsqueeze(-1)
    sigma = SIGMA_DATA * jnp.exp(noise_step * P_STD + P_MEAN)  # [B, L]
    sigma = sigma[..., None]  # [B, L, 1]
    weight = (sigma ** 2 + SIGMA_DATA ** 2) / ((sigma * SIGMA_DATA) ** 2)
    noise = _get_noise(x_start, non_atom_mask, is_stable_periodic)
    n = sigma * noise
    x_noised = x_start + n
    return (x_noised, noise, sigma, weight)

if __name__ == "__main__":
    import jax
    _d = setup_inputs()
    print(jax.jit(kernel)(*tuple(_d.values())))

</pallas_src>

<mosaic_0001>
#map = affine_map<(d0, d1) -> (0, 0)>
#map1 = affine_map<(d0, d1) -> (0)>
module attributes {stable_mosaic.version = 14 : i64} {
  func.func @_sc_body(%arg0: i32, %arg1: i32, %arg2: memref<64x3072xf32, #tpu.memory_space<hbm>>, %arg3: memref<64x3072xf32, #tpu.memory_space<hbm>>, %arg4: memref<64x1024xf32, #tpu.memory_space<hbm>>, %arg5: memref<64x256xi32, #tpu.memory_space<hbm>>, %arg6: memref<64x32xf32, #tpu.memory_space<hbm>>, %arg7: memref<64xf32, #tpu.memory_space<hbm>>, %arg8: memref<64x3072xf32, #tpu.memory_space<hbm>>, %arg9: memref<64x3072xf32, #tpu.memory_space<hbm>>, %arg10: memref<64x1024xf32, #tpu.memory_space<hbm>>, %arg11: memref<64x1024xf32, #tpu.memory_space<hbm>>, %arg12: memref<3072xf32, #tpu.memory_space<vmem>>, %arg13: memref<3072xf32, #tpu.memory_space<vmem>>, %arg14: memref<3072xf32, #tpu.memory_space<vmem>>, %arg15: memref<3072xf32, #tpu.memory_space<vmem>>, %arg16: memref<3072xf32, #tpu.memory_space<vmem>>, %arg17: memref<3072xf32, #tpu.memory_space<vmem>>, %arg18: memref<3072xf32, #tpu.memory_space<vmem>>, %arg19: memref<3072xf32, #tpu.memory_space<vmem>>, %arg20: memref<1024xf32, #tpu.memory_space<vmem>>, %arg21: memref<1024xf32, #tpu.memory_space<vmem>>, %arg22: memref<1024xf32, #tpu.memory_space<vmem>>, %arg23: memref<1024xf32, #tpu.memory_space<vmem>>, %arg24: memref<1024xf32, #tpu.memory_space<vmem>>, %arg25: memref<1024xf32, #tpu.memory_space<vmem>>, %arg26: memref<1024xf32, #tpu.memory_space<vmem>>, %arg27: memref<1024xf32, #tpu.memory_space<vmem>>, %arg28: memref<32xf32, #tpu.memory_space<vmem>>, %arg29: memref<32xf32, #tpu.memory_space<vmem>>, %arg30: memref<64xf32, #tpu.memory_space<vmem>>, %arg31: memref<256xi32, #tpu.memory_space<vmem>>, %arg32: memref<256xi32, #tpu.memory_space<vmem>>, %arg33: memref<!tpu.dma_semaphore, #tpu.memory_space<semaphore_mem>>, %arg34: memref<!tpu.dma_semaphore, #tpu.memory_space<semaphore_mem>>, %arg35: memref<!tpu.dma_semaphore, #tpu.memory_space<semaphore_mem>>) attributes {dimension_semantics = [#tpu.dimension_semantics<core_parallel>, #tpu.dimension_semantics<subcore_parallel>], iteration_bounds = array<i64: 2, 16>, scalar_prefetch = 0 : i64, scratch_operands = 24 : i64, tpu.core_type = #tpu.core_type<sc_vector_subcore>, window_params = [{transform_indices = #map}, {transform_indices = #map}, {transform_indices = #map}, {transform_indices = #map}, {transform_indices = #map}, {transform_indices = #map1}, {transform_indices = #map}, {transform_indices = #map}, {transform_indices = #map}, {transform_indices = #map}]} {
    %mul3A = arith.constant 2 : i32
    %mul3A_0 = arith.muli %arg1, %mul3A : i32
    %add3A = arith.addi %mul3A_0, %arg0 : i32
    "tpu.region"() ({
      %run_scoped3A = tpu.sem_alloc : memref<!tpu.dma_semaphore, #tpu.memory_space<semaphore_mem>>
      tpu.enqueue_dma source(%arg7 : memref<64xf32, #tpu.memory_space<hbm>>) target(%arg30 : memref<64xf32, #tpu.memory_space<vmem>>) target_semaphore(%run_scoped3A : memref<!tpu.dma_semaphore, #tpu.memory_space<semaphore_mem>>)
      tpu.wait_dma2 semaphore(%run_scoped3A : memref<!tpu.dma_semaphore, #tpu.memory_space<semaphore_mem>>) src(%arg7 : memref<64xf32, #tpu.memory_space<hbm>>) dst(%arg30 : memref<64xf32, #tpu.memory_space<vmem>>)
      tpu.yield
    }) : () -> ()
    %iota3A = tpu.iota {dimensions = array<i32: 0>} : vector<16xi32>
    %mul3A_1 = arith.constant 3 : i32
    %mul3A_2 = vector.broadcast %mul3A_1 : i32 to vector<16xi32>
    %mul3A_3 = arith.muli %iota3A, %mul3A_2 : vector<16xi32>
    %mul3A_4 = arith.constant 2 : i32
    %mul3A_5 = arith.muli %add3A, %mul3A_4 : i32
    %add3A_6 = arith.constant 0 : i32
    %add3A_7 = arith.addi %mul3A_5, %add3A_6 : i32
    %dma_start3A = arith.constant 0 : i32
    %dma_start3A_8 = tpu.memref_slice %arg2[%add3A_7, %dma_start3A] : memref<64x3072xf32, #tpu.memory_space<hbm>> -> memref<1x3072xf32, #tpu.memory_space<hbm>>
    %dma_start3A_9 = tpu.memref_squeeze %dma_start3A_8 : memref<1x3072xf32, #tpu.memory_space<hbm>> -> memref<3072xf32, #tpu.memory_space<hbm>>
    %dma_start3A_10 = arith.constant 0 : i32
    %dma_start3A_11 = tpu.memref_slice %arg2[%add3A_7, %dma_start3A_10] : memref<64x3072xf32, #tpu.memory_space<hbm>> -> memref<1x3072xf32, #tpu.memory_space<hbm>>
    %dma_start3A_12 = tpu.memref_squeeze %dma_start3A_11 : memref<1x3072xf32, #tpu.memory_space<hbm>> -> memref<3072xf32, #tpu.memory_space<hbm>>
    tpu.enqueue_dma source(%dma_start3A_12 : memref<3072xf32, #tpu.memory_space<hbm>>) target(%arg12 : memref<3072xf32, #tpu.memory_space<vmem>>) target_semaphore(%arg33 : memref<!tpu.dma_semaphore, #tpu.memory_space<semaphore_mem>>)
    %dma_start3A_13 = arith.constant 0 : i32
    %dma_start3A_14 = tpu.memref_slice %arg3[%add3A_7, %dma_start3A_13] : memref<64x3072xf32, #tpu.memory_space<hbm>> -> memref<1x3072xf32, #tpu.memory_space<hbm>>
    %dma_start3A_15 = tpu.memref_squeeze %dma_start3A_14 : memref<1x3072xf32, #tpu.memory_space<hbm>> -> memref<3072xf32, #tpu.memory_space<hbm>>
    %dma_start3A_16 = arith.constant 0 : i32
    %dma_start3A_17 = tpu.memref_slice %arg3[%add3A_7, %dma_start3A_16] : memref<64x3072xf32, #tpu.memory_space<hbm>> -> memref<1x3072xf32, #tpu.memory_space<hbm>>
    %dma_start3A_18 = tpu.memref_squeeze %dma_start3A_17 : memref<1x3072xf32, #tpu.memory_space<hbm>> -> memref<3072xf32, #tpu.memory_space<hbm>>
    tpu.enqueue_dma source(%dma_start3A_18 : memref<3072xf32, #tpu.memory_space<hbm>>) target(%arg14 : memref<3072xf32, #tpu.memory_space<vmem>>) target_semaphore(%arg33 : memref<!tpu.dma_semaphore, #tpu.memory_space<semaphore_mem>>)
    %dma_start3A_19 = arith.constant 0 : i32
    %dma_start3A_20 = tpu.memref_slice %arg4[%add3A_7, %dma_start3A_19] : memref<64x1024xf32, #tpu.memory_space<hbm>> -> memref<1x1024xf32, #tpu.memory_space<hbm>>
    %dma_start3A_21 = tpu.memref_squeeze %dma_start3A_20 : memref<1x1024xf32, #tpu.memory_space<hbm>> -> memref<1024xf32, #tpu.memory_space<hbm>>
    %dma_start3A_22 = arith.constant 0 : i32
    %dma_start3A_23 = tpu.memref_slice %arg4[%add3A_7, %dma_start3A_22] : memref<64x1024xf32, #tpu.memory_space<hbm>> -> memref<1x1024xf32, #tpu.memory_space<hbm>>
    %dma_start3A_24 = tpu.memref_squeeze %dma_start3A_23 : memref<1x1024xf32, #tpu.memory_space<hbm>> -> memref<1024xf32, #tpu.memory_space<hbm>>
    tpu.enqueue_dma source(%dma_start3A_24 : memref<1024xf32, #tpu.memory_space<hbm>>) target(%arg22 : memref<1024xf32, #tpu.memory_space<vmem>>) target_semaphore(%arg33 : memref<!tpu.dma_semaphore, #tpu.memory_space<semaphore_mem>>)
    %dma_start3A_25 = arith.constant 0 : i32
    %dma_start3A_26 = tpu.memref_slice %arg5[%add3A_7, %dma_start3A_25] : memref<64x256xi32, #tpu.memory_space<hbm>> -> memref<1x256xi32, #tpu.memory_space<hbm>>
    %dma_start3A_27 = tpu.memref_squeeze %dma_start3A_26 : memref<1x256xi32, #tpu.memory_space<hbm>> -> memref<256xi32, #tpu.memory_space<hbm>>
    %dma_start3A_28 = arith.constant 0 : i32
    %dma_start3A_29 = tpu.memref_slice %arg5[%add3A_7, %dma_start3A_28] : memref<64x256xi32, #tpu.memory_space<hbm>> -> memref<1x256xi32, #tpu.memory_space<hbm>>
    %dma_start3A_30 = tpu.memref_squeeze %dma_start3A_29 : memref<1x256xi32, #tpu.memory_space<hbm>> -> memref<256xi32, #tpu.memory_space<hbm>>
    tpu.enqueue_dma source(%dma_start3A_30 : memref<256xi32, #tpu.memory_space<hbm>>) target(%arg31 : memref<256xi32, #tpu.memory_space<vmem>>) target_semaphore(%arg33 : memref<!tpu.dma_semaphore, #tpu.memory_space<semaphore_mem>>)
    %dma_start3A_31 = arith.constant 0 : i32
    %dma_start3A_32 = tpu.memref_slice %arg6[%add3A_7, %dma_start3A_31] : memref<64x32xf32, #tpu.memory_space<hbm>> -> memref<1x32xf32, #tpu.memory_space<hbm>>
    %dma_start3A_33 = tpu.memref_squeeze %dma_start3A_32 : memref<1x32xf32, #tpu.memory_space<hbm>> -> memref<32xf32, #tpu.memory_space<hbm>>
    %dma_start3A_34 = arith.constant 0 : i32
    %dma_start3A_35 = tpu.memref_slice %arg6[%add3A_7, %dma_start3A_34] : memref<64x32xf32, #tpu.memory_space<hbm>> -> memref<1x32xf32, #tpu.memory_space<hbm>>
    %dma_start3A_36 = tpu.memref_squeeze %dma_start3A_35 : memref<1x32xf32, #tpu.memory_space<hbm>> -> memref<32xf32, #tpu.memory_space<hbm>>
    tpu.enqueue_dma source(%dma_start3A_36 : memref<32xf32, #tpu.memory_space<hbm>>) target(%arg28 : memref<32xf32, #tpu.memory_space<vmem>>) target_semaphore(%arg33 : memref<!tpu.dma_semaphore, #tpu.memory_space<semaphore_mem>>)
    %mul3A_37 = arith.constant 2 : i32
    %mul3A_38 = arith.muli %add3A, %mul3A_37 : i32
    %add3A_39 = arith.constant 1 : i32
    %add3A_40 = arith.addi %mul3A_38, %add3A_39 : i32
    %dma_start3A_41 = arith.constant 0 : i32
    %dma_start3A_42 = tpu.memref_slice %arg2[%add3A_40, %dma_start3A_41] : memref<64x3072xf32, #tpu.memory_space<hbm>> -> memref<1x3072xf32, #tpu.memory_space<hbm>>
    %dma_start3A_43 = tpu.memref_squeeze %dma_start3A_42 : memref<1x3072xf32, #tpu.memory_space<hbm>> -> memref<3072xf32, #tpu.memory_space<hbm>>
    %dma_start3A_44 = arith.constant 0 : i32
    %dma_start3A_45 = tpu.memref_slice %arg2[%add3A_40, %dma_start3A_44] : memref<64x3072xf32, #tpu.memory_space<hbm>> -> memref<1x3072xf32, #tpu.memory_space<hbm>>
    %dma_start3A_46 = tpu.memref_squeeze %dma_start3A_45 : memref<1x3072xf32, #tpu.memory_space<hbm>> -> memref<3072xf32, #tpu.memory_space<hbm>>
    tpu.enqueue_dma source(%dma_start3A_46 : memref<3072xf32, #tpu.memory_space<hbm>>) target(%arg13 : memref<3072xf32, #tpu.memory_space<vmem>>) target_semaphore(%arg34 : memref<!tpu.dma_semaphore, #tpu.memory_space<semaphore_mem>>)
    %dma_start3A_47 = arith.constant 0 : i32
    %dma_start3A_48 = tpu.memref_slice %arg3[%add3A_40, %dma_start3A_47] : memref<64x3072xf32, #tpu.memory_space<hbm>> -> memref<1x3072xf32, #tpu.memory_space<hbm>>
    %dma_start3A_49 = tpu.memref_squeeze %dma_start3A_48 : memref<1x3072xf32, #tpu.memory_space<hbm>> -> memref<3072xf32, #tpu.memory_space<hbm>>
    %dma_start3A_50 = arith.constant 0 : i32
    %dma_start3A_51 = tpu.memref_slice %arg3[%add3A_40, %dma_start3A_50] : memref<64x3072xf32, #tpu.memory_space<hbm>> -> memref<1x3072xf32, #tpu.memory_space<hbm>>
    %dma_start3A_52 = tpu.memref_squeeze %dma_start3A_51 : memref<1x3072xf32, #tpu.memory_space<hbm>> -> memref<3072xf32, #tpu.memory_space<hbm>>
    tpu.enqueue_dma source(%dma_start3A_52 : memref<3072xf32, #tpu.memory_space<hbm>>) target(%arg15 : memref<3072xf32, #tpu.memory_space<vmem>>) target_semaphore(%arg34 : memref<!tpu.dma_semaphore, #tpu.memory_space<semaphore_mem>>)
    %dma_start3A_53 = arith.constant 0 : i32
    %dma_start3A_54 = tpu.memref_slice %arg4[%add3A_40, %dma_start3A_53] : memref<64x1024xf32, #tpu.memory_space<hbm>> -> memref<1x1024xf32, #tpu.memory_space<hbm>>
    %dma_start3A_55 = tpu.memref_squeeze %dma_start3A_54 : memref<1x1024xf32, #tpu.memory_space<hbm>> -> memref<1024xf32, #tpu.memory_space<hbm>>
    %dma_start3A_56 = arith.constant 0 : i32
    %dma_start3A_57 = tpu.memref_slice %arg4[%add3A_40, %dma_start3A_56] : memref<64x1024xf32, #tpu.memory_space<hbm>> -> memref<1x1024xf32, #tpu.memory_space<hbm>>
    %dma_start3A_58 = tpu.memref_squeeze %dma_start3A_57 : memref<1x1024xf32, #tpu.memory_space<hbm>> -> memref<1024xf32, #tpu.memory_space<hbm>>
    tpu.enqueue_dma source(%dma_start3A_58 : memref<1024xf32, #tpu.memory_space<hbm>>) target(%arg23 : memref<1024xf32, #tpu.memory_space<vmem>>) target_semaphore(%arg34 : memref<!tpu.dma_semaphore, #tpu.memory_space<semaphore_mem>>)
    %dma_start3A_59 = arith.constant 0 : i32
    %dma_start3A_60 = tpu.memref_slice %arg5[%add3A_40, %dma_start3A_59] : memref<64x256xi32, #tpu.memory_space<hbm>> -> memref<1x256xi32, #tpu.memory_space<hbm>>
    %dma_start3A_61 = tpu.memref_squeeze %dma_start3A_60 : memref<1x256xi32, #tpu.memory_space<hbm>> -> memref<256xi32, #tpu.memory_space<hbm>>
    %dma_start3A_62 = arith.constant 0 : i32
    %dma_start3A_63 = tpu.memref_slice %arg5[%add3A_40, %dma_start3A_62] : memref<64x256xi32, #tpu.memory_space<hbm>> -> memref<1x256xi32, #tpu.memory_space<hbm>>
    %dma_start3A_64 = tpu.memref_squeeze %dma_start3A_63 : memref<1x256xi32, #tpu.memory_space<hbm>> -> memref<256xi32, #tpu.memory_space<hbm>>
    tpu.enqueue_dma source(%dma_start3A_64 : memref<256xi32, #tpu.memory_space<hbm>>) target(%arg32 : memref<256xi32, #tpu.memory_space<vmem>>) target_semaphore(%arg34 : memref<!tpu.dma_semaphore, #tpu.memory_space<semaphore_mem>>)
    %dma_start3A_65 = arith.constant 0 : i32
    %dma_start3A_66 = tpu.memref_slice %arg6[%add3A_40, %dma_start3A_65] : memref<64x32xf32, #tpu.memory_space<hbm>> -> memref<1x32xf32, #tpu.memory_space<hbm>>
    %dma_start3A_67 = tpu.memref_squeeze %dma_start3A_66 : memref<1x32xf32, #tpu.memory_space<hbm>> -> memref<32xf32, #tpu.memory_space<hbm>>
    %dma_start3A_68 = arith.constant 0 : i32
    %dma_start3A_69 = tpu.memref_slice %arg6[%add3A_40, %dma_start3A_68] : memref<64x32xf32, #tpu.memory_space<hbm>> -> memref<1x32xf32, #tpu.memory_space<hbm>>
    %dma_start3A_70 = tpu.memref_squeeze %dma_start3A_69 : memref<1x32xf32, #tpu.memory_space<hbm>> -> memref<32xf32, #tpu.memory_space<hbm>>
    tpu.enqueue_dma source(%dma_start3A_70 : memref<32xf32, #tpu.memory_space<hbm>>) target(%arg29 : memref<32xf32, #tpu.memory_space<vmem>>) target_semaphore(%arg34 : memref<!tpu.dma_semaphore, #tpu.memory_space<semaphore_mem>>)
    %mul3A_71 = arith.constant 2 : i32
    %mul3A_72 = arith.muli %add3A, %mul3A_71 : i32
    %add3A_73 = arith.constant 0 : i32
    %add3A_74 = arith.addi %mul3A_72, %add3A_73 : i32
    %dma_wait3A = arith.constant 0 : i32
    %dma_wait3A_75 = tpu.memref_slice %arg2[%add3A_7, %dma_wait3A] : memref<64x3072xf32, #tpu.memory_space<hbm>> -> memref<1x3072xf32, #tpu.memory_space<hbm>>
    %dma_wait3A_76 = tpu.memref_squeeze %dma_wait3A_75 : memref<1x3072xf32, #tpu.memory_space<hbm>> -> memref<3072xf32, #tpu.memory_space<hbm>>
    %dma_wait3A_77 = arith.constant 0 : i32
    %dma_wait3A_78 = tpu.memref_slice %arg2[%add3A_7, %dma_wait3A_77] : memref<64x3072xf32, #tpu.memory_space<hbm>> -> memref<1x3072xf32, #tpu.memory_space<hbm>>
    %dma_wait3A_79 = tpu.memref_squeeze %dma_wait3A_78 : memref<1x3072xf32, #tpu.memory_space<hbm>> -> memref<3072xf32, #tpu.memory_space<hbm>>
    tpu.wait_dma2 semaphore(%arg33 : memref<!tpu.dma_semaphore, #tpu.memory_space<semaphore_mem>>) src(%dma_wait3A_79 : memref<3072xf32, #tpu.memory_space<hbm>>) dst(%arg12 : memref<3072xf32, #tpu.memory_space<vmem>>)
    %dma_wait3A_80 = arith.constant 0 : i32
    %dma_wait3A_81 = tpu.memref_slice %arg3[%add3A_7, %dma_wait3A_80] : memref<64x3072xf32, #tpu.memory_space<hbm>> -> memref<1x3072xf32, #tpu.memory_space<hbm>>
    %dma_wait3A_82 = tpu.memref_squeeze %dma_wait3A_81 : memref<1x3072xf32, #tpu.memory_space<hbm>> -> memref<3072xf32, #tpu.memory_space<hbm>>
    %dma_wait3A_83 = arith.constant 0 : i32
    %dma_wait3A_84 = tpu.memref_slice %arg3[%add3A_7, %dma_wait3A_83] : memref<64x3072xf32, #tpu.memory_space<hbm>> -> memref<1x3072xf32, #tpu.memory_space<hbm>>
    %dma_wait3A_85 = tpu.memref_squeeze %dma_wait3A_84 : memref<1x3072xf32, #tpu.memory_space<hbm>> -> memref<3072xf32, #tpu.memory_space<hbm>>
    tpu.wait_dma2 semaphore(%arg33 : memref<!tpu.dma_semaphore, #tpu.memory_space<semaphore_mem>>) src(%dma_wait3A_85 : memref<3072xf32, #tpu.memory_space<hbm>>) dst(%arg14 : memref<3072xf32, #tpu.memory_space<vmem>>)
    %dma_wait3A_86 = arith.constant 0 : i32
    %dma_wait3A_87 = tpu.memref_slice %arg4[%add3A_7, %dma_wait3A_86] : memref<64x1024xf32, #tpu.memory_space<hbm>> -> memref<1x1024xf32, #tpu.memory_space<hbm>>
    %dma_wait3A_88 = tpu.memref_squeeze %dma_wait3A_87 : memref<1x1024xf32, #tpu.memory_space<hbm>> -> memref<1024xf32, #tpu.memory_space<hbm>>
    %dma_wait3A_89 = arith.constant 0 : i32
    %dma_wait3A_90 = tpu.memref_slice %arg4[%add3A_7, %dma_wait3A_89] : memref<64x1024xf32, #tpu.memory_space<hbm>> -> memref<1x1024xf32, #tpu.memory_space<hbm>>
    %dma_wait3A_91 = tpu.memref_squeeze %dma_wait3A_90 : memref<1x1024xf32, #tpu.memory_space<hbm>> -> memref<1024xf32, #tpu.memory_space<hbm>>
    tpu.wait_dma2 semaphore(%arg33 : memref<!tpu.dma_semaphore, #tpu.memory_space<semaphore_mem>>) src(%dma_wait3A_91 : memref<1024xf32, #tpu.memory_space<hbm>>) dst(%arg22 : memref<1024xf32, #tpu.memory_space<vmem>>)
    %dma_wait3A_92 = arith.constant 0 : i32
    %dma_wait3A_93 = tpu.memref_slice %arg5[%add3A_7, %dma_wait3A_92] : memref<64x256xi32, #tpu.memory_space<hbm>> -> memref<1x256xi32, #tpu.memory_space<hbm>>
    %dma_wait3A_94 = tpu.memref_squeeze %dma_wait3A_93 : memref<1x256xi32, #tpu.memory_space<hbm>> -> memref<256xi32, #tpu.memory_space<hbm>>
    %dma_wait3A_95 = arith.constant 0 : i32
    %dma_wait3A_96 = tpu.memref_slice %arg5[%add3A_7, %dma_wait3A_95] : memref<64x256xi32, #tpu.memory_space<hbm>> -> memref<1x256xi32, #tpu.memory_space<hbm>>
    %dma_wait3A_97 = tpu.memref_squeeze %dma_wait3A_96 : memref<1x256xi32, #tpu.memory_space<hbm>> -> memref<256xi32, #tpu.memory_space<hbm>>
    tpu.wait_dma2 semaphore(%arg33 : memref<!tpu.dma_semaphore, #tpu.memory_space<semaphore_mem>>) src(%dma_wait3A_97 : memref<256xi32, #tpu.memory_space<hbm>>) dst(%arg31 : memref<256xi32, #tpu.memory_space<vmem>>)
    %dma_wait3A_98 = arith.constant 0 : i32
    %dma_wait3A_99 = tpu.memref_slice %arg6[%add3A_7, %dma_wait3A_98] : memref<64x32xf32, #tpu.memory_space<hbm>> -> memref<1x32xf32, #tpu.memory_space<hbm>>
    %dma_wait3A_100 = tpu.memref_squeeze %dma_wait3A_99 : memref<1x32xf32, #tpu.memory_space<hbm>> -> memref<32xf32, #tpu.memory_space<hbm>>
    %dma_wait3A_101 = arith.constant 0 : i32
    %dma_wait3A_102 = tpu.memref_slice %arg6[%add3A_7, %dma_wait3A_101] : memref<64x32xf32, #tpu.memory_space<hbm>> -> memref<1x32xf32, #tpu.memory_space<hbm>>
    %dma_wait3A_103 = tpu.memref_squeeze %dma_wait3A_102 : memref<1x32xf32, #tpu.memory_space<hbm>> -> memref<32xf32, #tpu.memory_space<hbm>>
    tpu.wait_dma2 semaphore(%arg33 : memref<!tpu.dma_semaphore, #tpu.memory_space<semaphore_mem>>) src(%dma_wait3A_103 : memref<32xf32, #tpu.memory_space<hbm>>) dst(%arg28 : memref<32xf32, #tpu.memory_space<vmem>>)
    %broadcast_in_dim3A = vector.broadcast %add3A_74 : i32 to vector<16xi32>
    %gather3A = tpu.vector_load_idx %arg30[%broadcast_in_dim3A] : memref<64xf32, #tpu.memory_space<vmem>>[vector<16xi32>], vector<16xf32>,
    %parallel_loop3A = arith.constant 0 : i32
    %parallel_loop3A_104 = arith.constant 16 : i32
    %parallel_loop3A_105 = arith.constant 1 : i32
    scf.for %parallel_loop3A_324 = %parallel_loop3A to %parallel_loop3A_104 step %parallel_loop3A_105  : i32 {
      %parallel_loop3A_325 = arith.constant 16 : i32
      %parallel_loop3A_326 = arith.muli %parallel_loop3A_324, %parallel_loop3A_325 : i32
      %parallel_loop3A_327 = arith.index_cast %parallel_loop3A_326 : i32 to index
      %parallel_loop3A_328 = tpu.vector_load %arg31[%parallel_loop3A_327] {strides = array<i32>} : memref<256xi32, #tpu.memory_space<vmem>>, vector<16xi32>,
      %parallel_loop3A_329 = arith.constant 4 : i32
      %parallel_loop3A_330 = vector.broadcast %parallel_loop3A_329 : i32 to vector<16xi32>
      %parallel_loop3A_331 = arith.muli %iota3A, %parallel_loop3A_330 : vector<16xi32>
      %parallel_loop3A_332 = arith.constant 64 : i32
      %parallel_loop3A_333 = arith.muli %parallel_loop3A_324, %parallel_loop3A_332 : i32
      %parallel_loop3A_334 = vector.broadcast %parallel_loop3A_333 : i32 to vector<16xi32>
      %parallel_loop3A_335 = arith.addi %parallel_loop3A_331, %parallel_loop3A_334 : vector<16xi32>
      %parallel_loop3A_336 = arith.constant 0 : i32
      %parallel_loop3A_337 = vector.broadcast %parallel_loop3A_336 : i32 to vector<16xi32>
      %parallel_loop3A_338 = arith.shrsi %parallel_loop3A_328, %parallel_loop3A_337 : vector<16xi32>
      %parallel_loop3A_339 = arith.constant 1 : i32
      %parallel_loop3A_340 = vector.broadcast %parallel_loop3A_339 : i32 to vector<16xi32>
      %parallel_loop3A_341 = arith.andi %parallel_loop3A_338, %parallel_loop3A_340 : vector<16xi32>
      %parallel_loop3A_342 = arith.sitofp %parallel_loop3A_341 : vector<16xi32> to vector<16xf32>
      %parallel_loop3A_343 = arith.constant 1.000000e+00 : f32
      %parallel_loop3A_344 = vector.broadcast %parallel_loop3A_343 : f32 to vector<16xf32>
      %parallel_loop3A_345 = arith.subf %parallel_loop3A_344, %parallel_loop3A_342 : vector<16xf32>
      %parallel_loop3A_346 = arith.constant 0 : i32
      %parallel_loop3A_347 = vector.broadcast %parallel_loop3A_346 : i32 to vector<16xi32>
      %parallel_loop3A_348 = arith.addi %parallel_loop3A_335, %parallel_loop3A_347 : vector<16xi32>
      tpu.vector_store_idx %arg20[%parallel_loop3A_348], %parallel_loop3A_345 : memref<1024xf32, #tpu.memory_space<vmem>>[vector<16xi32>], vector<16xf32>,
      %parallel_loop3A_349 = arith.constant 8 : i32
      %parallel_loop3A_350 = vector.broadcast %parallel_loop3A_349 : i32 to vector<16xi32>
      %parallel_loop3A_351 = arith.shrsi %parallel_loop3A_328, %parallel_loop3A_350 : vector<16xi32>
      %parallel_loop3A_352 = arith.constant 1 : i32
      %parallel_loop3A_353 = vector.broadcast %parallel_loop3A_352 : i32 to vector<16xi32>
      %parallel_loop3A_354 = arith.andi %parallel_loop3A_351, %parallel_loop3A_353 : vector<16xi32>
      %parallel_loop3A_355 = arith.sitofp %parallel_loop3A_354 : vector<16xi32> to vector<16xf32>
      %parallel_loop3A_356 = arith.constant 1.000000e+00 : f32
      %parallel_loop3A_357 = vector.broadcast %parallel_loop3A_356 : f32 to vector<16xf32>
      %parallel_loop3A_358 = arith.subf %parallel_loop3A_357, %parallel_loop3A_355 : vector<16xf32>
      %parallel_loop3A_359 = arith.constant 1 : i32
      %parallel_loop3A_360 = vector.broadcast %parallel_loop3A_359 : i32 to vector<16xi32>
      %parallel_loop3A_361 = arith.addi %parallel_loop3A_335, %parallel_loop3A_360 : vector<16xi32>
      tpu.vector_store_idx %arg20[%parallel_loop3A_361], %parallel_loop3A_358 : memref<1024xf32, #tpu.memory_space<vmem>>[vector<16xi32>], vector<16xf32>,
      %parallel_loop3A_362 = arith.constant 16 : i32
      %parallel_loop3A_363 = vector.broadcast %parallel_loop3A_362 : i32 to vector<16xi32>
      %parallel_loop3A_364 = arith.shrsi %parallel_loop3A_328, %parallel_loop3A_363 : vector<16xi32>
      %parallel_loop3A_365 = arith.constant 1 : i32
      %parallel_loop3A_366 = vector.broadcast %parallel_loop3A_365 : i32 to vector<16xi32>
      %parallel_loop3A_367 = arith.andi %parallel_loop3A_364, %parallel_loop3A_366 : vector<16xi32>
      %parallel_loop3A_368 = arith.sitofp %parallel_loop3A_367 : vector<16xi32> to vector<16xf32>
      %parallel_loop3A_369 = arith.constant 1.000000e+00 : f32
      %parallel_loop3A_370 = vector.broadcast %parallel_loop3A_369 : f32 to vector<16xf32>
      %parallel_loop3A_371 = arith.subf %parallel_loop3A_370, %parallel_loop3A_368 : vector<16xf32>
      %parallel_loop3A_372 = arith.constant 2 : i32
      %parallel_loop3A_373 = vector.broadcast %parallel_loop3A_372 : i32 to vector<16xi32>
      %parallel_loop3A_374 = arith.addi %parallel_loop3A_335, %parallel_loop3A_373 : vector<16xi32>
      tpu.vector_store_idx %arg20[%parallel_loop3A_374], %parallel_loop3A_371 : memref<1024xf32, #tpu.memory_space<vmem>>[vector<16xi32>], vector<16xf32>,
      %parallel_loop3A_375 = arith.constant 24 : i32
      %parallel_loop3A_376 = vector.broadcast %parallel_loop3A_375 : i32 to vector<16xi32>
      %parallel_loop3A_377 = arith.shrsi %parallel_loop3A_328, %parallel_loop3A_376 : vector<16xi32>
      %parallel_loop3A_378 = arith.constant 1 : i32
      %parallel_loop3A_379 = vector.broadcast %parallel_loop3A_378 : i32 to vector<16xi32>
      %parallel_loop3A_380 = arith.andi %parallel_loop3A_377, %parallel_loop3A_379 : vector<16xi32>
      %parallel_loop3A_381 = arith.sitofp %parallel_loop3A_380 : vector<16xi32> to vector<16xf32>
      %parallel_loop3A_382 = arith.constant 1.000000e+00 : f32
      %parallel_loop3A_383 = vector.broadcast %parallel_loop3A_382 : f32 to vector<16xf32>
      %parallel_loop3A_384 = arith.subf %parallel_loop3A_383, %parallel_loop3A_381 : vector<16xf32>
      %parallel_loop3A_385 = arith.constant 3 : i32
      %parallel_loop3A_386 = vector.broadcast %parallel_loop3A_385 : i32 to vector<16xi32>
      %parallel_loop3A_387 = arith.addi %parallel_loop3A_335, %parallel_loop3A_386 : vector<16xi32>
      tpu.vector_store_idx %arg20[%parallel_loop3A_387], %parallel_loop3A_384 : memref<1024xf32, #tpu.memory_space<vmem>>[vector<16xi32>], vector<16xf32>,
    } {sc.loop_unroll_factor = 2 : i64, sc.parallel_access}
    %broadcast_in_dim3A_106 = arith.constant 0.000000e+00 : f32
    %broadcast_in_dim3A_107 = vector.broadcast %broadcast_in_dim3A_106 : f32 to vector<16xf32>
    %parallel_loop3A_108 = arith.constant 0 : i32
    %parallel_loop3A_109 = arith.constant 64 : i32
    %parallel_loop3A_110 = arith.constant 1 : i32
    %parallel_loop3A_111:4 = scf.for %parallel_loop3A_324 = %parallel_loop3A_108 to %parallel_loop3A_109 step %parallel_loop3A_110 iter_args(%parallel_loop3A_325 = %broadcast_in_dim3A_107, %parallel_loop3A_326 = %broadcast_in_dim3A_107, %parallel_loop3A_327 = %broadcast_in_dim3A_107, %parallel_loop3A_328 = %broadcast_in_dim3A_107) -> (vector<16xf32>, vector<16xf32>, vector<16xf32>, vector<16xf32>)  : i32 {
      %parallel_loop3A_329 = arith.constant 16 : i32
      %parallel_loop3A_330 = arith.muli %parallel_loop3A_324, %parallel_loop3A_329 : i32
      %parallel_loop3A_331 = arith.index_cast %parallel_loop3A_330 : i32 to index
      %parallel_loop3A_332 = tpu.vector_load %arg20[%parallel_loop3A_331] {strides = array<i32>} : memref<1024xf32, #tpu.memory_space<vmem>>, vector<16xf32>,
      %parallel_loop3A_333 = arith.index_cast %parallel_loop3A_330 : i32 to index
      %parallel_loop3A_334 = tpu.vector_load %arg14[%parallel_loop3A_333] {strides = array<i32>} : memref<3072xf32, #tpu.memory_space<vmem>>, vector<16xf32>,
      %parallel_loop3A_335 = arith.constant 1024 : i32
      %parallel_loop3A_336 = arith.addi %parallel_loop3A_335, %parallel_loop3A_330 : i32
      %parallel_loop3A_337 = arith.index_cast %parallel_loop3A_336 : i32 to index
      %parallel_loop3A_338 = tpu.vector_load %arg14[%parallel_loop3A_337] {strides = array<i32>} : memref<3072xf32, #tpu.memory_space<vmem>>, vector<16xf32>,
      %parallel_loop3A_339 = arith.constant 2048 : i32
      %parallel_loop3A_340 = arith.addi %parallel_loop3A_339, %parallel_loop3A_330 : i32
      %parallel_loop3A_341 = arith.index_cast %parallel_loop3A_340 : i32 to index
      %parallel_loop3A_342 = tpu.vector_load %arg14[%parallel_loop3A_341] {strides = array<i32>} : memref<3072xf32, #tpu.memory_space<vmem>>, vector<16xf32>,
      %parallel_loop3A_343 = arith.addf %parallel_loop3A_325, %parallel_loop3A_332 : vector<16xf32>
      %parallel_loop3A_344 = arith.mulf %parallel_loop3A_332, %parallel_loop3A_334 : vector<16xf32>
      %parallel_loop3A_345 = arith.addf %parallel_loop3A_326, %parallel_loop3A_344 : vector<16xf32>
      %parallel_loop3A_346 = arith.mulf %parallel_loop3A_332, %parallel_loop3A_338 : vector<16xf32>
      %parallel_loop3A_347 = arith.addf %parallel_loop3A_327, %parallel_loop3A_346 : vector<16xf32>
      %parallel_loop3A_348 = arith.mulf %parallel_loop3A_332, %parallel_loop3A_342 : vector<16xf32>
      %parallel_loop3A_349 = arith.addf %parallel_loop3A_328, %parallel_loop3A_348 : vector<16xf32>
      scf.yield %parallel_loop3A_343, %parallel_loop3A_345, %parallel_loop3A_347, %parallel_loop3A_349 : vector<16xf32>, vector<16xf32>, vector<16xf32>, vector<16xf32>
    } {sc.loop_unroll_factor = 4 : i64, sc.parallel_access}
    %reduce_sum3A = arith.constant true
    %reduce_sum3A_112 = vector.broadcast %reduce_sum3A : i1 to vector<16xi1>
    %reduce_sum3A_113 = tpu.scan <sum>, %parallel_loop3A_111#0 masked %reduce_sum3A_112 : vector<16xf32>, vector<16xi1> -> vector<16xf32>
    %reduce_sum3A_114 = vector.extract %reduce_sum3A_113[15] : f32 from vector<16xf32>
    %sub3A = arith.constant 1.000000e+00 : f32
    %sub3A_115 = vector.broadcast %sub3A : f32 to vector<16xf32>
    %sub3A_116 = arith.subf %sub3A_115, %gather3A : vector<16xf32>
    %broadcast_in_dim3A_117 = vector.broadcast %reduce_sum3A_114 : f32 to vector<16xf32>
    %max3A = arith.constant 1.000000e+00 : f32
    %max3A_118 = vector.broadcast %max3A : f32 to vector<16xf32>
    %max3A_119 = arith.maximumf %broadcast_in_dim3A_117, %max3A_118 : vector<16xf32>
    %div3A = arith.divf %sub3A_116, %max3A_119 : vector<16xf32>
    %reduce_sum3A_120 = arith.constant true
    %reduce_sum3A_121 = vector.broadcast %reduce_sum3A_120 : i1 to vector<16xi1>
    %reduce_sum3A_122 = tpu.scan <sum>, %parallel_loop3A_111#1 masked %reduce_sum3A_121 : vector<16xf32>, vector<16xi1> -> vector<16xf32>
    %reduce_sum3A_123 = vector.extract %reduce_sum3A_122[15] : f32 from vector<16xf32>
    %broadcast_in_dim3A_124 = vector.broadcast %reduce_sum3A_123 : f32 to vector<16xf32>
    %mul3A_125 = arith.mulf %broadcast_in_dim3A_124, %div3A : vector<16xf32>
    %reduce_sum3A_126 = arith.constant true
    %reduce_sum3A_127 = vector.broadcast %reduce_sum3A_126 : i1 to vector<16xi1>
    %reduce_sum3A_128 = tpu.scan <sum>, %parallel_loop3A_111#2 masked %reduce_sum3A_127 : vector<16xf32>, vector<16xi1> -> vector<16xf32>
    %reduce_sum3A_129 = vector.extract %reduce_sum3A_128[15] : f32 from vector<16xf32>
    %broadcast_in_dim3A_130 = vector.broadcast %reduce_sum3A_129 : f32 to vector<16xf32>
    %mul3A_131 = arith.mulf %broadcast_in_dim3A_130, %div3A : vector<16xf32>
    %reduce_sum3A_132 = arith.constant true
    %reduce_sum3A_133 = vector.broadcast %reduce_sum3A_132 : i1 to vector<16xi1>
    %reduce_sum3A_134 = tpu.scan <sum>, %parallel_loop3A_111#3 masked %reduce_sum3A_133 : vector<16xf32>, vector<16xi1> -> vector<16xf32>
    %reduce_sum3A_135 = vector.extract %reduce_sum3A_134[15] : f32 from vector<16xf32>
    %broadcast_in_dim3A_136 = vector.broadcast %reduce_sum3A_135 : f32 to vector<16xf32>
    %mul3A_137 = arith.mulf %broadcast_in_dim3A_136, %div3A : vector<16xf32>
    %parallel_loop3A_138 = arith.constant 0 : i32
    %parallel_loop3A_139 = arith.constant 64 : i32
    %parallel_loop3A_140 = arith.constant 1 : i32
    scf.for %parallel_loop3A_324 = %parallel_loop3A_138 to %parallel_loop3A_139 step %parallel_loop3A_140  : i32 {
      %parallel_loop3A_325 = arith.constant 16 : i32
      %parallel_loop3A_326 = arith.muli %parallel_loop3A_324, %parallel_loop3A_325 : i32
      %parallel_loop3A_327 = arith.index_cast %parallel_loop3A_326 : i32 to index
      %parallel_loop3A_328 = tpu.vector_load %arg20[%parallel_loop3A_327] {strides = array<i32>} : memref<1024xf32, #tpu.memory_space<vmem>>, vector<16xf32>,
      %parallel_loop3A_329 = arith.index_cast %parallel_loop3A_326 : i32 to index
      %parallel_loop3A_330 = tpu.vector_load %arg22[%parallel_loop3A_329] {strides = array<i32>} : memref<1024xf32, #tpu.memory_space<vmem>>, vector<16xf32>,
      %parallel_loop3A_331 = arith.constant 1.500000e+00 : f32
      %parallel_loop3A_332 = vector.broadcast %parallel_loop3A_331 : f32 to vector<16xf32>
      %parallel_loop3A_333 = arith.mulf %parallel_loop3A_330, %parallel_loop3A_332 : vector<16xf32>
      %parallel_loop3A_334 = arith.constant -1.200000e+00 : f32
      %parallel_loop3A_335 = vector.broadcast %parallel_loop3A_334 : f32 to vector<16xf32>
      %parallel_loop3A_336 = arith.addf %parallel_loop3A_333, %parallel_loop3A_335 : vector<16xf32>
      %parallel_loop3A_337 = math.exp %parallel_loop3A_336 : vector<16xf32>
      %parallel_loop3A_338 = arith.constant 5.000000e-01 : f32
      %parallel_loop3A_339 = vector.broadcast %parallel_loop3A_338 : f32 to vector<16xf32>
      %parallel_loop3A_340 = arith.mulf %parallel_loop3A_339, %parallel_loop3A_337 : vector<16xf32>
      %parallel_loop3A_341 = arith.index_cast %parallel_loop3A_326 : i32 to index
      %parallel_loop3A_342 = tpu.vector_load %arg24[%parallel_loop3A_341] {strides = array<i32>} : memref<1024xf32, #tpu.memory_space<vmem>>, vector<16xf32>,
      tpu.vector_store %arg24[%parallel_loop3A_341], %parallel_loop3A_340 {strides = array<i32>} : memref<1024xf32, #tpu.memory_space<vmem>>, vector<16xf32>,
      %parallel_loop3A_343 = arith.mulf %parallel_loop3A_340, %parallel_loop3A_340 : vector<16xf32>
      %parallel_loop3A_344 = arith.constant 1.000000e+00 : f32
      %parallel_loop3A_345 = vector.broadcast %parallel_loop3A_344 : f32 to vector<16xf32>
      %parallel_loop3A_346 = arith.divf %parallel_loop3A_345, %parallel_loop3A_343 : vector<16xf32>
      %parallel_loop3A_347 = arith.constant 4.000000e+00 : f32
      %parallel_loop3A_348 = vector.broadcast %parallel_loop3A_347 : f32 to vector<16xf32>
      %parallel_loop3A_349 = arith.addf %parallel_loop3A_348, %parallel_loop3A_346 : vector<16xf32>
      %parallel_loop3A_350 = arith.index_cast %parallel_loop3A_326 : i32 to index
      %parallel_loop3A_351 = tpu.vector_load %arg26[%parallel_loop3A_350] {strides = array<i32>} : memref<1024xf32, #tpu.memory_space<vmem>>, vector<16xf32>,
      tpu.vector_store %arg26[%parallel_loop3A_350], %parallel_loop3A_349 {strides = array<i32>} : memref<1024xf32, #tpu.memory_space<vmem>>, vector<16xf32>,
      %parallel_loop3A_352 = arith.constant 48 : i32
      %parallel_loop3A_353 = arith.muli %parallel_loop3A_324, %parallel_loop3A_352 : i32
      %parallel_loop3A_354 = arith.constant 0 : i32
      %parallel_loop3A_355 = arith.addi %parallel_loop3A_353, %parallel_loop3A_354 : i32
      %parallel_loop3A_356 = vector.broadcast %parallel_loop3A_355 : i32 to vector<16xi32>
      %parallel_loop3A_357 = arith.addi %mul3A_3, %parallel_loop3A_356 : vector<16xi32>
      %parallel_loop3A_358 = arith.constant 0 : i32
      %parallel_loop3A_359 = arith.addi %parallel_loop3A_358, %parallel_loop3A_326 : i32
      %parallel_loop3A_360 = arith.index_cast %parallel_loop3A_359 : i32 to index
      %parallel_loop3A_361 = tpu.vector_load %arg14[%parallel_loop3A_360] {strides = array<i32>} : memref<3072xf32, #tpu.memory_space<vmem>>, vector<16xf32>,
      %parallel_loop3A_362 = arith.subf %parallel_loop3A_361, %mul3A_125 : vector<16xf32>
      %parallel_loop3A_363 = arith.mulf %parallel_loop3A_328, %parallel_loop3A_362 : vector<16xf32>
      tpu.vector_store_idx %arg16[%parallel_loop3A_357], %parallel_loop3A_363 : memref<3072xf32, #tpu.memory_space<vmem>>[vector<16xi32>], vector<16xf32>,
      %parallel_loop3A_364 = tpu.vector_load_idx %arg12[%parallel_loop3A_357] : memref<3072xf32, #tpu.memory_space<vmem>>[vector<16xi32>], vector<16xf32>,
      %parallel_loop3A_365 = arith.mulf %parallel_loop3A_340, %parallel_loop3A_363 : vector<16xf32>
      %parallel_loop3A_366 = arith.addf %parallel_loop3A_364, %parallel_loop3A_365 : vector<16xf32>
      tpu.vector_store_idx %arg18[%parallel_loop3A_357], %parallel_loop3A_366 : memref<3072xf32, #tpu.memory_space<vmem>>[vector<16xi32>], vector<16xf32>,
      %parallel_loop3A_367 = arith.constant 1 : i32
      %parallel_loop3A_368 = arith.addi %parallel_loop3A_353, %parallel_loop3A_367 : i32
      %parallel_loop3A_369 = vector.broadcast %parallel_loop3A_368 : i32 to vector<16xi32>
      %parallel_loop3A_370 = arith.addi %mul3A_3, %parallel_loop3A_369 : vector<16xi32>
      %parallel_loop3A_371 = arith.constant 1024 : i32
      %parallel_loop3A_372 = arith.addi %parallel_loop3A_371, %parallel_loop3A_326 : i32
      %parallel_loop3A_373 = arith.index_cast %parallel_loop3A_372 : i32 to index
      %parallel_loop3A_374 = tpu.vector_load %arg14[%parallel_loop3A_373] {strides = array<i32>} : memref<3072xf32, #tpu.memory_space<vmem>>, vector<16xf32>,
      %parallel_loop3A_375 = arith.subf %parallel_loop3A_374, %mul3A_131 : vector<16xf32>
      %parallel_loop3A_376 = arith.mulf %parallel_loop3A_328, %parallel_loop3A_375 : vector<16xf32>
      tpu.vector_store_idx %arg16[%parallel_loop3A_370], %parallel_loop3A_376 : memref<3072xf32, #tpu.memory_space<vmem>>[vector<16xi32>], vector<16xf32>,
      %parallel_loop3A_377 = tpu.vector_load_idx %arg12[%parallel_loop3A_370] : memref<3072xf32, #tpu.memory_space<vmem>>[vector<16xi32>], vector<16xf32>,
      %parallel_loop3A_378 = arith.mulf %parallel_loop3A_340, %parallel_loop3A_376 : vector<16xf32>
      %parallel_loop3A_379 = arith.addf %parallel_loop3A_377, %parallel_loop3A_378 : vector<16xf32>
      tpu.vector_store_idx %arg18[%parallel_loop3A_370], %parallel_loop3A_379 : memref<3072xf32, #tpu.memory_space<vmem>>[vector<16xi32>], vector<16xf32>,
      %parallel_loop3A_380 = arith.constant 2 : i32
      %parallel_loop3A_381 = arith.addi %parallel_loop3A_353, %parallel_loop3A_380 : i32
      %parallel_loop3A_382 = vector.broadcast %parallel_loop3A_381 : i32 to vector<16xi32>
      %parallel_loop3A_383 = arith.addi %mul3A_3, %parallel_loop3A_382 : vector<16xi32>
      %parallel_loop3A_384 = arith.constant 2048 : i32
      %parallel_loop3A_385 = arith.addi %parallel_loop3A_384, %parallel_loop3A_326 : i32
      %parallel_loop3A_386 = arith.index_cast %parallel_loop3A_385 : i32 to index
      %parallel_loop3A_387 = tpu.vector_load %arg14[%parallel_loop3A_386] {strides = array<i32>} : memref<3072xf32, #tpu.memory_space<vmem>>, vector<16xf32>,
      %parallel_loop3A_388 = arith.subf %parallel_loop3A_387, %mul3A_137 : vector<16xf32>
      %parallel_loop3A_389 = arith.mulf %parallel_loop3A_328, %parallel_loop3A_388 : vector<16xf32>
      tpu.vector_store_idx %arg16[%parallel_loop3A_383], %parallel_loop3A_389 : memref<3072xf32, #tpu.memory_space<vmem>>[vector<16xi32>], vector<16xf32>,
      %parallel_loop3A_390 = tpu.vector_load_idx %arg12[%parallel_loop3A_383] : memref<3072xf32, #tpu.memory_space<vmem>>[vector<16xi32>], vector<16xf32>,
      %parallel_loop3A_391 = arith.mulf %parallel_loop3A_340, %parallel_loop3A_389 : vector<16xf32>
      %parallel_loop3A_392 = arith.addf %parallel_loop3A_390, %parallel_loop3A_391 : vector<16xf32>
      tpu.vector_store_idx %arg18[%parallel_loop3A_383], %parallel_loop3A_392 : memref<3072xf32, #tpu.memory_space<vmem>>[vector<16xi32>], vector<16xf32>,
    } {sc.loop_unroll_factor = 4 : i64, sc.parallel_access}
    %slice3A = vector.extract_strided_slice %gather3A {offsets = [0], sizes = [1], strides = [1]} : vector<16xf32> to vector<1xf32>
    %squeeze3A = vector.extract %slice3A[0] : f32 from vector<1xf32>
    %gt3A = arith.constant 5.000000e-01 : f32
    %gt3A_141 = arith.cmpf ogt, %squeeze3A, %gt3A : f32
    %convert_element_type3A = arith.extui %gt3A_141 : i1 to i32
    %cond3A = arith.constant 0 : i32
    %cond3A_142 = arith.cmpi ne, %convert_element_type3A, %cond3A : i32
    scf.if %cond3A_142 {
      %convert_element_type3A_324 = arith.fptosi %reduce_sum3A_114 : f32 to i32
      %add3A_325 = arith.constant 0 : i32
      %add3A_326 = vector.broadcast %add3A_325 : i32 to vector<16xi32>
      %add3A_327 = arith.addi %iota3A, %add3A_326 : vector<16xi32>
      %jit3A = arith.constant 3 : i32
      %div3A_328 = vector.broadcast %jit3A : i32 to vector<16xi32>
      %div3A_329 = arith.divsi %add3A_327, %div3A_328 : vector<16xi32>
      %sign3A = arith.constant 0 : i32
      %sign3A_330 = vector.broadcast %sign3A : i32 to vector<16xi32>
      %sign3A_331 = arith.cmpi sgt, %add3A_327, %sign3A_330 : vector<16xi32>
      %sign3A_332 = arith.extui %sign3A_331 : vector<16xi1> to vector<16xi32>
      %sign3A_333 = arith.constant 0 : i32
      %sign3A_334 = vector.broadcast %sign3A_333 : i32 to vector<16xi32>
      %sign3A_335 = arith.cmpi slt, %add3A_327, %sign3A_334 : vector<16xi32>
      %sign3A_336 = arith.extui %sign3A_335 : vector<16xi1> to vector<16xi32>
      %sign3A_337 = arith.subi %sign3A_332, %sign3A_336 : vector<16xi32>
      %sign3A_338 = arith.constant 0 : i32
      %sign3A_339 = arith.cmpi sgt, %jit3A, %sign3A_338 : i32
      %sign3A_340 = arith.extui %sign3A_339 : i1 to i32
      %sign3A_341 = arith.constant 0 : i32
      %sign3A_342 = arith.cmpi slt, %jit3A, %sign3A_341 : i32
      %sign3A_343 = arith.extui %sign3A_342 : i1 to i32
      %sign3A_344 = arith.subi %sign3A_340, %sign3A_343 : i32
      %ne3A = vector.broadcast %sign3A_344 : i32 to vector<16xi32>
      %ne3A_345 = arith.cmpi ne, %sign3A_337, %ne3A : vector<16xi32>
      %rem3A = vector.broadcast %jit3A : i32 to vector<16xi32>
      %rem3A_346 = arith.remsi %add3A_327, %rem3A : vector<16xi32>
      %ne3A_347 = arith.constant 0 : i32
      %ne3A_348 = vector.broadcast %ne3A_347 : i32 to vector<16xi32>
      %ne3A_349 = arith.cmpi ne, %rem3A_346, %ne3A_348 : vector<16xi32>
      %and3A = arith.andi %ne3A_345, %ne3A_349 : vector<16xi1>
      %sub3A_350 = arith.constant 1 : i32
      %sub3A_351 = vector.broadcast %sub3A_350 : i32 to vector<16xi32>
      %sub3A_352 = arith.subi %div3A_329, %sub3A_351 : vector<16xi32>
      %select_n3A = arith.select %and3A, %sub3A_352, %div3A_329 : vector<16xi1>, vector<16xi32>
      %mul3A_353 = arith.constant 3 : i32
      %mul3A_354 = vector.broadcast %mul3A_353 : i32 to vector<16xi32>
      %mul3A_355 = arith.muli %select_n3A, %mul3A_354 : vector<16xi32>
      %sub3A_356 = arith.subi %add3A_327, %mul3A_355 : vector<16xi32>
      %shift_right_arithmetic3A = arith.constant 2 : i32
      %shift_right_arithmetic3A_357 = vector.broadcast %shift_right_arithmetic3A : i32 to vector<16xi32>
      %shift_right_arithmetic3A_358 = arith.shrsi %select_n3A, %shift_right_arithmetic3A_357 : vector<16xi32>
      %and3A_359 = arith.constant 1 : i32
      %and3A_360 = vector.broadcast %and3A_359 : i32 to vector<16xi32>
      %and3A_361 = arith.andi %shift_right_arithmetic3A_358, %and3A_360 : vector<16xi32>
      %convert_element_type3A_362 = arith.sitofp %and3A_361 : vector<16xi32> to vector<16xf32>
      %sub3A_363 = arith.constant 5.000000e-01 : f32
      %sub3A_364 = vector.broadcast %sub3A_363 : f32 to vector<16xf32>
      %sub3A_365 = arith.subf %convert_element_type3A_362, %sub3A_364 : vector<16xf32>
      %shift_right_arithmetic3A_366 = arith.constant 1 : i32
      %shift_right_arithmetic3A_367 = vector.broadcast %shift_right_arithmetic3A_366 : i32 to vector<16xi32>
      %shift_right_arithmetic3A_368 = arith.shrsi %select_n3A, %shift_right_arithmetic3A_367 : vector<16xi32>
      %and3A_369 = arith.constant 1 : i32
      %and3A_370 = vector.broadcast %and3A_369 : i32 to vector<16xi32>
      %and3A_371 = arith.andi %shift_right_arithmetic3A_368, %and3A_370 : vector<16xi32>
      %convert_element_type3A_372 = arith.sitofp %and3A_371 : vector<16xi32> to vector<16xf32>
      %sub3A_373 = arith.constant 5.000000e-01 : f32
      %sub3A_374 = vector.broadcast %sub3A_373 : f32 to vector<16xf32>
      %sub3A_375 = arith.subf %convert_element_type3A_372, %sub3A_374 : vector<16xf32>
      %and3A_376 = arith.constant 1 : i32
      %and3A_377 = vector.broadcast %and3A_376 : i32 to vector<16xi32>
      %and3A_378 = arith.andi %select_n3A, %and3A_377 : vector<16xi32>
      %convert_element_type3A_379 = arith.sitofp %and3A_378 : vector<16xi32> to vector<16xf32>
      %sub3A_380 = arith.constant 5.000000e-01 : f32
      %sub3A_381 = vector.broadcast %sub3A_380 : f32 to vector<16xf32>
      %sub3A_382 = arith.subf %convert_element_type3A_379, %sub3A_381 : vector<16xf32>
      %gather3A_383 = tpu.vector_load_idx %arg28[%sub3A_356] : memref<32xf32, #tpu.memory_space<vmem>>[vector<16xi32>], vector<16xf32>,
      %add3A_384 = arith.constant 12 : i32
      %add3A_385 = vector.broadcast %add3A_384 : i32 to vector<16xi32>
      %add3A_386 = arith.addi %sub3A_356, %add3A_385 : vector<16xi32>
      %gather3A_387 = tpu.vector_load_idx %arg28[%add3A_386] : memref<32xf32, #tpu.memory_space<vmem>>[vector<16xi32>], vector<16xf32>,
      %sub3A_388 = arith.subf %gather3A_387, %gather3A_383 : vector<16xf32>
      %add3A_389 = arith.constant 6 : i32
      %add3A_390 = vector.broadcast %add3A_389 : i32 to vector<16xi32>
      %add3A_391 = arith.addi %sub3A_356, %add3A_390 : vector<16xi32>
      %gather3A_392 = tpu.vector_load_idx %arg28[%add3A_391] : memref<32xf32, #tpu.memory_space<vmem>>[vector<16xi32>], vector<16xf32>,
      %sub3A_393 = arith.subf %gather3A_392, %gather3A_383 : vector<16xf32>
      %add3A_394 = arith.constant 3 : i32
      %add3A_395 = vector.broadcast %add3A_394 : i32 to vector<16xi32>
      %add3A_396 = arith.addi %sub3A_356, %add3A_395 : vector<16xi32>
      %gather3A_397 = tpu.vector_load_idx %arg28[%add3A_396] : memref<32xf32, #tpu.memory_space<vmem>>[vector<16xi32>], vector<16xf32>,
      %sub3A_398 = arith.subf %gather3A_397, %gather3A_383 : vector<16xf32>
      %mul3A_399 = arith.mulf %sub3A_365, %sub3A_388 : vector<16xf32>
      %mul3A_400 = arith.mulf %sub3A_375, %sub3A_393 : vector<16xf32>
      %add3A_401 = arith.addf %mul3A_399, %mul3A_400 : vector<16xf32>
      %mul3A_402 = arith.mulf %sub3A_382, %sub3A_398 : vector<16xf32>
      %add3A_403 = arith.addf %add3A_401, %mul3A_402 : vector<16xf32>
      %add3A_404 = vector.broadcast %convert_element_type3A_324 : i32 to vector<16xi32>
      %add3A_405 = arith.addi %add3A_404, %select_n3A : vector<16xi32>
      %min3A = arith.constant 1023 : i32
      %min3A_406 = vector.broadcast %min3A : i32 to vector<16xi32>
      %min3A_407 = arith.minsi %add3A_405, %min3A_406 : vector<16xi32>
      %mul3A_408 = arith.constant 3 : i32
      %mul3A_409 = vector.broadcast %mul3A_408 : i32 to vector<16xi32>
      %mul3A_410 = arith.muli %min3A_407, %mul3A_409 : vector<16xi32>
      %add3A_411 = arith.addi %mul3A_410, %sub3A_356 : vector<16xi32>
      %lt3A = arith.constant 24 : i32
      %lt3A_412 = vector.broadcast %lt3A : i32 to vector<16xi32>
      %lt3A_413 = arith.cmpi slt, %add3A_327, %lt3A_412 : vector<16xi32>
      tpu.vector_store_idx %arg16[%add3A_411], %add3A_403 masked %lt3A_413 : memref<3072xf32, #tpu.memory_space<vmem>>[vector<16xi32>], vector<16xf32>, vector<16xi1>
      %gather3A_414 = tpu.vector_load_idx %arg24[%min3A_407] : memref<1024xf32, #tpu.memory_space<vmem>>[vector<16xi32>], vector<16xf32>,
      %gather3A_415 = tpu.vector_load_idx %arg12[%add3A_411] : memref<3072xf32, #tpu.memory_space<vmem>>[vector<16xi32>], vector<16xf32>,
      %mul3A_416 = arith.mulf %gather3A_414, %add3A_403 : vector<16xf32>
      %add3A_417 = arith.addf %gather3A_415, %mul3A_416 : vector<16xf32>
      tpu.vector_store_idx %arg18[%add3A_411], %add3A_417 masked %lt3A_413 : memref<3072xf32, #tpu.memory_space<vmem>>[vector<16xi32>], vector<16xf32>, vector<16xi1>
      %add3A_418 = arith.constant 16 : i32
      %add3A_419 = vector.broadcast %add3A_418 : i32 to vector<16xi32>
      %add3A_420 = arith.addi %iota3A, %add3A_419 : vector<16xi32>
      %jit3A_421 = arith.constant 3 : i32
      %div3A_422 = vector.broadcast %jit3A_421 : i32 to vector<16xi32>
      %div3A_423 = arith.divsi %add3A_420, %div3A_422 : vector<16xi32>
      %sign3A_424 = arith.constant 0 : i32
      %sign3A_425 = vector.broadcast %sign3A_424 : i32 to vector<16xi32>
      %sign3A_426 = arith.cmpi sgt, %add3A_420, %sign3A_425 : vector<16xi32>
      %sign3A_427 = arith.extui %sign3A_426 : vector<16xi1> to vector<16xi32>
      %sign3A_428 = arith.constant 0 : i32
      %sign3A_429 = vector.broadcast %sign3A_428 : i32 to vector<16xi32>
      %sign3A_430 = arith.cmpi slt, %add3A_420, %sign3A_429 : vector<16xi32>
      %sign3A_431 = arith.extui %sign3A_430 : vector<16xi1> to vector<16xi32>
      %sign3A_432 = arith.subi %sign3A_427, %sign3A_431 : vector<16xi32>
      %sign3A_433 = arith.constant 0 : i32
      %sign3A_434 = arith.cmpi sgt, %jit3A_421, %sign3A_433 : i32
      %sign3A_435 = arith.extui %sign3A_434 : i1 to i32
      %sign3A_436 = arith.constant 0 : i32
      %sign3A_437 = arith.cmpi slt, %jit3A_421, %sign3A_436 : i32
      %sign3A_438 = arith.extui %sign3A_437 : i1 to i32
      %sign3A_439 = arith.subi %sign3A_435, %sign3A_438 : i32
      %ne3A_440 = vector.broadcast %sign3A_439 : i32 to vector<16xi32>
      %ne3A_441 = arith.cmpi ne, %sign3A_432, %ne3A_440 : vector<16xi32>
      %rem3A_442 = vector.broadcast %jit3A_421 : i32 to vector<16xi32>
      %rem3A_443 = arith.remsi %add3A_420, %rem3A_442 : vector<16xi32>
      %ne3A_444 = arith.constant 0 : i32
      %ne3A_445 = vector.broadcast %ne3A_444 : i32 to vector<16xi32>
      %ne3A_446 = arith.cmpi ne, %rem3A_443, %ne3A_445 : vector<16xi32>
      %and3A_447 = arith.andi %ne3A_441, %ne3A_446 : vector<16xi1>
      %sub3A_448 = arith.constant 1 : i32
      %sub3A_449 = vector.broadcast %sub3A_448 : i32 to vector<16xi32>
      %sub3A_450 = arith.subi %div3A_423, %sub3A_449 : vector<16xi32>
      %select_n3A_451 = arith.select %and3A_447, %sub3A_450, %div3A_423 : vector<16xi1>, vector<16xi32>
      %mul3A_452 = arith.constant 3 : i32
      %mul3A_453 = vector.broadcast %mul3A_452 : i32 to vector<16xi32>
      %mul3A_454 = arith.muli %select_n3A_451, %mul3A_453 : vector<16xi32>
      %sub3A_455 = arith.subi %add3A_420, %mul3A_454 : vector<16xi32>
      %shift_right_arithmetic3A_456 = arith.constant 2 : i32
      %shift_right_arithmetic3A_457 = vector.broadcast %shift_right_arithmetic3A_456 : i32 to vector<16xi32>
      %shift_right_arithmetic3A_458 = arith.shrsi %select_n3A_451, %shift_right_arithmetic3A_457 : vector<16xi32>
      %and3A_459 = arith.constant 1 : i32
      %and3A_460 = vector.broadcast %and3A_459 : i32 to vector<16xi32>
      %and3A_461 = arith.andi %shift_right_arithmetic3A_458, %and3A_460 : vector<16xi32>
      %convert_element_type3A_462 = arith.sitofp %and3A_461 : vector<16xi32> to vector<16xf32>
      %sub3A_463 = arith.constant 5.000000e-01 : f32
      %sub3A_464 = vector.broadcast %sub3A_463 : f32 to vector<16xf32>
      %sub3A_465 = arith.subf %convert_element_type3A_462, %sub3A_464 : vector<16xf32>
      %shift_right_arithmetic3A_466 = arith.constant 1 : i32
      %shift_right_arithmetic3A_467 = vector.broadcast %shift_right_arithmetic3A_466 : i32 to vector<16xi32>
      %shift_right_arithmetic3A_468 = arith.shrsi %select_n3A_451, %shift_right_arithmetic3A_467 : vector<16xi32>
      %and3A_469 = arith.constant 1 : i32
      %and3A_470 = vector.broadcast %and3A_469 : i32 to vector<16xi32>
      %and3A_471 = arith.andi %shift_right_arithmetic3A_468, %and3A_470 : vector<16xi32>
      %convert_element_type3A_472 = arith.sitofp %and3A_471 : vector<16xi32> to vector<16xf32>
      %sub3A_473 = arith.constant 5.000000e-01 : f32
      %sub3A_474 = vector.broadcast %sub3A_473 : f32 to vector<16xf32>
      %sub3A_475 = arith.subf %convert_element_type3A_472, %sub3A_474 : vector<16xf32>
      %and3A_476 = arith.constant 1 : i32
      %and3A_477 = vector.broadcast %and3A_476 : i32 to vector<16xi32>
      %and3A_478 = arith.andi %select_n3A_451, %and3A_477 : vector<16xi32>
      %convert_element_type3A_479 = arith.sitofp %and3A_478 : vector<16xi32> to vector<16xf32>
      %sub3A_480 = arith.constant 5.000000e-01 : f32
      %sub3A_481 = vector.broadcast %sub3A_480 : f32 to vector<16xf32>
      %sub3A_482 = arith.subf %convert_element_type3A_479, %sub3A_481 : vector<16xf32>
      %gather3A_483 = tpu.vector_load_idx %arg28[%sub3A_455] : memref<32xf32, #tpu.memory_space<vmem>>[vector<16xi32>], vector<16xf32>,
      %add3A_484 = arith.constant 12 : i32
      %add3A_485 = vector.broadcast %add3A_484 : i32 to vector<16xi32>
      %add3A_486 = arith.addi %sub3A_455, %add3A_485 : vector<16xi32>
      %gather3A_487 = tpu.vector_load_idx %arg28[%add3A_486] : memref<32xf32, #tpu.memory_space<vmem>>[vector<16xi32>], vector<16xf32>,
      %sub3A_488 = arith.subf %gather3A_487, %gather3A_483 : vector<16xf32>
      %add3A_489 = arith.constant 6 : i32
      %add3A_490 = vector.broadcast %add3A_489 : i32 to vector<16xi32>
      %add3A_491 = arith.addi %sub3A_455, %add3A_490 : vector<16xi32>
      %gather3A_492 = tpu.vector_load_idx %arg28[%add3A_491] : memref<32xf32, #tpu.memory_space<vmem>>[vector<16xi32>], vector<16xf32>,
      %sub3A_493 = arith.subf %gather3A_492, %gather3A_483 : vector<16xf32>
      %add3A_494 = arith.constant 3 : i32
      %add3A_495 = vector.broadcast %add3A_494 : i32 to vector<16xi32>
      %add3A_496 = arith.addi %sub3A_455, %add3A_495 : vector<16xi32>
      %gather3A_497 = tpu.vector_load_idx %arg28[%add3A_496] : memref<32xf32, #tpu.memory_space<vmem>>[vector<16xi32>], vector<16xf32>,
      %sub3A_498 = arith.subf %gather3A_497, %gather3A_483 : vector<16xf32>
      %mul3A_499 = arith.mulf %sub3A_465, %sub3A_488 : vector<16xf32>
      %mul3A_500 = arith.mulf %sub3A_475, %sub3A_493 : vector<16xf32>
      %add3A_501 = arith.addf %mul3A_499, %mul3A_500 : vector<16xf32>
      %mul3A_502 = arith.mulf %sub3A_482, %sub3A_498 : vector<16xf32>
      %add3A_503 = arith.addf %add3A_501, %mul3A_502 : vector<16xf32>
      %add3A_504 = vector.broadcast %convert_element_type3A_324 : i32 to vector<16xi32>
      %add3A_505 = arith.addi %add3A_504, %select_n3A_451 : vector<16xi32>
      %min3A_506 = arith.constant 1023 : i32
      %min3A_507 = vector.broadcast %min3A_506 : i32 to vector<16xi32>
      %min3A_508 = arith.minsi %add3A_505, %min3A_507 : vector<16xi32>
      %mul3A_509 = arith.constant 3 : i32
      %mul3A_510 = vector.broadcast %mul3A_509 : i32 to vector<16xi32>
      %mul3A_511 = arith.muli %min3A_508, %mul3A_510 : vector<16xi32>
      %add3A_512 = arith.addi %mul3A_511, %sub3A_455 : vector<16xi32>
      %lt3A_513 = arith.constant 24 : i32
      %lt3A_514 = vector.broadcast %lt3A_513 : i32 to vector<16xi32>
      %lt3A_515 = arith.cmpi slt, %add3A_420, %lt3A_514 : vector<16xi32>
      tpu.vector_store_idx %arg16[%add3A_512], %add3A_503 masked %lt3A_515 : memref<3072xf32, #tpu.memory_space<vmem>>[vector<16xi32>], vector<16xf32>, vector<16xi1>
      %gather3A_516 = tpu.vector_load_idx %arg24[%min3A_508] : memref<1024xf32, #tpu.memory_space<vmem>>[vector<16xi32>], vector<16xf32>,
      %gather3A_517 = tpu.vector_load_idx %arg12[%add3A_512] : memref<3072xf32, #tpu.memory_space<vmem>>[vector<16xi32>], vector<16xf32>,
      %mul3A_518 = arith.mulf %gather3A_516, %add3A_503 : vector<16xf32>
      %add3A_519 = arith.addf %gather3A_517, %mul3A_518 : vector<16xf32>
      tpu.vector_store_idx %arg18[%add3A_512], %add3A_519 masked %lt3A_515 : memref<3072xf32, #tpu.memory_space<vmem>>[vector<16xi32>], vector<16xf32>, vector<16xi1>
    } else {
    }
    %dma_start3A_143 = arith.constant 0 : i32
    %dma_start3A_144 = tpu.memref_slice %arg9[%add3A_74, %dma_start3A_143] : memref<64x3072xf32, #tpu.memory_space<hbm>> -> memref<1x3072xf32, #tpu.memory_space<hbm>>
    %dma_start3A_145 = tpu.memref_squeeze %dma_start3A_144 : memref<1x3072xf32, #tpu.memory_space<hbm>> -> memref<3072xf32, #tpu.memory_space<hbm>>
    %dma_start3A_146 = arith.constant 0 : i32
    %dma_start3A_147 = tpu.memref_slice %arg9[%add3A_74, %dma_start3A_146] : memref<64x3072xf32, #tpu.memory_space<hbm>> -> memref<1x3072xf32, #tpu.memory_space<hbm>>
    %dma_start3A_148 = tpu.memref_squeeze %dma_start3A_147 : memref<1x3072xf32, #tpu.memory_space<hbm>> -> memref<3072xf32, #tpu.memory_space<hbm>>
    tpu.enqueue_dma source(%arg16 : memref<3072xf32, #tpu.memory_space<vmem>>) target(%dma_start3A_148 : memref<3072xf32, #tpu.memory_space<hbm>>) target_semaphore(%arg35 : memref<!tpu.dma_semaphore, #tpu.memory_space<semaphore_mem>>)
    %dma_start3A_149 = arith.constant 0 : i32
    %dma_start3A_150 = tpu.memref_slice %arg8[%add3A_74, %dma_start3A_149] : memref<64x3072xf32, #tpu.memory_space<hbm>> -> memref<1x3072xf32, #tpu.memory_space<hbm>>
    %dma_start3A_151 = tpu.memref_squeeze %dma_start3A_150 : memref<1x3072xf32, #tpu.memory_space<hbm>> -> memref<3072xf32, #tpu.memory_space<hbm>>
    %dma_start3A_152 = arith.constant 0 : i32
    %dma_start3A_153 = tpu.memref_slice %arg8[%add3A_74, %dma_start3A_152] : memref<64x3072xf32, #tpu.memory_space<hbm>> -> memref<1x3072xf32, #tpu.memory_space<hbm>>
    %dma_start3A_154 = tpu.memref_squeeze %dma_start3A_153 : memref<1x3072xf32, #tpu.memory_space<hbm>> -> memref<3072xf32, #tpu.memory_space<hbm>>
    tpu.enqueue_dma source(%arg18 : memref<3072xf32, #tpu.memory_space<vmem>>) target(%dma_start3A_154 : memref<3072xf32, #tpu.memory_space<hbm>>) target_semaphore(%arg35 : memref<!tpu.dma_semaphore, #tpu.memory_space<semaphore_mem>>)
    %dma_start3A_155 = arith.constant 0 : i32
    %dma_start3A_156 = tpu.memref_slice %arg10[%add3A_74, %dma_start3A_155] : memref<64x1024xf32, #tpu.memory_space<hbm>> -> memref<1x1024xf32, #tpu.memory_space<hbm>>
    %dma_start3A_157 = tpu.memref_squeeze %dma_start3A_156 : memref<1x1024xf32, #tpu.memory_space<hbm>> -> memref<1024xf32, #tpu.memory_space<hbm>>
    %dma_start3A_158 = arith.constant 0 : i32
    %dma_start3A_159 = tpu.memref_slice %arg10[%add3A_74, %dma_start3A_158] : memref<64x1024xf32, #tpu.memory_space<hbm>> -> memref<1x1024xf32, #tpu.memory_space<hbm>>
    %dma_start3A_160 = tpu.memref_squeeze %dma_start3A_159 : memref<1x1024xf32, #tpu.memory_space<hbm>> -> memref<1024xf32, #tpu.memory_space<hbm>>
    tpu.enqueue_dma source(%arg24 : memref<1024xf32, #tpu.memory_space<vmem>>) target(%dma_start3A_160 : memref<1024xf32, #tpu.memory_space<hbm>>) target_semaphore(%arg35 : memref<!tpu.dma_semaphore, #tpu.memory_space<semaphore_mem>>)
    %dma_start3A_161 = arith.constant 0 : i32
    %dma_start3A_162 = tpu.memref_slice %arg11[%add3A_74, %dma_start3A_161] : memref<64x1024xf32, #tpu.memory_space<hbm>> -> memref<1x1024xf32, #tpu.memory_space<hbm>>
    %dma_start3A_163 = tpu.memref_squeeze %dma_start3A_162 : memref<1x1024xf32, #tpu.memory_space<hbm>> -> memref<1024xf32, #tpu.memory_space<hbm>>
    %dma_start3A_164 = arith.constant 0 : i32
    %dma_start3A_165 = tpu.memref_slice %arg11[%add3A_74, %dma_start3A_164] : memref<64x1024xf32, #tpu.memory_space<hbm>> -> memref<1x1024xf32, #tpu.memory_space<hbm>>
    %dma_start3A_166 = tpu.memref_squeeze %dma_start3A_165 : memref<1x1024xf32, #tpu.memory_space<hbm>> -> memref<1024xf32, #tpu.memory_space<hbm>>
    tpu.enqueue_dma source(%arg26 : memref<1024xf32, #tpu.memory_space<vmem>>) target(%dma_start3A_166 : memref<1024xf32, #tpu.memory_space<hbm>>) target_semaphore(%arg35 : memref<!tpu.dma_semaphore, #tpu.memory_space<semaphore_mem>>)
    %mul3A_167 = arith.constant 2 : i32
    %mul3A_168 = arith.muli %add3A, %mul3A_167 : i32
    %add3A_169 = arith.constant 1 : i32
    %add3A_170 = arith.addi %mul3A_168, %add3A_169 : i32
    %dma_wait3A_171 = arith.constant 0 : i32
    %dma_wait3A_172 = tpu.memref_slice %arg2[%add3A_40, %dma_wait3A_171] : memref<64x3072xf32, #tpu.memory_space<hbm>> -> memref<1x3072xf32, #tpu.memory_space<hbm>>
    %dma_wait3A_173 = tpu.memref_squeeze %dma_wait3A_172 : memref<1x3072xf32, #tpu.memory_space<hbm>> -> memref<3072xf32, #tpu.memory_space<hbm>>
    %dma_wait3A_174 = arith.constant 0 : i32
    %dma_wait3A_175 = tpu.memref_slice %arg2[%add3A_40, %dma_wait3A_174] : memref<64x3072xf32, #tpu.memory_space<hbm>> -> memref<1x3072xf32, #tpu.memory_space<hbm>>
    %dma_wait3A_176 = tpu.memref_squeeze %dma_wait3A_175 : memref<1x3072xf32, #tpu.memory_space<hbm>> -> memref<3072xf32, #tpu.memory_space<hbm>>
    tpu.wait_dma2 semaphore(%arg34 : memref<!tpu.dma_semaphore, #tpu.memory_space<semaphore_mem>>) src(%dma_wait3A_176 : memref<3072xf32, #tpu.memory_space<hbm>>) dst(%arg13 : memref<3072xf32, #tpu.memory_space<vmem>>)
    %dma_wait3A_177 = arith.constant 0 : i32
    %dma_wait3A_178 = tpu.memref_slice %arg3[%add3A_40, %dma_wait3A_177] : memref<64x3072xf32, #tpu.memory_space<hbm>> -> memref<1x3072xf32, #tpu.memory_space<hbm>>
    %dma_wait3A_179 = tpu.memref_squeeze %dma_wait3A_178 : memref<1x3072xf32, #tpu.memory_space<hbm>> -> memref<3072xf32, #tpu.memory_space<hbm>>
    %dma_wait3A_180 = arith.constant 0 : i32
    %dma_wait3A_181 = tpu.memref_slice %arg3[%add3A_40, %dma_wait3A_180] : memref<64x3072xf32, #tpu.memory_space<hbm>> -> memref<1x3072xf32, #tpu.memory_space<hbm>>
    %dma_wait3A_182 = tpu.memref_squeeze %dma_wait3A_181 : memref<1x3072xf32, #tpu.memory_space<hbm>> -> memref<3072xf32, #tpu.memory_space<hbm>>
    tpu.wait_dma2 semaphore(%arg34 : memref<!tpu.dma_semaphore, #tpu.memory_space<semaphore_mem>>) src(%dma_wait3A_182 : memref<3072xf32, #tpu.memory_space<hbm>>) dst(%arg15 : memref<3072xf32, #tpu.memory_space<vmem>>)
    %dma_wait3A_183 = arith.constant 0 : i32
    %dma_wait3A_184 = tpu.memref_slice %arg4[%add3A_40, %dma_wait3A_183] : memref<64x1024xf32, #tpu.memory_space<hbm>> -> memref<1x1024xf32, #tpu.memory_space<hbm>>
    %dma_wait3A_185 = tpu.memref_squeeze %dma_wait3A_184 : memref<1x1024xf32, #tpu.memory_space<hbm>> -> memref<1024xf32, #tpu.memory_space<hbm>>
    %dma_wait3A_186 = arith.constant 0 : i32
    %dma_wait3A_187 = tpu.memref_slice %arg4[%add3A_40, %dma_wait3A_186] : memref<64x1024xf32, #tpu.memory_space<hbm>> -> memref<1x1024xf32, #tpu.memory_space<hbm>>
    %dma_wait3A_188 = tpu.memref_squeeze %dma_wait3A_187 : memref<1x1024xf32, #tpu.memory_space<hbm>> -> memref<1024xf32, #tpu.memory_space<hbm>>
    tpu.wait_dma2 semaphore(%arg34 : memref<!tpu.dma_semaphore, #tpu.memory_space<semaphore_mem>>) src(%dma_wait3A_188 : memref<1024xf32, #tpu.memory_space<hbm>>) dst(%arg23 : memref<1024xf32, #tpu.memory_space<vmem>>)
    %dma_wait3A_189 = arith.constant 0 : i32
    %dma_wait3A_190 = tpu.memref_slice %arg5[%add3A_40, %dma_wait3A_189] : memref<64x256xi32, #tpu.memory_space<hbm>> -> memref<1x256xi32, #tpu.memory_space<hbm>>
    %dma_wait3A_191 = tpu.memref_squeeze %dma_wait3A_190 : memref<1x256xi32, #tpu.memory_space<hbm>> -> memref<256xi32, #tpu.memory_space<hbm>>
    %dma_wait3A_192 = arith.constant 0 : i32
    %dma_wait3A_193 = tpu.memref_slice %arg5[%add3A_40, %dma_wait3A_192] : memref<64x256xi32, #tpu.memory_space<hbm>> -> memref<1x256xi32, #tpu.memory_space<hbm>>
    %dma_wait3A_194 = tpu.memref_squeeze %dma_wait3A_193 : memref<1x256xi32, #tpu.memory_space<hbm>> -> memref<256xi32, #tpu.memory_space<hbm>>
    tpu.wait_dma2 semaphore(%arg34 : memref<!tpu.dma_semaphore, #tpu.memory_space<semaphore_mem>>) src(%dma_wait3A_194 : memref<256xi32, #tpu.memory_space<hbm>>) dst(%arg32 : memref<256xi32, #tpu.memory_space<vmem>>)
    %dma_wait3A_195 = arith.constant 0 : i32
    %dma_wait3A_196 = tpu.memref_slice %arg6[%add3A_40, %dma_wait3A_195] : memref<64x32xf32, #tpu.memory_space<hbm>> -> memref<1x32xf32, #tpu.memory_space<hbm>>
    %dma_wait3A_197 = tpu.memref_squeeze %dma_wait3A_196 : memref<1x32xf32, #tpu.memory_space<hbm>> -> memref<32xf32, #tpu.memory_space<hbm>>
    %dma_wait3A_198 = arith.constant 0 : i32
    %dma_wait3A_199 = tpu.memref_slice %arg6[%add3A_40, %dma_wait3A_198] : memref<64x32xf32, #tpu.memory_space<hbm>> -> memref<1x32xf32, #tpu.memory_space<hbm>>
    %dma_wait3A_200 = tpu.memref_squeeze %dma_wait3A_199 : memref<1x32xf32, #tpu.memory_space<hbm>> -> memref<32xf32, #tpu.memory_space<hbm>>
    tpu.wait_dma2 semaphore(%arg34 : memref<!tpu.dma_semaphore, #tpu.memory_space<semaphore_mem>>) src(%dma_wait3A_200 : memref<32xf32, #tpu.memory_space<hbm>>) dst(%arg29 : memref<32xf32, #tpu.memory_space<vmem>>)
    %broadcast_in_dim3A_201 = vector.broadcast %add3A_170 : i32 to vector<16xi32>
    %gather3A_202 = tpu.vector_load_idx %arg30[%broadcast_in_dim3A_201] : memref<64xf32, #tpu.memory_space<vmem>>[vector<16xi32>], vector<16xf32>,
    %parallel_loop3A_203 = arith.constant 0 : i32
    %parallel_loop3A_204 = arith.constant 16 : i32
    %parallel_loop3A_205 = arith.constant 1 : i32
    scf.for %parallel_loop3A_324 = %parallel_loop3A_203 to %parallel_loop3A_204 step %parallel_loop3A_205  : i32 {
      %parallel_loop3A_325 = arith.constant 16 : i32
      %parallel_loop3A_326 = arith.muli %parallel_loop3A_324, %parallel_loop3A_325 : i32
      %parallel_loop3A_327 = arith.index_cast %parallel_loop3A_326 : i32 to index
      %parallel_loop3A_328 = tpu.vector_load %arg32[%parallel_loop3A_327] {strides = array<i32>} : memref<256xi32, #tpu.memory_space<vmem>>, vector<16xi32>,
      %parallel_loop3A_329 = arith.constant 4 : i32
      %parallel_loop3A_330 = vector.broadcast %parallel_loop3A_329 : i32 to vector<16xi32>
      %parallel_loop3A_331 = arith.muli %iota3A, %parallel_loop3A_330 : vector<16xi32>
      %parallel_loop3A_332 = arith.constant 64 : i32
      %parallel_loop3A_333 = arith.muli %parallel_loop3A_324, %parallel_loop3A_332 : i32
      %parallel_loop3A_334 = vector.broadcast %parallel_loop3A_333 : i32 to vector<16xi32>
      %parallel_loop3A_335 = arith.addi %parallel_loop3A_331, %parallel_loop3A_334 : vector<16xi32>
      %parallel_loop3A_336 = arith.constant 0 : i32
      %parallel_loop3A_337 = vector.broadcast %parallel_loop3A_336 : i32 to vector<16xi32>
      %parallel_loop3A_338 = arith.shrsi %parallel_loop3A_328, %parallel_loop3A_337 : vector<16xi32>
      %parallel_loop3A_339 = arith.constant 1 : i32
      %parallel_loop3A_340 = vector.broadcast %parallel_loop3A_339 : i32 to vector<16xi32>
      %parallel_loop3A_341 = arith.andi %parallel_loop3A_338, %parallel_loop3A_340 : vector<16xi32>
      %parallel_loop3A_342 = arith.sitofp %parallel_loop3A_341 : vector<16xi32> to vector<16xf32>
      %parallel_loop3A_343 = arith.constant 1.000000e+00 : f32
      %parallel_loop3A_344 = vector.broadcast %parallel_loop3A_343 : f32 to vector<16xf32>
      %parallel_loop3A_345 = arith.subf %parallel_loop3A_344, %parallel_loop3A_342 : vector<16xf32>
      %parallel_loop3A_346 = arith.constant 0 : i32
      %parallel_loop3A_347 = vector.broadcast %parallel_loop3A_346 : i32 to vector<16xi32>
      %parallel_loop3A_348 = arith.addi %parallel_loop3A_335, %parallel_loop3A_347 : vector<16xi32>
      tpu.vector_store_idx %arg21[%parallel_loop3A_348], %parallel_loop3A_345 : memref<1024xf32, #tpu.memory_space<vmem>>[vector<16xi32>], vector<16xf32>,
      %parallel_loop3A_349 = arith.constant 8 : i32
      %parallel_loop3A_350 = vector.broadcast %parallel_loop3A_349 : i32 to vector<16xi32>
      %parallel_loop3A_351 = arith.shrsi %parallel_loop3A_328, %parallel_loop3A_350 : vector<16xi32>
      %parallel_loop3A_352 = arith.constant 1 : i32
      %parallel_loop3A_353 = vector.broadcast %parallel_loop3A_352 : i32 to vector<16xi32>
      %parallel_loop3A_354 = arith.andi %parallel_loop3A_351, %parallel_loop3A_353 : vector<16xi32>
      %parallel_loop3A_355 = arith.sitofp %parallel_loop3A_354 : vector<16xi32> to vector<16xf32>
      %parallel_loop3A_356 = arith.constant 1.000000e+00 : f32
      %parallel_loop3A_357 = vector.broadcast %parallel_loop3A_356 : f32 to vector<16xf32>
      %parallel_loop3A_358 = arith.subf %parallel_loop3A_357, %parallel_loop3A_355 : vector<16xf32>
      %parallel_loop3A_359 = arith.constant 1 : i32
      %parallel_loop3A_360 = vector.broadcast %parallel_loop3A_359 : i32 to vector<16xi32>
      %parallel_loop3A_361 = arith.addi %parallel_loop3A_335, %parallel_loop3A_360 : vector<16xi32>
      tpu.vector_store_idx %arg21[%parallel_loop3A_361], %parallel_loop3A_358 : memref<1024xf32, #tpu.memory_space<vmem>>[vector<16xi32>], vector<16xf32>,
      %parallel_loop3A_362 = arith.constant 16 : i32
      %parallel_loop3A_363 = vector.broadcast %parallel_loop3A_362 : i32 to vector<16xi32>
      %parallel_loop3A_364 = arith.shrsi %parallel_loop3A_328, %parallel_loop3A_363 : vector<16xi32>
      %parallel_loop3A_365 = arith.constant 1 : i32
      %parallel_loop3A_366 = vector.broadcast %parallel_loop3A_365 : i32 to vector<16xi32>
      %parallel_loop3A_367 = arith.andi %parallel_loop3A_364, %parallel_loop3A_366 : vector<16xi32>
      %parallel_loop3A_368 = arith.sitofp %parallel_loop3A_367 : vector<16xi32> to vector<16xf32>
      %parallel_loop3A_369 = arith.constant 1.000000e+00 : f32
      %parallel_loop3A_370 = vector.broadcast %parallel_loop3A_369 : f32 to vector<16xf32>
      %parallel_loop3A_371 = arith.subf %parallel_loop3A_370, %parallel_loop3A_368 : vector<16xf32>
      %parallel_loop3A_372 = arith.constant 2 : i32
      %parallel_loop3A_373 = vector.broadcast %parallel_loop3A_372 : i32 to vector<16xi32>
      %parallel_loop3A_374 = arith.addi %parallel_loop3A_335, %parallel_loop3A_373 : vector<16xi32>
      tpu.vector_store_idx %arg21[%parallel_loop3A_374], %parallel_loop3A_371 : memref<1024xf32, #tpu.memory_space<vmem>>[vector<16xi32>], vector<16xf32>,
      %parallel_loop3A_375 = arith.constant 24 : i32
      %parallel_loop3A_376 = vector.broadcast %parallel_loop3A_375 : i32 to vector<16xi32>
      %parallel_loop3A_377 = arith.shrsi %parallel_loop3A_328, %parallel_loop3A_376 : vector<16xi32>
      %parallel_loop3A_378 = arith.constant 1 : i32
      %parallel_loop3A_379 = vector.broadcast %parallel_loop3A_378 : i32 to vector<16xi32>
      %parallel_loop3A_380 = arith.andi %parallel_loop3A_377, %parallel_loop3A_379 : vector<16xi32>
      %parallel_loop3A_381 = arith.sitofp %parallel_loop3A_380 : vector<16xi32> to vector<16xf32>
      %parallel_loop3A_382 = arith.constant 1.000000e+00 : f32
      %parallel_loop3A_383 = vector.broadcast %parallel_loop3A_382 : f32 to vector<16xf32>
      %parallel_loop3A_384 = arith.subf %parallel_loop3A_383, %parallel_loop3A_381 : vector<16xf32>
      %parallel_loop3A_385 = arith.constant 3 : i32
      %parallel_loop3A_386 = vector.broadcast %parallel_loop3A_385 : i32 to vector<16xi32>
      %parallel_loop3A_387 = arith.addi %parallel_loop3A_335, %parallel_loop3A_386 : vector<16xi32>
      tpu.vector_store_idx %arg21[%parallel_loop3A_387], %parallel_loop3A_384 : memref<1024xf32, #tpu.memory_space<vmem>>[vector<16xi32>], vector<16xf32>,
    } {sc.loop_unroll_factor = 2 : i64, sc.parallel_access}
    %broadcast_in_dim3A_206 = arith.constant 0.000000e+00 : f32
    %broadcast_in_dim3A_207 = vector.broadcast %broadcast_in_dim3A_206 : f32 to vector<16xf32>
    %parallel_loop3A_208 = arith.constant 0 : i32
    %parallel_loop3A_209 = arith.constant 64 : i32
    %parallel_loop3A_210 = arith.constant 1 : i32
    %parallel_loop3A_211:4 = scf.for %parallel_loop3A_324 = %parallel_loop3A_208 to %parallel_loop3A_209 step %parallel_loop3A_210 iter_args(%parallel_loop3A_325 = %broadcast_in_dim3A_207, %parallel_loop3A_326 = %broadcast_in_dim3A_207, %parallel_loop3A_327 = %broadcast_in_dim3A_207, %parallel_loop3A_328 = %broadcast_in_dim3A_207) -> (vector<16xf32>, vector<16xf32>, vector<16xf32>, vector<16xf32>)  : i32 {
      %parallel_loop3A_329 = arith.constant 16 : i32
      %parallel_loop3A_330 = arith.muli %parallel_loop3A_324, %parallel_loop3A_329 : i32
      %parallel_loop3A_331 = arith.index_cast %parallel_loop3A_330 : i32 to index
      %parallel_loop3A_332 = tpu.vector_load %arg21[%parallel_loop3A_331] {strides = array<i32>} : memref<1024xf32, #tpu.memory_space<vmem>>, vector<16xf32>,
      %parallel_loop3A_333 = arith.index_cast %parallel_loop3A_330 : i32 to index
      %parallel_loop3A_334 = tpu.vector_load %arg15[%parallel_loop3A_333] {strides = array<i32>} : memref<3072xf32, #tpu.memory_space<vmem>>, vector<16xf32>,
      %parallel_loop3A_335 = arith.constant 1024 : i32
      %parallel_loop3A_336 = arith.addi %parallel_loop3A_335, %parallel_loop3A_330 : i32
      %parallel_loop3A_337 = arith.index_cast %parallel_loop3A_336 : i32 to index
      %parallel_loop3A_338 = tpu.vector_load %arg15[%parallel_loop3A_337] {strides = array<i32>} : memref<3072xf32, #tpu.memory_space<vmem>>, vector<16xf32>,
      %parallel_loop3A_339 = arith.constant 2048 : i32
      %parallel_loop3A_340 = arith.addi %parallel_loop3A_339, %parallel_loop3A_330 : i32
      %parallel_loop3A_341 = arith.index_cast %parallel_loop3A_340 : i32 to index
      %parallel_loop3A_342 = tpu.vector_load %arg15[%parallel_loop3A_341] {strides = array<i32>} : memref<3072xf32, #tpu.memory_space<vmem>>, vector<16xf32>,
      %parallel_loop3A_343 = arith.addf %parallel_loop3A_325, %parallel_loop3A_332 : vector<16xf32>
      %parallel_loop3A_344 = arith.mulf %parallel_loop3A_332, %parallel_loop3A_334 : vector<16xf32>
      %parallel_loop3A_345 = arith.addf %parallel_loop3A_326, %parallel_loop3A_344 : vector<16xf32>
      %parallel_loop3A_346 = arith.mulf %parallel_loop3A_332, %parallel_loop3A_338 : vector<16xf32>
      %parallel_loop3A_347 = arith.addf %parallel_loop3A_327, %parallel_loop3A_346 : vector<16xf32>
      %parallel_loop3A_348 = arith.mulf %parallel_loop3A_332, %parallel_loop3A_342 : vector<16xf32>
      %parallel_loop3A_349 = arith.addf %parallel_loop3A_328, %parallel_loop3A_348 : vector<16xf32>
      scf.yield %parallel_loop3A_343, %parallel_loop3A_345, %parallel_loop3A_347, %parallel_loop3A_349 : vector<16xf32>, vector<16xf32>, vector<16xf32>, vector<16xf32>
    } {sc.loop_unroll_factor = 4 : i64, sc.parallel_access}
    %reduce_sum3A_212 = arith.constant true
    %reduce_sum3A_213 = vector.broadcast %reduce_sum3A_212 : i1 to vector<16xi1>
    %reduce_sum3A_214 = tpu.scan <sum>, %parallel_loop3A_211#0 masked %reduce_sum3A_213 : vector<16xf32>, vector<16xi1> -> vector<16xf32>
    %reduce_sum3A_215 = vector.extract %reduce_sum3A_214[15] : f32 from vector<16xf32>
    %sub3A_216 = arith.constant 1.000000e+00 : f32
    %sub3A_217 = vector.broadcast %sub3A_216 : f32 to vector<16xf32>
    %sub3A_218 = arith.subf %sub3A_217, %gather3A_202 : vector<16xf32>
    %broadcast_in_dim3A_219 = vector.broadcast %reduce_sum3A_215 : f32 to vector<16xf32>
    %max3A_220 = arith.constant 1.000000e+00 : f32
    %max3A_221 = vector.broadcast %max3A_220 : f32 to vector<16xf32>
    %max3A_222 = arith.maximumf %broadcast_in_dim3A_219, %max3A_221 : vector<16xf32>
    %div3A_223 = arith.divf %sub3A_218, %max3A_222 : vector<16xf32>
    %reduce_sum3A_224 = arith.constant true
    %reduce_sum3A_225 = vector.broadcast %reduce_sum3A_224 : i1 to vector<16xi1>
    %reduce_sum3A_226 = tpu.scan <sum>, %parallel_loop3A_211#1 masked %reduce_sum3A_225 : vector<16xf32>, vector<16xi1> -> vector<16xf32>
    %reduce_sum3A_227 = vector.extract %reduce_sum3A_226[15] : f32 from vector<16xf32>
    %broadcast_in_dim3A_228 = vector.broadcast %reduce_sum3A_227 : f32 to vector<16xf32>
    %mul3A_229 = arith.mulf %broadcast_in_dim3A_228, %div3A_223 : vector<16xf32>
    %reduce_sum3A_230 = arith.constant true
    %reduce_sum3A_231 = vector.broadcast %reduce_sum3A_230 : i1 to vector<16xi1>
    %reduce_sum3A_232 = tpu.scan <sum>, %parallel_loop3A_211#2 masked %reduce_sum3A_231 : vector<16xf32>, vector<16xi1> -> vector<16xf32>
    %reduce_sum3A_233 = vector.extract %reduce_sum3A_232[15] : f32 from vector<16xf32>
    %broadcast_in_dim3A_234 = vector.broadcast %reduce_sum3A_233 : f32 to vector<16xf32>
    %mul3A_235 = arith.mulf %broadcast_in_dim3A_234, %div3A_223 : vector<16xf32>
    %reduce_sum3A_236 = arith.constant true
    %reduce_sum3A_237 = vector.broadcast %reduce_sum3A_236 : i1 to vector<16xi1>
    %reduce_sum3A_238 = tpu.scan <sum>, %parallel_loop3A_211#3 masked %reduce_sum3A_237 : vector<16xf32>, vector<16xi1> -> vector<16xf32>
    %reduce_sum3A_239 = vector.extract %reduce_sum3A_238[15] : f32 from vector<16xf32>
    %broadcast_in_dim3A_240 = vector.broadcast %reduce_sum3A_239 : f32 to vector<16xf32>
    %mul3A_241 = arith.mulf %broadcast_in_dim3A_240, %div3A_223 : vector<16xf32>
    %parallel_loop3A_242 = arith.constant 0 : i32
    %parallel_loop3A_243 = arith.constant 64 : i32
    %parallel_loop3A_244 = arith.constant 1 : i32
    scf.for %parallel_loop3A_324 = %parallel_loop3A_242 to %parallel_loop3A_243 step %parallel_loop3A_244  : i32 {
      %parallel_loop3A_325 = arith.constant 16 : i32
      %parallel_loop3A_326 = arith.muli %parallel_loop3A_324, %parallel_loop3A_325 : i32
      %parallel_loop3A_327 = arith.index_cast %parallel_loop3A_326 : i32 to index
      %parallel_loop3A_328 = tpu.vector_load %arg21[%parallel_loop3A_327] {strides = array<i32>} : memref<1024xf32, #tpu.memory_space<vmem>>, vector<16xf32>,
      %parallel_loop3A_329 = arith.index_cast %parallel_loop3A_326 : i32 to index
      %parallel_loop3A_330 = tpu.vector_load %arg23[%parallel_loop3A_329] {strides = array<i32>} : memref<1024xf32, #tpu.memory_space<vmem>>, vector<16xf32>,
      %parallel_loop3A_331 = arith.constant 1.500000e+00 : f32
      %parallel_loop3A_332 = vector.broadcast %parallel_loop3A_331 : f32 to vector<16xf32>
      %parallel_loop3A_333 = arith.mulf %parallel_loop3A_330, %parallel_loop3A_332 : vector<16xf32>
      %parallel_loop3A_334 = arith.constant -1.200000e+00 : f32
      %parallel_loop3A_335 = vector.broadcast %parallel_loop3A_334 : f32 to vector<16xf32>
      %parallel_loop3A_336 = arith.addf %parallel_loop3A_333, %parallel_loop3A_335 : vector<16xf32>
      %parallel_loop3A_337 = math.exp %parallel_loop3A_336 : vector<16xf32>
      %parallel_loop3A_338 = arith.constant 5.000000e-01 : f32
      %parallel_loop3A_339 = vector.broadcast %parallel_loop3A_338 : f32 to vector<16xf32>
      %parallel_loop3A_340 = arith.mulf %parallel_loop3A_339, %parallel_loop3A_337 : vector<16xf32>
      %parallel_loop3A_341 = arith.index_cast %parallel_loop3A_326 : i32 to index
      %parallel_loop3A_342 = tpu.vector_load %arg25[%parallel_loop3A_341] {strides = array<i32>} : memref<1024xf32, #tpu.memory_space<vmem>>, vector<16xf32>,
      tpu.vector_store %arg25[%parallel_loop3A_341], %parallel_loop3A_340 {strides = array<i32>} : memref<1024xf32, #tpu.memory_space<vmem>>, vector<16xf32>,
      %parallel_loop3A_343 = arith.mulf %parallel_loop3A_340, %parallel_loop3A_340 : vector<16xf32>
      %parallel_loop3A_344 = arith.constant 1.000000e+00 : f32
      %parallel_loop3A_345 = vector.broadcast %parallel_loop3A_344 : f32 to vector<16xf32>
      %parallel_loop3A_346 = arith.divf %parallel_loop3A_345, %parallel_loop3A_343 : vector<16xf32>
      %parallel_loop3A_347 = arith.constant 4.000000e+00 : f32
      %parallel_loop3A_348 = vector.broadcast %parallel_loop3A_347 : f32 to vector<16xf32>
      %parallel_loop3A_349 = arith.addf %parallel_loop3A_348, %parallel_loop3A_346 : vector<16xf32>
      %parallel_loop3A_350 = arith.index_cast %parallel_loop3A_326 : i32 to index
      %parallel_loop3A_351 = tpu.vector_load %arg27[%parallel_loop3A_350] {strides = array<i32>} : memref<1024xf32, #tpu.memory_space<vmem>>, vector<16xf32>,
      tpu.vector_store %arg27[%parallel_loop3A_350], %parallel_loop3A_349 {strides = array<i32>} : memref<1024xf32, #tpu.memory_space<vmem>>, vector<16xf32>,
      %parallel_loop3A_352 = arith.constant 48 : i32
      %parallel_loop3A_353 = arith.muli %parallel_loop3A_324, %parallel_loop3A_352 : i32
      %parallel_loop3A_354 = arith.constant 0 : i32
      %parallel_loop3A_355 = arith.addi %parallel_loop3A_353, %parallel_loop3A_354 : i32
      %parallel_loop3A_356 = vector.broadcast %parallel_loop3A_355 : i32 to vector<16xi32>
      %parallel_loop3A_357 = arith.addi %mul3A_3, %parallel_loop3A_356 : vector<16xi32>
      %parallel_loop3A_358 = arith.constant 0 : i32
      %parallel_loop3A_359 = arith.addi %parallel_loop3A_358, %parallel_loop3A_326 : i32
      %parallel_loop3A_360 = arith.index_cast %parallel_loop3A_359 : i32 to index
      %parallel_loop3A_361 = tpu.vector_load %arg15[%parallel_loop3A_360] {strides = array<i32>} : memref<3072xf32, #tpu.memory_space<vmem>>, vector<16xf32>,
      %parallel_loop3A_362 = arith.subf %parallel_loop3A_361, %mul3A_229 : vector<16xf32>
      %parallel_loop3A_363 = arith.mulf %parallel_loop3A_328, %parallel_loop3A_362 : vector<16xf32>
      tpu.vector_store_idx %arg17[%parallel_loop3A_357], %parallel_loop3A_363 : memref<3072xf32, #tpu.memory_space<vmem>>[vector<16xi32>], vector<16xf32>,
      %parallel_loop3A_364 = tpu.vector_load_idx %arg13[%parallel_loop3A_357] : memref<3072xf32, #tpu.memory_space<vmem>>[vector<16xi32>], vector<16xf32>,
      %parallel_loop3A_365 = arith.mulf %parallel_loop3A_340, %parallel_loop3A_363 : vector<16xf32>
      %parallel_loop3A_366 = arith.addf %parallel_loop3A_364, %parallel_loop3A_365 : vector<16xf32>
      tpu.vector_store_idx %arg19[%parallel_loop3A_357], %parallel_loop3A_366 : memref<3072xf32, #tpu.memory_space<vmem>>[vector<16xi32>], vector<16xf32>,
      %parallel_loop3A_367 = arith.constant 1 : i32
      %parallel_loop3A_368 = arith.addi %parallel_loop3A_353, %parallel_loop3A_367 : i32
      %parallel_loop3A_369 = vector.broadcast %parallel_loop3A_368 : i32 to vector<16xi32>
      %parallel_loop3A_370 = arith.addi %mul3A_3, %parallel_loop3A_369 : vector<16xi32>
      %parallel_loop3A_371 = arith.constant 1024 : i32
      %parallel_loop3A_372 = arith.addi %parallel_loop3A_371, %parallel_loop3A_326 : i32
      %parallel_loop3A_373 = arith.index_cast %parallel_loop3A_372 : i32 to index
      %parallel_loop3A_374 = tpu.vector_load %arg15[%parallel_loop3A_373] {strides = array<i32>} : memref<3072xf32, #tpu.memory_space<vmem>>, vector<16xf32>,
      %parallel_loop3A_375 = arith.subf %parallel_loop3A_374, %mul3A_235 : vector<16xf32>
      %parallel_loop3A_376 = arith.mulf %parallel_loop3A_328, %parallel_loop3A_375 : vector<16xf32>
      tpu.vector_store_idx %arg17[%parallel_loop3A_370], %parallel_loop3A_376 : memref<3072xf32, #tpu.memory_space<vmem>>[vector<16xi32>], vector<16xf32>,
      %parallel_loop3A_377 = tpu.vector_load_idx %arg13[%parallel_loop3A_370] : memref<3072xf32, #tpu.memory_space<vmem>>[vector<16xi32>], vector<16xf32>,
      %parallel_loop3A_378 = arith.mulf %parallel_loop3A_340, %parallel_loop3A_376 : vector<16xf32>
      %parallel_loop3A_379 = arith.addf %parallel_loop3A_377, %parallel_loop3A_378 : vector<16xf32>
      tpu.vector_store_idx %arg19[%parallel_loop3A_370], %parallel_loop3A_379 : memref<3072xf32, #tpu.memory_space<vmem>>[vector<16xi32>], vector<16xf32>,
      %parallel_loop3A_380 = arith.constant 2 : i32
      %parallel_loop3A_381 = arith.addi %parallel_loop3A_353, %parallel_loop3A_380 : i32
      %parallel_loop3A_382 = vector.broadcast %parallel_loop3A_381 : i32 to vector<16xi32>
      %parallel_loop3A_383 = arith.addi %mul3A_3, %parallel_loop3A_382 : vector<16xi32>
      %parallel_loop3A_384 = arith.constant 2048 : i32
      %parallel_loop3A_385 = arith.addi %parallel_loop3A_384, %parallel_loop3A_326 : i32
      %parallel_loop3A_386 = arith.index_cast %parallel_loop3A_385 : i32 to index
      %parallel_loop3A_387 = tpu.vector_load %arg15[%parallel_loop3A_386] {strides = array<i32>} : memref<3072xf32, #tpu.memory_space<vmem>>, vector<16xf32>,
      %parallel_loop3A_388 = arith.subf %parallel_loop3A_387, %mul3A_241 : vector<16xf32>
      %parallel_loop3A_389 = arith.mulf %parallel_loop3A_328, %parallel_loop3A_388 : vector<16xf32>
      tpu.vector_store_idx %arg17[%parallel_loop3A_383], %parallel_loop3A_389 : memref<3072xf32, #tpu.memory_space<vmem>>[vector<16xi32>], vector<16xf32>,
      %parallel_loop3A_390 = tpu.vector_load_idx %arg13[%parallel_loop3A_383] : memref<3072xf32, #tpu.memory_space<vmem>>[vector<16xi32>], vector<16xf32>,
      %parallel_loop3A_391 = arith.mulf %parallel_loop3A_340, %parallel_loop3A_389 : vector<16xf32>
      %parallel_loop3A_392 = arith.addf %parallel_loop3A_390, %parallel_loop3A_391 : vector<16xf32>
      tpu.vector_store_idx %arg19[%parallel_loop3A_383], %parallel_loop3A_392 : memref<3072xf32, #tpu.memory_space<vmem>>[vector<16xi32>], vector<16xf32>,
    } {sc.loop_unroll_factor = 4 : i64, sc.parallel_access}
    %slice3A_245 = vector.extract_strided_slice %gather3A_202 {offsets = [0], sizes = [1], strides = [1]} : vector<16xf32> to vector<1xf32>
    %squeeze3A_246 = vector.extract %slice3A_245[0] : f32 from vector<1xf32>
    %gt3A_247 = arith.constant 5.000000e-01 : f32
    %gt3A_248 = arith.cmpf ogt, %squeeze3A_246, %gt3A_247 : f32
    %convert_element_type3A_249 = arith.extui %gt3A_248 : i1 to i32
    %cond3A_250 = arith.constant 0 : i32
    %cond3A_251 = arith.cmpi ne, %convert_element_type3A_249, %cond3A_250 : i32
    scf.if %cond3A_251 {
      %convert_element_type3A_324 = arith.fptosi %reduce_sum3A_215 : f32 to i32
      %add3A_325 = arith.constant 0 : i32
      %add3A_326 = vector.broadcast %add3A_325 : i32 to vector<16xi32>
      %add3A_327 = arith.addi %iota3A, %add3A_326 : vector<16xi32>
      %jit3A = arith.constant 3 : i32
      %div3A_328 = vector.broadcast %jit3A : i32 to vector<16xi32>
      %div3A_329 = arith.divsi %add3A_327, %div3A_328 : vector<16xi32>
      %sign3A = arith.constant 0 : i32
      %sign3A_330 = vector.broadcast %sign3A : i32 to vector<16xi32>
      %sign3A_331 = arith.cmpi sgt, %add3A_327, %sign3A_330 : vector<16xi32>
      %sign3A_332 = arith.extui %sign3A_331 : vector<16xi1> to vector<16xi32>
      %sign3A_333 = arith.constant 0 : i32
      %sign3A_334 = vector.broadcast %sign3A_333 : i32 to vector<16xi32>
      %sign3A_335 = arith.cmpi slt, %add3A_327, %sign3A_334 : vector<16xi32>
      %sign3A_336 = arith.extui %sign3A_335 : vector<16xi1> to vector<16xi32>
      %sign3A_337 = arith.subi %sign3A_332, %sign3A_336 : vector<16xi32>
      %sign3A_338 = arith.constant 0 : i32
      %sign3A_339 = arith.cmpi sgt, %jit3A, %sign3A_338 : i32
      %sign3A_340 = arith.extui %sign3A_339 : i1 to i32
      %sign3A_341 = arith.constant 0 : i32
      %sign3A_342 = arith.cmpi slt, %jit3A, %sign3A_341 : i32
      %sign3A_343 = arith.extui %sign3A_342 : i1 to i32
      %sign3A_344 = arith.subi %sign3A_340, %sign3A_343 : i32
      %ne3A = vector.broadcast %sign3A_344 : i32 to vector<16xi32>
      %ne3A_345 = arith.cmpi ne, %sign3A_337, %ne3A : vector<16xi32>
      %rem3A = vector.broadcast %jit3A : i32 to vector<16xi32>
      %rem3A_346 = arith.remsi %add3A_327, %rem3A : vector<16xi32>
      %ne3A_347 = arith.constant 0 : i32
      %ne3A_348 = vector.broadcast %ne3A_347 : i32 to vector<16xi32>
      %ne3A_349 = arith.cmpi ne, %rem3A_346, %ne3A_348 : vector<16xi32>
      %and3A = arith.andi %ne3A_345, %ne3A_349 : vector<16xi1>
      %sub3A_350 = arith.constant 1 : i32
      %sub3A_351 = vector.broadcast %sub3A_350 : i32 to vector<16xi32>
      %sub3A_352 = arith.subi %div3A_329, %sub3A_351 : vector<16xi32>
      %select_n3A = arith.select %and3A, %sub3A_352, %div3A_329 : vector<16xi1>, vector<16xi32>
      %mul3A_353 = arith.constant 3 : i32
      %mul3A_354 = vector.broadcast %mul3A_353 : i32 to vector<16xi32>
      %mul3A_355 = arith.muli %select_n3A, %mul3A_354 : vector<16xi32>
      %sub3A_356 = arith.subi %add3A_327, %mul3A_355 : vector<16xi32>
      %shift_right_arithmetic3A = arith.constant 2 : i32
      %shift_right_arithmetic3A_357 = vector.broadcast %shift_right_arithmetic3A : i32 to vector<16xi32>
      %shift_right_arithmetic3A_358 = arith.shrsi %select_n3A, %shift_right_arithmetic3A_357 : vector<16xi32>
      %and3A_359 = arith.constant 1 : i32
      %and3A_360 = vector.broadcast %and3A_359 : i32 to vector<16xi32>
      %and3A_361 = arith.andi %shift_right_arithmetic3A_358, %and3A_360 : vector<16xi32>
      %convert_element_type3A_362 = arith.sitofp %and3A_361 : vector<16xi32> to vector<16xf32>
      %sub3A_363 = arith.constant 5.000000e-01 : f32
      %sub3A_364 = vector.broadcast %sub3A_363 : f32 to vector<16xf32>
      %sub3A_365 = arith.subf %convert_element_type3A_362, %sub3A_364 : vector<16xf32>
      %shift_right_arithmetic3A_366 = arith.constant 1 : i32
      %shift_right_arithmetic3A_367 = vector.broadcast %shift_right_arithmetic3A_366 : i32 to vector<16xi32>
      %shift_right_arithmetic3A_368 = arith.shrsi %select_n3A, %shift_right_arithmetic3A_367 : vector<16xi32>
      %and3A_369 = arith.constant 1 : i32
      %and3A_370 = vector.broadcast %and3A_369 : i32 to vector<16xi32>
      %and3A_371 = arith.andi %shift_right_arithmetic3A_368, %and3A_370 : vector<16xi32>
      %convert_element_type3A_372 = arith.sitofp %and3A_371 : vector<16xi32> to vector<16xf32>
      %sub3A_373 = arith.constant 5.000000e-01 : f32
      %sub3A_374 = vector.broadcast %sub3A_373 : f32 to vector<16xf32>
      %sub3A_375 = arith.subf %convert_element_type3A_372, %sub3A_374 : vector<16xf32>
      %and3A_376 = arith.constant 1 : i32
      %and3A_377 = vector.broadcast %and3A_376 : i32 to vector<16xi32>
      %and3A_378 = arith.andi %select_n3A, %and3A_377 : vector<16xi32>
      %convert_element_type3A_379 = arith.sitofp %and3A_378 : vector<16xi32> to vector<16xf32>
      %sub3A_380 = arith.constant 5.000000e-01 : f32
      %sub3A_381 = vector.broadcast %sub3A_380 : f32 to vector<16xf32>
      %sub3A_382 = arith.subf %convert_element_type3A_379, %sub3A_381 : vector<16xf32>
      %gather3A_383 = tpu.vector_load_idx %arg29[%sub3A_356] : memref<32xf32, #tpu.memory_space<vmem>>[vector<16xi32>], vector<16xf32>,
      %add3A_384 = arith.constant 12 : i32
      %add3A_385 = vector.broadcast %add3A_384 : i32 to vector<16xi32>
      %add3A_386 = arith.addi %sub3A_356, %add3A_385 : vector<16xi32>
      %gather3A_387 = tpu.vector_load_idx %arg29[%add3A_386] : memref<32xf32, #tpu.memory_space<vmem>>[vector<16xi32>], vector<16xf32>,
      %sub3A_388 = arith.subf %gather3A_387, %gather3A_383 : vector<16xf32>
      %add3A_389 = arith.constant 6 : i32
      %add3A_390 = vector.broadcast %add3A_389 : i32 to vector<16xi32>
      %add3A_391 = arith.addi %sub3A_356, %add3A_390 : vector<16xi32>
      %gather3A_392 = tpu.vector_load_idx %arg29[%add3A_391] : memref<32xf32, #tpu.memory_space<vmem>>[vector<16xi32>], vector<16xf32>,
      %sub3A_393 = arith.subf %gather3A_392, %gather3A_383 : vector<16xf32>
      %add3A_394 = arith.constant 3 : i32
      %add3A_395 = vector.broadcast %add3A_394 : i32 to vector<16xi32>
      %add3A_396 = arith.addi %sub3A_356, %add3A_395 : vector<16xi32>
      %gather3A_397 = tpu.vector_load_idx %arg29[%add3A_396] : memref<32xf32, #tpu.memory_space<vmem>>[vector<16xi32>], vector<16xf32>,
      %sub3A_398 = arith.subf %gather3A_397, %gather3A_383 : vector<16xf32>
      %mul3A_399 = arith.mulf %sub3A_365, %sub3A_388 : vector<16xf32>
      %mul3A_400 = arith.mulf %sub3A_375, %sub3A_393 : vector<16xf32>
      %add3A_401 = arith.addf %mul3A_399, %mul3A_400 : vector<16xf32>
      %mul3A_402 = arith.mulf %sub3A_382, %sub3A_398 : vector<16xf32>
      %add3A_403 = arith.addf %add3A_401, %mul3A_402 : vector<16xf32>
      %add3A_404 = vector.broadcast %convert_element_type3A_324 : i32 to vector<16xi32>
      %add3A_405 = arith.addi %add3A_404, %select_n3A : vector<16xi32>
      %min3A = arith.constant 1023 : i32
      %min3A_406 = vector.broadcast %min3A : i32 to vector<16xi32>
      %min3A_407 = arith.minsi %add3A_405, %min3A_406 : vector<16xi32>
      %mul3A_408 = arith.constant 3 : i32
      %mul3A_409 = vector.broadcast %mul3A_408 : i32 to vector<16xi32>
      %mul3A_410 = arith.muli %min3A_407, %mul3A_409 : vector<16xi32>
      %add3A_411 = arith.addi %mul3A_410, %sub3A_356 : vector<16xi32>
      %lt3A = arith.constant 24 : i32
      %lt3A_412 = vector.broadcast %lt3A : i32 to vector<16xi32>
      %lt3A_413 = arith.cmpi slt, %add3A_327, %lt3A_412 : vector<16xi32>
      tpu.vector_store_idx %arg17[%add3A_411], %add3A_403 masked %lt3A_413 : memref<3072xf32, #tpu.memory_space<vmem>>[vector<16xi32>], vector<16xf32>, vector<16xi1>
      %gather3A_414 = tpu.vector_load_idx %arg25[%min3A_407] : memref<1024xf32, #tpu.memory_space<vmem>>[vector<16xi32>], vector<16xf32>,
      %gather3A_415 = tpu.vector_load_idx %arg13[%add3A_411] : memref<3072xf32, #tpu.memory_space<vmem>>[vector<16xi32>], vector<16xf32>,
      %mul3A_416 = arith.mulf %gather3A_414, %add3A_403 : vector<16xf32>
      %add3A_417 = arith.addf %gather3A_415, %mul3A_416 : vector<16xf32>
      tpu.vector_store_idx %arg19[%add3A_411], %add3A_417 masked %lt3A_413 : memref<3072xf32, #tpu.memory_space<vmem>>[vector<16xi32>], vector<16xf32>, vector<16xi1>
      %add3A_418 = arith.constant 16 : i32
      %add3A_419 = vector.broadcast %add3A_418 : i32 to vector<16xi32>
      %add3A_420 = arith.addi %iota3A, %add3A_419 : vector<16xi32>
      %jit3A_421 = arith.constant 3 : i32
      %div3A_422 = vector.broadcast %jit3A_421 : i32 to vector<16xi32>
      %div3A_423 = arith.divsi %add3A_420, %div3A_422 : vector<16xi32>
      %sign3A_424 = arith.constant 0 : i32
      %sign3A_425 = vector.broadcast %sign3A_424 : i32 to vector<16xi32>
      %sign3A_426 = arith.cmpi sgt, %add3A_420, %sign3A_425 : vector<16xi32>
      %sign3A_427 = arith.extui %sign3A_426 : vector<16xi1> to vector<16xi32>
      %sign3A_428 = arith.constant 0 : i32
      %sign3A_429 = vector.broadcast %sign3A_428 : i32 to vector<16xi32>
      %sign3A_430 = arith.cmpi slt, %add3A_420, %sign3A_429 : vector<16xi32>
      %sign3A_431 = arith.extui %sign3A_430 : vector<16xi1> to vector<16xi32>
      %sign3A_432 = arith.subi %sign3A_427, %sign3A_431 : vector<16xi32>
      %sign3A_433 = arith.constant 0 : i32
      %sign3A_434 = arith.cmpi sgt, %jit3A_421, %sign3A_433 : i32
      %sign3A_435 = arith.extui %sign3A_434 : i1 to i32
      %sign3A_436 = arith.constant 0 : i32
      %sign3A_437 = arith.cmpi slt, %jit3A_421, %sign3A_436 : i32
      %sign3A_438 = arith.extui %sign3A_437 : i1 to i32
      %sign3A_439 = arith.subi %sign3A_435, %sign3A_438 : i32
      %ne3A_440 = vector.broadcast %sign3A_439 : i32 to vector<16xi32>
      %ne3A_441 = arith.cmpi ne, %sign3A_432, %ne3A_440 : vector<16xi32>
      %rem3A_442 = vector.broadcast %jit3A_421 : i32 to vector<16xi32>
      %rem3A_443 = arith.remsi %add3A_420, %rem3A_442 : vector<16xi32>
      %ne3A_444 = arith.constant 0 : i32
      %ne3A_445 = vector.broadcast %ne3A_444 : i32 to vector<16xi32>
      %ne3A_446 = arith.cmpi ne, %rem3A_443, %ne3A_445 : vector<16xi32>
      %and3A_447 = arith.andi %ne3A_441, %ne3A_446 : vector<16xi1>
      %sub3A_448 = arith.constant 1 : i32
      %sub3A_449 = vector.broadcast %sub3A_448 : i32 to vector<16xi32>
      %sub3A_450 = arith.subi %div3A_423, %sub3A_449 : vector<16xi32>
      %select_n3A_451 = arith.select %and3A_447, %sub3A_450, %div3A_423 : vector<16xi1>, vector<16xi32>
      %mul3A_452 = arith.constant 3 : i32
      %mul3A_453 = vector.broadcast %mul3A_452 : i32 to vector<16xi32>
      %mul3A_454 = arith.muli %select_n3A_451, %mul3A_453 : vector<16xi32>
      %sub3A_455 = arith.subi %add3A_420, %mul3A_454 : vector<16xi32>
      %shift_right_arithmetic3A_456 = arith.constant 2 : i32
      %shift_right_arithmetic3A_457 = vector.broadcast %shift_right_arithmetic3A_456 : i32 to vector<16xi32>
      %shift_right_arithmetic3A_458 = arith.shrsi %select_n3A_451, %shift_right_arithmetic3A_457 : vector<16xi32>
      %and3A_459 = arith.constant 1 : i32
      %and3A_460 = vector.broadcast %and3A_459 : i32 to vector<16xi32>
      %and3A_461 = arith.andi %shift_right_arithmetic3A_458, %and3A_460 : vector<16xi32>
      %convert_element_type3A_462 = arith.sitofp %and3A_461 : vector<16xi32> to vector<16xf32>
      %sub3A_463 = arith.constant 5.000000e-01 : f32
      %sub3A_464 = vector.broadcast %sub3A_463 : f32 to vector<16xf32>
      %sub3A_465 = arith.subf %convert_element_type3A_462, %sub3A_464 : vector<16xf32>
      %shift_right_arithmetic3A_466 = arith.constant 1 : i32
      %shift_right_arithmetic3A_467 = vector.broadcast %shift_right_arithmetic3A_466 : i32 to vector<16xi32>
      %shift_right_arithmetic3A_468 = arith.shrsi %select_n3A_451, %shift_right_arithmetic3A_467 : vector<16xi32>
      %and3A_469 = arith.constant 1 : i32
      %and3A_470 = vector.broadcast %and3A_469 : i32 to vector<16xi32>
      %and3A_471 = arith.andi %shift_right_arithmetic3A_468, %and3A_470 : vector<16xi32>
      %convert_element_type3A_472 = arith.sitofp %and3A_471 : vector<16xi32> to vector<16xf32>
      %sub3A_473 = arith.constant 5.000000e-01 : f32
      %sub3A_474 = vector.broadcast %sub3A_473 : f32 to vector<16xf32>
      %sub3A_475 = arith.subf %convert_element_type3A_472, %sub3A_474 : vector<16xf32>
      %and3A_476 = arith.constant 1 : i32
      %and3A_477 = vector.broadcast %and3A_476 : i32 to vector<16xi32>
      %and3A_478 = arith.andi %select_n3A_451, %and3A_477 : vector<16xi32>
      %convert_element_type3A_479 = arith.sitofp %and3A_478 : vector<16xi32> to vector<16xf32>
      %sub3A_480 = arith.constant 5.000000e-01 : f32
      %sub3A_481 = vector.broadcast %sub3A_480 : f32 to vector<16xf32>
      %sub3A_482 = arith.subf %convert_element_type3A_479, %sub3A_481 : vector<16xf32>
      %gather3A_483 = tpu.vector_load_idx %arg29[%sub3A_455] : memref<32xf32, #tpu.memory_space<vmem>>[vector<16xi32>], vector<16xf32>,
      %add3A_484 = arith.constant 12 : i32
      %add3A_485 = vector.broadcast %add3A_484 : i32 to vector<16xi32>
      %add3A_486 = arith.addi %sub3A_455, %add3A_485 : vector<16xi32>
      %gather3A_487 = tpu.vector_load_idx %arg29[%add3A_486] : memref<32xf32, #tpu.memory_space<vmem>>[vector<16xi32>], vector<16xf32>,
      %sub3A_488 = arith.subf %gather3A_487, %gather3A_483 : vector<16xf32>
      %add3A_489 = arith.constant 6 : i32
      %add3A_490 = vector.broadcast %add3A_489 : i32 to vector<16xi32>
      %add3A_491 = arith.addi %sub3A_455, %add3A_490 : vector<16xi32>
      %gather3A_492 = tpu.vector_load_idx %arg29[%add3A_491] : memref<32xf32, #tpu.memory_space<vmem>>[vector<16xi32>], vector<16xf32>,
      %sub3A_493 = arith.subf %gather3A_492, %gather3A_483 : vector<16xf32>
      %add3A_494 = arith.constant 3 : i32
      %add3A_495 = vector.broadcast %add3A_494 : i32 to vector<16xi32>
      %add3A_496 = arith.addi %sub3A_455, %add3A_495 : vector<16xi32>
      %gather3A_497 = tpu.vector_load_idx %arg29[%add3A_496] : memref<32xf32, #tpu.memory_space<vmem>>[vector<16xi32>], vector<16xf32>,
      %sub3A_498 = arith.subf %gather3A_497, %gather3A_483 : vector<16xf32>
      %mul3A_499 = arith.mulf %sub3A_465, %sub3A_488 : vector<16xf32>
      %mul3A_500 = arith.mulf %sub3A_475, %sub3A_493 : vector<16xf32>
      %add3A_501 = arith.addf %mul3A_499, %mul3A_500 : vector<16xf32>
      %mul3A_502 = arith.mulf %sub3A_482, %sub3A_498 : vector<16xf32>
      %add3A_503 = arith.addf %add3A_501, %mul3A_502 : vector<16xf32>
      %add3A_504 = vector.broadcast %convert_element_type3A_324 : i32 to vector<16xi32>
      %add3A_505 = arith.addi %add3A_504, %select_n3A_451 : vector<16xi32>
      %min3A_506 = arith.constant 1023 : i32
      %min3A_507 = vector.broadcast %min3A_506 : i32 to vector<16xi32>
      %min3A_508 = arith.minsi %add3A_505, %min3A_507 : vector<16xi32>
      %mul3A_509 = arith.constant 3 : i32
      %mul3A_510 = vector.broadcast %mul3A_509 : i32 to vector<16xi32>
      %mul3A_511 = arith.muli %min3A_508, %mul3A_510 : vector<16xi32>
      %add3A_512 = arith.addi %mul3A_511, %sub3A_455 : vector<16xi32>
      %lt3A_513 = arith.constant 24 : i32
      %lt3A_514 = vector.broadcast %lt3A_513 : i32 to vector<16xi32>
      %lt3A_515 = arith.cmpi slt, %add3A_420, %lt3A_514 : vector<16xi32>
      tpu.vector_store_idx %arg17[%add3A_512], %add3A_503 masked %lt3A_515 : memref<3072xf32, #tpu.memory_space<vmem>>[vector<16xi32>], vector<16xf32>, vector<16xi1>
      %gather3A_516 = tpu.vector_load_idx %arg25[%min3A_508] : memref<1024xf32, #tpu.memory_space<vmem>>[vector<16xi32>], vector<16xf32>,
      %gather3A_517 = tpu.vector_load_idx %arg13[%add3A_512] : memref<3072xf32, #tpu.memory_space<vmem>>[vector<16xi32>], vector<16xf32>,
      %mul3A_518 = arith.mulf %gather3A_516, %add3A_503 : vector<16xf32>
      %add3A_519 = arith.addf %gather3A_517, %mul3A_518 : vector<16xf32>
      tpu.vector_store_idx %arg19[%add3A_512], %add3A_519 masked %lt3A_515 : memref<3072xf32, #tpu.memory_space<vmem>>[vector<16xi32>], vector<16xf32>, vector<16xi1>
    } else {
    }
    %dma_start3A_252 = arith.constant 0 : i32
    %dma_start3A_253 = tpu.memref_slice %arg9[%add3A_170, %dma_start3A_252] : memref<64x3072xf32, #tpu.memory_space<hbm>> -> memref<1x3072xf32, #tpu.memory_space<hbm>>
    %dma_start3A_254 = tpu.memref_squeeze %dma_start3A_253 : memref<1x3072xf32, #tpu.memory_space<hbm>> -> memref<3072xf32, #tpu.memory_space<hbm>>
    %dma_start3A_255 = arith.constant 0 : i32
    %dma_start3A_256 = tpu.memref_slice %arg9[%add3A_170, %dma_start3A_255] : memref<64x3072xf32, #tpu.memory_space<hbm>> -> memref<1x3072xf32, #tpu.memory_space<hbm>>
    %dma_start3A_257 = tpu.memref_squeeze %dma_start3A_256 : memref<1x3072xf32, #tpu.memory_space<hbm>> -> memref<3072xf32, #tpu.memory_space<hbm>>
    tpu.enqueue_dma source(%arg17 : memref<3072xf32, #tpu.memory_space<vmem>>) target(%dma_start3A_257 : memref<3072xf32, #tpu.memory_space<hbm>>) target_semaphore(%arg35 : memref<!tpu.dma_semaphore, #tpu.memory_space<semaphore_mem>>)
    %dma_start3A_258 = arith.constant 0 : i32
    %dma_start3A_259 = tpu.memref_slice %arg8[%add3A_170, %dma_start3A_258] : memref<64x3072xf32, #tpu.memory_space<hbm>> -> memref<1x3072xf32, #tpu.memory_space<hbm>>
    %dma_start3A_260 = tpu.memref_squeeze %dma_start3A_259 : memref<1x3072xf32, #tpu.memory_space<hbm>> -> memref<3072xf32, #tpu.memory_space<hbm>>
    %dma_start3A_261 = arith.constant 0 : i32
    %dma_start3A_262 = tpu.memref_slice %arg8[%add3A_170, %dma_start3A_261] : memref<64x3072xf32, #tpu.memory_space<hbm>> -> memref<1x3072xf32, #tpu.memory_space<hbm>>
    %dma_start3A_263 = tpu.memref_squeeze %dma_start3A_262 : memref<1x3072xf32, #tpu.memory_space<hbm>> -> memref<3072xf32, #tpu.memory_space<hbm>>
    tpu.enqueue_dma source(%arg19 : memref<3072xf32, #tpu.memory_space<vmem>>) target(%dma_start3A_263 : memref<3072xf32, #tpu.memory_space<hbm>>) target_semaphore(%arg35 : memref<!tpu.dma_semaphore, #tpu.memory_space<semaphore_mem>>)
    %dma_start3A_264 = arith.constant 0 : i32
    %dma_start3A_265 = tpu.memref_slice %arg10[%add3A_170, %dma_start3A_264] : memref<64x1024xf32, #tpu.memory_space<hbm>> -> memref<1x1024xf32, #tpu.memory_space<hbm>>
    %dma_start3A_266 = tpu.memref_squeeze %dma_start3A_265 : memref<1x1024xf32, #tpu.memory_space<hbm>> -> memref<1024xf32, #tpu.memory_space<hbm>>
    %dma_start3A_267 = arith.constant 0 : i32
    %dma_start3A_268 = tpu.memref_slice %arg10[%add3A_170, %dma_start3A_267] : memref<64x1024xf32, #tpu.memory_space<hbm>> -> memref<1x1024xf32, #tpu.memory_space<hbm>>
    %dma_start3A_269 = tpu.memref_squeeze %dma_start3A_268 : memref<1x1024xf32, #tpu.memory_space<hbm>> -> memref<1024xf32, #tpu.memory_space<hbm>>
    tpu.enqueue_dma source(%arg25 : memref<1024xf32, #tpu.memory_space<vmem>>) target(%dma_start3A_269 : memref<1024xf32, #tpu.memory_space<hbm>>) target_semaphore(%arg35 : memref<!tpu.dma_semaphore, #tpu.memory_space<semaphore_mem>>)
    %dma_start3A_270 = arith.constant 0 : i32
    %dma_start3A_271 = tpu.memref_slice %arg11[%add3A_170, %dma_start3A_270] : memref<64x1024xf32, #tpu.memory_space<hbm>> -> memref<1x1024xf32, #tpu.memory_space<hbm>>
    %dma_start3A_272 = tpu.memref_squeeze %dma_start3A_271 : memref<1x1024xf32, #tpu.memory_space<hbm>> -> memref<1024xf32, #tpu.memory_space<hbm>>
    %dma_start3A_273 = arith.constant 0 : i32
    %dma_start3A_274 = tpu.memref_slice %arg11[%add3A_170, %dma_start3A_273] : memref<64x1024xf32, #tpu.memory_space<hbm>> -> memref<1x1024xf32, #tpu.memory_space<hbm>>
    %dma_start3A_275 = tpu.memref_squeeze %dma_start3A_274 : memref<1x1024xf32, #tpu.memory_space<hbm>> -> memref<1024xf32, #tpu.memory_space<hbm>>
    tpu.enqueue_dma source(%arg27 : memref<1024xf32, #tpu.memory_space<vmem>>) target(%dma_start3A_275 : memref<1024xf32, #tpu.memory_space<hbm>>) target_semaphore(%arg35 : memref<!tpu.dma_semaphore, #tpu.memory_space<semaphore_mem>>)
    %dma_wait3A_276 = arith.constant 0 : i32
    %dma_wait3A_277 = tpu.memref_slice %arg9[%add3A_74, %dma_wait3A_276] : memref<64x3072xf32, #tpu.memory_space<hbm>> -> memref<1x3072xf32, #tpu.memory_space<hbm>>
    %dma_wait3A_278 = tpu.memref_squeeze %dma_wait3A_277 : memref<1x3072xf32, #tpu.memory_space<hbm>> -> memref<3072xf32, #tpu.memory_space<hbm>>
    %dma_wait3A_279 = arith.constant 0 : i32
    %dma_wait3A_280 = tpu.memref_slice %arg9[%add3A_74, %dma_wait3A_279] : memref<64x3072xf32, #tpu.memory_space<hbm>> -> memref<1x3072xf32, #tpu.memory_space<hbm>>
    %dma_wait3A_281 = tpu.memref_squeeze %dma_wait3A_280 : memref<1x3072xf32, #tpu.memory_space<hbm>> -> memref<3072xf32, #tpu.memory_space<hbm>>
    tpu.wait_dma2 semaphore(%arg35 : memref<!tpu.dma_semaphore, #tpu.memory_space<semaphore_mem>>) src(%arg16 : memref<3072xf32, #tpu.memory_space<vmem>>) dst(%dma_wait3A_281 : memref<3072xf32, #tpu.memory_space<hbm>>)
    %dma_wait3A_282 = arith.constant 0 : i32
    %dma_wait3A_283 = tpu.memref_slice %arg8[%add3A_74, %dma_wait3A_282] : memref<64x3072xf32, #tpu.memory_space<hbm>> -> memref<1x3072xf32, #tpu.memory_space<hbm>>
    %dma_wait3A_284 = tpu.memref_squeeze %dma_wait3A_283 : memref<1x3072xf32, #tpu.memory_space<hbm>> -> memref<3072xf32, #tpu.memory_space<hbm>>
    %dma_wait3A_285 = arith.constant 0 : i32
    %dma_wait3A_286 = tpu.memref_slice %arg8[%add3A_74, %dma_wait3A_285] : memref<64x3072xf32, #tpu.memory_space<hbm>> -> memref<1x3072xf32, #tpu.memory_space<hbm>>
    %dma_wait3A_287 = tpu.memref_squeeze %dma_wait3A_286 : memref<1x3072xf32, #tpu.memory_space<hbm>> -> memref<3072xf32, #tpu.memory_space<hbm>>
    tpu.wait_dma2 semaphore(%arg35 : memref<!tpu.dma_semaphore, #tpu.memory_space<semaphore_mem>>) src(%arg18 : memref<3072xf32, #tpu.memory_space<vmem>>) dst(%dma_wait3A_287 : memref<3072xf32, #tpu.memory_space<hbm>>)
    %dma_wait3A_288 = arith.constant 0 : i32
    %dma_wait3A_289 = tpu.memref_slice %arg10[%add3A_74, %dma_wait3A_288] : memref<64x1024xf32, #tpu.memory_space<hbm>> -> memref<1x1024xf32, #tpu.memory_space<hbm>>
    %dma_wait3A_290 = tpu.memref_squeeze %dma_wait3A_289 : memref<1x1024xf32, #tpu.memory_space<hbm>> -> memref<1024xf32, #tpu.memory_space<hbm>>
    %dma_wait3A_291 = arith.constant 0 : i32
    %dma_wait3A_292 = tpu.memref_slice %arg10[%add3A_74, %dma_wait3A_291] : memref<64x1024xf32, #tpu.memory_space<hbm>> -> memref<1x1024xf32, #tpu.memory_space<hbm>>
    %dma_wait3A_293 = tpu.memref_squeeze %dma_wait3A_292 : memref<1x1024xf32, #tpu.memory_space<hbm>> -> memref<1024xf32, #tpu.memory_space<hbm>>
    tpu.wait_dma2 semaphore(%arg35 : memref<!tpu.dma_semaphore, #tpu.memory_space<semaphore_mem>>) src(%arg24 : memref<1024xf32, #tpu.memory_space<vmem>>) dst(%dma_wait3A_293 : memref<1024xf32, #tpu.memory_space<hbm>>)
    %dma_wait3A_294 = arith.constant 0 : i32
    %dma_wait3A_295 = tpu.memref_slice %arg11[%add3A_74, %dma_wait3A_294] : memref<64x1024xf32, #tpu.memory_space<hbm>> -> memref<1x1024xf32, #tpu.memory_space<hbm>>
    %dma_wait3A_296 = tpu.memref_squeeze %dma_wait3A_295 : memref<1x1024xf32, #tpu.memory_space<hbm>> -> memref<1024xf32, #tpu.memory_space<hbm>>
    %dma_wait3A_297 = arith.constant 0 : i32
    %dma_wait3A_298 = tpu.memref_slice %arg11[%add3A_74, %dma_wait3A_297] : memref<64x1024xf32, #tpu.memory_space<hbm>> -> memref<1x1024xf32, #tpu.memory_space<hbm>>
    %dma_wait3A_299 = tpu.memref_squeeze %dma_wait3A_298 : memref<1x1024xf32, #tpu.memory_space<hbm>> -> memref<1024xf32, #tpu.memory_space<hbm>>
    tpu.wait_dma2 semaphore(%arg35 : memref<!tpu.dma_semaphore, #tpu.memory_space<semaphore_mem>>) src(%arg26 : memref<1024xf32, #tpu.memory_space<vmem>>) dst(%dma_wait3A_299 : memref<1024xf32, #tpu.memory_space<hbm>>)
    %dma_wait3A_300 = arith.constant 0 : i32
    %dma_wait3A_301 = tpu.memref_slice %arg9[%add3A_170, %dma_wait3A_300] : memref<64x3072xf32, #tpu.memory_space<hbm>> -> memref<1x3072xf32, #tpu.memory_space<hbm>>
    %dma_wait3A_302 = tpu.memref_squeeze %dma_wait3A_301 : memref<1x3072xf32, #tpu.memory_space<hbm>> -> memref<3072xf32, #tpu.memory_space<hbm>>
    %dma_wait3A_303 = arith.constant 0 : i32
    %dma_wait3A_304 = tpu.memref_slice %arg9[%add3A_170, %dma_wait3A_303] : memref<64x3072xf32, #tpu.memory_space<hbm>> -> memref<1x3072xf32, #tpu.memory_space<hbm>>
    %dma_wait3A_305 = tpu.memref_squeeze %dma_wait3A_304 : memref<1x3072xf32, #tpu.memory_space<hbm>> -> memref<3072xf32, #tpu.memory_space<hbm>>
    tpu.wait_dma2 semaphore(%arg35 : memref<!tpu.dma_semaphore, #tpu.memory_space<semaphore_mem>>) src(%arg17 : memref<3072xf32, #tpu.memory_space<vmem>>) dst(%dma_wait3A_305 : memref<3072xf32, #tpu.memory_space<hbm>>)
    %dma_wait3A_306 = arith.constant 0 : i32
    %dma_wait3A_307 = tpu.memref_slice %arg8[%add3A_170, %dma_wait3A_306] : memref<64x3072xf32, #tpu.memory_space<hbm>> -> memref<1x3072xf32, #tpu.memory_space<hbm>>
    %dma_wait3A_308 = tpu.memref_squeeze %dma_wait3A_307 : memref<1x3072xf32, #tpu.memory_space<hbm>> -> memref<3072xf32, #tpu.memory_space<hbm>>
    %dma_wait3A_309 = arith.constant 0 : i32
    %dma_wait3A_310 = tpu.memref_slice %arg8[%add3A_170, %dma_wait3A_309] : memref<64x3072xf32, #tpu.memory_space<hbm>> -> memref<1x3072xf32, #tpu.memory_space<hbm>>
    %dma_wait3A_311 = tpu.memref_squeeze %dma_wait3A_310 : memref<1x3072xf32, #tpu.memory_space<hbm>> -> memref<3072xf32, #tpu.memory_space<hbm>>
    tpu.wait_dma2 semaphore(%arg35 : memref<!tpu.dma_semaphore, #tpu.memory_space<semaphore_mem>>) src(%arg19 : memref<3072xf32, #tpu.memory_space<vmem>>) dst(%dma_wait3A_311 : memref<3072xf32, #tpu.memory_space<hbm>>)
    %dma_wait3A_312 = arith.constant 0 : i32
    %dma_wait3A_313 = tpu.memref_slice %arg10[%add3A_170, %dma_wait3A_312] : memref<64x1024xf32, #tpu.memory_space<hbm>> -> memref<1x1024xf32, #tpu.memory_space<hbm>>
    %dma_wait3A_314 = tpu.memref_squeeze %dma_wait3A_313 : memref<1x1024xf32, #tpu.memory_space<hbm>> -> memref<1024xf32, #tpu.memory_space<hbm>>
    %dma_wait3A_315 = arith.constant 0 : i32
    %dma_wait3A_316 = tpu.memref_slice %arg10[%add3A_170, %dma_wait3A_315] : memref<64x1024xf32, #tpu.memory_space<hbm>> -> memref<1x1024xf32, #tpu.memory_space<hbm>>
    %dma_wait3A_317 = tpu.memref_squeeze %dma_wait3A_316 : memref<1x1024xf32, #tpu.memory_space<hbm>> -> memref<1024xf32, #tpu.memory_space<hbm>>
    tpu.wait_dma2 semaphore(%arg35 : memref<!tpu.dma_semaphore, #tpu.memory_space<semaphore_mem>>) src(%arg25 : memref<1024xf32, #tpu.memory_space<vmem>>) dst(%dma_wait3A_317 : memref<1024xf32, #tpu.memory_space<hbm>>)
    %dma_wait3A_318 = arith.constant 0 : i32
    %dma_wait3A_319 = tpu.memref_slice %arg11[%add3A_170, %dma_wait3A_318] : memref<64x1024xf32, #tpu.memory_space<hbm>> -> memref<1x1024xf32, #tpu.memory_space<hbm>>
    %dma_wait3A_320 = tpu.memref_squeeze %dma_wait3A_319 : memref<1x1024xf32, #tpu.memory_space<hbm>> -> memref<1024xf32, #tpu.memory_space<hbm>>
    %dma_wait3A_321 = arith.constant 0 : i32
    %dma_wait3A_322 = tpu.memref_slice %arg11[%add3A_170, %dma_wait3A_321] : memref<64x1024xf32, #tpu.memory_space<hbm>> -> memref<1x1024xf32, #tpu.memory_space<hbm>>
    %dma_wait3A_323 = tpu.memref_squeeze %dma_wait3A_322 : memref<1x1024xf32, #tpu.memory_space<hbm>> -> memref<1024xf32, #tpu.memory_space<hbm>>
    tpu.wait_dma2 semaphore(%arg35 : memref<!tpu.dma_semaphore, #tpu.memory_space<semaphore_mem>>) src(%arg27 : memref<1024xf32, #tpu.memory_space<vmem>>) dst(%dma_wait3A_323 : memref<1024xf32, #tpu.memory_space<hbm>>)
    return
  }
}

</mosaic_0001>

<sc_bundles>
// kernel: kernel.3.cloned.1.call-start
scs
__scs_entry_jumppad:
0x0: {  	(pc) =	sbr.rel $0x88, $3  }
0x1: {  	(tag) =	ssettag $0x0;
	lr =	simm.s32 $0x1  }
0x2: {  	[smem:$0x3F9D] =	sst lr;
	_ =	strace $0xD0000000  }
0x3: {  	_ = 	snop  }
0x4: {  	_ = 	snop  }
0x5: {  	_ = 	snop  }
0x6: {  	_ = 	snop  }
0x7: {  	_ = 	snop  }
__scs_overlays_trampoline_lowered:
0x8: {  	[smem:$0x3FAC] =	sst s0  }
0x9: {  	[smem:$0x3FAD] =	sst s1  }
0xa: {  	[smem:$0x3FAE] =	sst s2  }
0xb: {  	[smem:$0x3FAF] =	sst s3  }
0xc: {  	[smem:$0x3FB0] =	sst s4  }
0xd: {  	[smem:$0x3FB1] =	sst s5  }
0xe: {  	[smem:$0x3FB2] =	sst s6  }
0xf: {  	[smem:$0x3FB3] =	sst s7  }
0x10: {  	[smem:$0x3FB4] =	sst s8  }
0x11: {  	[smem:$0x3FB5] =	sst s9;
	s0 =	simm.s32 @!p0 $0x0  }
0x12: {  	s1 =	sld [smem:$0x3F9B];
	s0 =	simm.s32 @p0 $0x1  }
0x13: {  	[smem:$0x3FB6] =	sst s0;
	s0 =	simm.s32 @!p1 $0x0  }
0x14: {  	s2 =	sld [smem:$0x3F9A];
	s0 =	simm.s32 @p1 $0x1  }
0x15: {  	[smem:$0x3FB7] =	sst s0;
	s0 =	simm.s32 @!p2 $0x0  }
0x16: {  	s3 =	sld [smem:$0x3FDB];
	s0 =	simm.s32 @p2 $0x1  }
0x17: {  	s4 =	simm.s32 $0x1BF5;
	[smem:$0x3FB9] =	sst s0  }
0x18: {  	s0 =	sld [smem:$0x3F9C];
	_ =	swait.ge [sflag:s4], $0x0  }
0x19: {  	s7 =	sld [smem:$0x3F9D]  }
0x1a: {  	s8 =	sadd.s32 $0xFFFFE003, lr  }
0x1b: {  	s9 =	sadd.s32 $0xFFFFFEF7, lr;
	s5 =	simm.s32 $0xFFFFFFFF;
	p2 =	slt.u32 s8, $0xFFFFF086  }
0x1c: {  	p1 =	slt.u32 s9, $0xF7A;
	s5 =	simm.s32 @!p2 $0x0  }
0x1d: {  	s5 =	simm.s32 @p1 $0x1;
	p0 =	seq.s32 s7, s2  }
0x1e: {  	s7 =	smul.u32 @!p0 $0xF7A, s2;
	p2 =	seq.s32 @!p0 s5, $0x0  }
0x1f: {  	s9 =	smul.u32 $0xF7A, s1;
	s8 =	simm.s32 @!p0 $0x1BF5;
	p2 =	por !p2, p0  }
0x20: {  	[sflag:s8] =	ssyncset.s32 @!p0 $0xFFFFF086;
	s6 =	sadd.s32 @!p0 s3, s7;
	s7 =	simm.s32 @!p0 $0x108  }
0x21: {  	s3 =	sadd.s32 s3, s9;
	s6 =	sadd.s32 @!p0 $0x88, s6;
	s7 =	simm.s32 @p2 $0x1082  }
0x22: {  	[simem:s7], [sflag:s8] =	dma.local @!p0 [hbm:s6], $0xF7A  }
0x23: {  	s9 =	sor.u32 $0xD0000000, s2;
	s6 =	simm.s32 $0x108;
	_ =	swait.ge @!p0 [sflag:s8], $0x0  }
0x24: {  	s3 =	sadd.s32 $0x88, s3;
	s6 =	simm.s32 @!p1 $0x1082;
	[sflag:s4] =	ssyncset.s32 $0xFFFFF086  }
0x25: {  	[simem:s6], [sflag:s4] =	dma.local [hbm:s3], $0xF7A  }
0x26: {  	[smem:$0x3F9D] =	sst s1;
	(tag) =	ssettag s2;
	_ =	strace s9  }
0x27: {  	s1 =	sld [smem:$0x3FAD]  }
0x28: {  	s2 =	sld [smem:$0x3FAE]  }
0x29: {  	s4 =	sld [smem:$0x3FB0]  }
0x2a: {  	p0 =	seq.s32 s5, $0x0;
	s5 =	sld [smem:$0x3FB1]  }
0x2b: {  	s6 =	sld [smem:$0x3FB2]  }
0x2c: {  	s7 =	sld [smem:$0x3FB3]  }
0x2d: {  	s3 =	simm.s32 $0x108;
	s8 =	sld [smem:$0x3FB4]  }
0x2e: {  	s3 =	simm.s32 @!p0 $0x1082;
	s9 =	sld [smem:$0x3FB5]  }
0x2f: {  	lr =	sadd.s32 s0, s3;
	s0 =	sld [smem:$0x3FAC]  }
0x30: {  	s3 =	sld [smem:$0x3FAF]  }
0x31: {  	[smem:$0x3FB8] =	sst s10  }
0x32: {  	s10 =	sld [smem:$0x3FB6];
	_ =	sdelay $0x3  }
0x33: {  	p0 =	seq.s32 s10, $0x1;
	s10 =	sld [smem:$0x3FB8];
	_ =	sdelay $0x3  }
0x34: {  	[smem:$0x3FB8] =	sst s10  }
0x35: {  	s10 =	sld [smem:$0x3FB7];
	_ =	sdelay $0x3  }
0x36: {  	p1 =	seq.s32 s10, $0x1;
	s10 =	sld [smem:$0x3FB8];
	_ =	sdelay $0x3  }
0x37: {  	[smem:$0x3FB8] =	sst s10  }
0x38: {  	s10 =	sld [smem:$0x3FB9]  }
0x39: {  	_ = 	snop;
	(pc) =	sbr.ind lr, $3  }
0x3a: {  	_ = 	snop  }
0x3b: {  	_ = 	snop  }
0x3c: {  	p2 =	seq.s32 s10, $0x1;
	s10 =	sld [smem:$0x3FB8]  }
0x3d: {  	_ =	shalt  }
0x3e: {  	_ =	shalt  }
0x3f: {  	_ =	shalt  }
0x40: {  	_ =	shalt  }
0x41: {  	_ =	shalt  }
0x42: {  	_ =	shalt  }
0x43: {  	_ =	shalt  }
0x44: {  	_ =	shalt  }
0x45: {  	_ =	shalt  }
0x46: {  	_ =	shalt  }
0x47: {  	_ =	shalt  }
0x48: {  	_ =	shalt  }
0x49: {  	_ =	shalt  }
0x4a: {  	_ =	shalt  }
0x4b: {  	_ =	shalt  }
0x4c: {  	_ =	shalt  }
0x4d: {  	_ =	shalt  }
0x4e: {  	_ =	shalt  }
0x4f: {  	_ =	shalt  }
0x50: {  	_ =	shalt  }
0x51: {  	_ =	shalt  }
0x52: {  	_ =	shalt  }
0x53: {  	_ =	shalt  }
0x54: {  	_ =	shalt  }
0x55: {  	_ =	shalt  }
0x56: {  	_ =	shalt  }
0x57: {  	_ =	shalt  }
0x58: {  	_ =	shalt  }
0x59: {  	_ =	shalt  }
0x5a: {  	_ =	shalt  }
0x5b: {  	_ =	shalt  }
0x5c: {  	_ =	shalt  }
0x5d: {  	_ =	shalt  }
0x5e: {  	_ =	shalt  }
0x5f: {  	_ =	shalt  }
0x60: {  	_ =	shalt  }
0x61: {  	_ =	shalt  }
0x62: {  	_ =	shalt  }
0x63: {  	_ =	shalt  }
0x64: {  	_ =	shalt  }
0x65: {  	_ =	shalt  }
0x66: {  	_ =	shalt  }
0x67: {  	_ =	shalt  }
0x68: {  	_ =	shalt  }
0x69: {  	_ =	shalt  }
0x6a: {  	_ =	shalt  }
0x6b: {  	_ =	shalt  }
0x6c: {  	_ =	shalt  }
0x6d: {  	_ =	shalt  }
0x6e: {  	_ =	shalt  }
0x6f: {  	_ =	shalt  }
0x70: {  	_ =	shalt  }
0x71: {  	_ =	shalt  }
0x72: {  	_ =	shalt  }
0x73: {  	_ =	shalt  }
0x74: {  	_ =	shalt  }
0x75: {  	_ =	shalt  }
0x76: {  	_ =	shalt  }
0x77: {  	_ =	shalt  }
0x78: {  	_ =	shalt  }
0x79: {  	_ =	shalt  }
0x7a: {  	_ =	shalt  }
0x7b: {  	_ =	shalt  }
0x7c: {  	_ =	shalt  }
0x7d: {  	_ =	shalt  }
0x7e: {  	_ =	shalt  }
0x7f: {  	_ =	shalt  }
0x80: {  	_ =	shalt  }
0x81: {  	_ =	shalt  }
0x82: {  	_ =	shalt  }
0x83: {  	_ =	shalt  }
0x84: {  	_ =	shalt  }
0x85: {  	_ =	shalt  }
0x86: {  	_ =	shalt  }
0x87: {  	_ =	shalt  }
.Lfunc_end0:
.L_simem_size_0:
called_computation_lowered:
.L_overlay_start_0:
0x88: {  	s2 =	sld [smem:$0x3FD9]  }
0x89: {  	s3 =	sld [smem:$0x3FFE];
	_ =	sdelay $0x1  }
0x8a: {  	s1 =	srdreg.scid  }
0x8b: {  	s0 =	sand.u32 $0x1, s1  }
0x8c: {  	s14 =	sshll.u32 s0, $0xA;
	s2 =	sadd.s32 s3, s2  }
0x8d: {  	s2 =	sadd.s32 s2, s14  }
0x8e: {  	[smem:$0x3FC4] =	sst s2  }
0x8f: {  	_ = 	snop  }
0x90: {  	s2 =	sld [smem:$0x3FD0];
	_ =	sdelay $0x2  }
0x91: {  	s4 =	simm.s32 $0xA;
	s5 =	simm.s32 $0x10;
	s15 =	sld [smem:$0x3FC8]  }
0x92: {  	[smem:s5], [sflag:s4] =	dma.local [hbm:s2], $0x1  }
0x93: {  	_ =	swait.eq [sflag:s4], $0x1  }
0x94: {  	s16 =	sld [smem:$0x10]  }
0x95: {  	s17 =	sld [smem:$0x11];
	[sflag:s4] =	ssyncset.done $0x0  }
0x96: {  	s6 =	sld [smem:$0x12];
	[sflag:s4] =	ssyncadd.s32 $0xFFFFFFFF  }
0x97: {  	s18 =	sld [smem:$0x13];
	(tm) =	ssettm $0x1  }
0x98: {  	s7 =	sld [smem:$0x3FFB];
	_ =	sdelay $0x3  }
0x99: {  	_ =	strace s7  }
0x9a: {  	s7 =	sld [smem:$0x3FFC];
	_ =	sdelay $0x3  }
0x9b: {  	_ =	strace s7  }
0x9c: {  	s7 =	sld [smem:$0x3FFD];
	_ =	sdelay $0x3  }
0x9d: {  	_ =	strace s7  }
0x9e: {  	_ =	strace $0x8FFFFFFF  }
0x9f: {  	s19 =	sld [smem:$0x3FDB];
	_ =	sdelay $0x1  }
0xa0: {  	s8 =	simm.s32 $_scs_section_size  }
0xa1: {  	s9 =	simm.s32 $_size__tile_overlayer_lowered;
	s10 =	simm.s32 $_tile_overlayer_lowered  }
0xa2: {  	s22 =	simm.s32 $0x1BFF;
	s21 =	sshll.u32 s10, $0x1;
	s7 =	sadd.s32 s8, s19  }
0xa3: {  	s11 =	simm.s32 $0x0;
	s20 =	sshll.u32 s9, $0x1;
	s9 =	sadd.s32 s21, s7  }
0xa4: {  	[timem:s11], [sflag:s22] =	dma.local [hbm:s9], s20  }
0xa5: {  	_ =	swait.ge [sflag:s22], s20  }
0xa6: {  	s8 =	ssub.s32 $0x0, s20;
	[sflag:s22] =	ssyncset.done $0x0  }
0xa7: {  	[sflag:s22] =	ssyncadd.s32 s8;
	_ =	sdelay $0x1  }
0xa8: {  	s23 =	simm.s32 $0x1B8B  }
0xa9: {  	_ =	swait.ge [sflag:s23], $0x1  }
0xaa: {  	[sflag:s23] =	ssyncset.done $0x0  }
0xab: {  	s25 =	simm.s32 $0x1B8E;
	s24 =	sld [smem:$0x3FFE];
	[sflag:s23] =	ssyncadd.s32 $0xFFFFFFFF  }
0xac: {  	s26 =	simm.s32 $execute0_lowered;
	[smem:$0x3FD2] =	sst s25  }
0xad: {  	s9 =	sshll.u32 s26, $0x1;
	_ =	strace $0x80000046;
	[dreg:$0x1] =	wrdreg $0xFFFFFFFF  }
0xae: {  	s28 =	simm.s32 $_size_execute0_lowered;
	s7 =	sadd.s32 s7, s9;
	[dreg:$0x0] =	wrdreg $0x0  }
0xaf: {  	s9 =	sshll.u32 s28, $0x1;
	[dreg:$0x2] =	wrdreg s7  }
0xb0: {  	[dreg:$0x3] =	wrdreg s9  }
0xb1: {  	[dreg:$0x4] =	wrdreg $0xC0  }
0xb2: {  	_ =	task [dreg:s11], $0x5FFFF  }
0xb3: {  	[dreg:$0x1] =	wrdreg $0xFFFFFFFF  }
0xb4: {  	[dreg:$0x0] =	wrdreg $0x60  }
0xb5: {  	[dreg:$0x2] =	wrdreg s17  }
0xb6: {  	[dreg:$0x3] =	wrdreg s16  }
0xb7: {  	[dreg:$0x4] =	wrdreg s15  }
0xb8: {  	[dreg:$0x5] =	wrdreg s6  }
0xb9: {  	[dreg:$0x6] =	wrdreg s24  }
0xba: {  	[dreg:$0x7] =	wrdreg s18  }
0xbb: {  	[dreg:$0x8] =	wrdreg $0x9  }
0xbc: {  	_ =	task.clear_ibuf [dreg:s11], $0x9FFFF;
	_ =	strace $0x90000046  }
0xbd: {  	s29 =	simm.s32 $0x9;
	_ =	strace $0x80000048  }
0xbe: {  	_ =	swait.ge [sflag:s29], $0x1  }
0xbf: {  	[sflag:s29] =	ssyncadd.s32 $0xFFFFFFFF  }
0xc0: {  	_ =	strace $0x90000048  }
0xc1: {  	_ =	sfence  }
0xc2: {  	s30 =	sld [smem:$0x0];
	_ =	sdelay $0x2  }
0xc3: {  	s31 =	sshll.u32 s1, $0xD;
	s1 =	sshrl.u32 s1, $0x2  }
0xc4: {  	s3 =	sand.u32 $0x4000, s31;
	s1 =	sadd.s32 s1, s30  }
0xc5: {  	s0 =	sor.u32 s3, s0;
	s1 =	sshll.u32 s1, $0x11  }
0xc6: {  	s0 =	sor.u32 s1, s0  }
0xc7: {  	s0 =	sadd.s32 $0x8F2B, s0  }
0xc8: {  	[sflag:s0] =	ssyncadd.remote.s32 $0x1  }
0xc9: {  	_ =	sfence.sel $0xFFFF  }
0xca: {  	[dreg:$0x0] =	wrdreg $0xFFFFFFFF;
	(pc) =	sbr.abs _section_cstart, $3  }
0xcb: {  	[dreg:$0x1] =	wrdreg $0xFFFFFFFF  }
0xcc: {  	_ =	task.clear_ibuf [dreg:s11], $0x2FFFF;
	_ =	strace $0x9FFFFFFF  }
0xcd: {  	(tm) =	ssettm $0x7FFFFFFF  }
tec
execute0_lowered:
.L_overlay_start_1:
0x0: {  	(tag) =	ssettag $0x1  }
0x1: {  	v1 =	vlaneseq.u32;
	v2 =	vimm.s32 $0x24924924;
	s4 =	rddreg [dreg:$0x0];
	v7 =	vimm.s32 $0xDCEDCEDE  }
0x2: {  	s5 =	rddreg [dreg:$0x1];
	vm3 =	vcmask $0x2304;
	v12 =	vimm.s32 $0x68768760;
	v2 =	vunpack.c.l.s2.s4 v2  }
0x3: {  	s0 =	srdreg.scid;
	s21 =	rddreg [dreg:$0x2];
	v13 =	vimm.s32 $0x43543545;
	v14 =	vimm.s32 $0x35435430;
	vm4 =	vcmask $0x3F24  }
0x4: {  	s7 =	stileid.u32;
	s3 =	rddreg [dreg:$0x3];
	vm5 =	vcmask $0x2F00;
	vm0 =	vcmask $0x2F18;
	v2 =	vunpack.c.l.s4.s8 v2  }
0x5: {  	s12 =	rddreg [dreg:$0x4];
	s2 =	simm.s32 $0x0;
	v10 =	vimm.f32 $-5.000000000e-01;
	vm1 =	vcmask $0x2318;
	vm2 =	vcmask $0x3B30;
	s28 =	simm.s32 $0x6000  }
0x6: {  	v60 =	vimm.s32 $0xDCEDCED0;
	v61 =	vimm.s32 $0x87687686;
	s29 =	simm.s32 $0x3000;
	s10 =	sand.u32 $0x1, s0;
	s0 =	rddreg [dreg:$0x5];
	v2 =	vunpack.c.0.s8.s32 v2  }
0x7: {  	v18 =	vimm.s32 $0x76876870;
	v19 =	vimm.s32 $0x43543540;
	s20 =	sshll.u32 s7, $0x2;
	v11 =	vunpack.c.l.s4.s8 v7;
	[smem:$0x7FF] =	sst s2;
	s9 =	sadd.s32 $0xE00, s12  }
0x8: {  	v0 =	vmul.u32 $0x4, v1;
	v9 =	vmul.u32 $0x3, v1;
	s6 =	sadd.s32 $0xC00, s12;
	s13 =	sshrl.u32 s7, $0x1;
	s7 =	sadd.s32 $0x9200, s12;
	v1 =	vand.u32 $0x3, v2  }
0x9: {  	s1 =	sshll.u32 s10, $0x1;
	s15 =	smul.u32 $0x6000, s13;
	s10 =	ssub.s32 $0x2, s10;
	v2 =	vimm.s32 $0xCEDCEDC0;
	[tilespmem:$0x1FF50] =	vst v1;
	v1 =	vunpack.c.0.s8.s32 v11;
	v11 =	vimm.s32 $0x76876878  }
0xa: {  	v12 =	vunpack.c.l.s4.s8 v12;
	s17 =	sshll.u32 s13, $0xD;
	s31 =	sshll.u32 s13, $0xB;
	s8 =	sor.u32 s1, s20;
	v2 =	vunpack.c.l.s4.s8 v2;
	v11 =	vunpack.c.l.s4.s8 v11  }
0xb: {  	v13 =	vunpack.c.l.s4.s8 v13;
	v14 =	vunpack.c.l.s4.s8 v14;
	s13 =	sshll.u32 s13, $0xA;
	s23 =	sshrl.u32 s10, $0x1;
	v3 =	vmov s8;
	s14 =	sshll.u32 s8, $0x7  }
0xc: {  	s11 =	sor.u32 $0x1, s8;
	s8 =	sadd.s32 $0x1200, s12;
	v3 =	vbroadcast v3, $0x0;
	s22 =	sand.u32 $0x300, s14;
	v2 =	vunpack.c.0.s8.s32 v2;
	v11 =	vunpack.c.0.s8.s32 v11  }
0xd: {  	v12 =	vunpack.c.0.s8.s32 v12;
	v13 =	vunpack.c.0.s8.s32 v13;
	s10 =	ssub.s32 s10, s23;
	s16 =	sor.u32 s15, s22;
	s25 =	sor.u32 s17, s22;
	v1 =	vnsel vm3, $0xC, v1  }
0xe: {  	s19 =	sor.u32 s31, s22;
	[tilespmem:$0x1FF30] =	vst v3;
	v3 =	vmov s11;
	s24 =	sshrl.u32 s16, $0x3;
	s16 =	sshrl.u32 s25, $0x3;
	v1 =	vsel vm4, v2, v1;
	v11 =	vnsel vm3, $0x6, v11  }
0xf: {  	v14 =	vunpack.c.0.s8.s32 v14;
	s11 =	sshll.u32 s11, $0x7;
	s19 =	sshrl.u32 s19, $0x3;
	[tilespmem:$0x1FF40] =	vst v3;
	s18 =	sadd.s32 s4, s24;
	v1 =	vand.u32 $0xF, v1;
	v2 =	vsel vm4, v12, v11  }
0x10: {  	vm6 =	vcmask $0x2F20;
	s26 =	sadd.s32 s5, s24;
	_ =	strace $0x80000047;
	[dreg:$0x7] =	wrdreg s6;
	v11 =	vnsel vm3, $0x3, v13;
	[tilespmem:$0x1FF60] =	vst v1;
	v1 =	vand.u32 $0xF, v2  }
0x11: {  	vm8 =	vcmask $0x3730;
	vm7 =	vcmask $0x372C;
	s30 =	sadd.s32 s21, s16;
	s11 =	sand.u32 $0x380, s11;
	[dreg:$0x8] =	wrdreg s18;
	[tilespmem:$0x1FF70] =	vst v1;
	v1 =	vsel vm4, v14, v11  }
0x12: {  	v18 =	vunpack.c.l.s4.s8 v18;
	s19 =	sadd.s32 s3, s19;
	s23 =	sadd.s32 s0, s16;
	[dreg:$0x9] =	wrdreg s26;
	v2 =	vimm.f32 $5.000000000e-01;
	[tilespmem:$0x1FF80] =	vst v1;
	v1 =	vimm.s32 $0xFEA540  }
0x13: {  	v63 =	vunpack.c.l.s4.s8 v19;
	s6 =	sadd.s32 $0x3200, s12;
	[dreg:$0xa] =	wrdreg s30;
	s12 =	sor.u32 s13, s22;
	v2 =	vsel vm5, $0xBF000000, v2;
	v1 =	vunpack.c.l.s2.s4 v1  }
0x14: {  	v19 =	vimm.s32 $0x77766655;
	v62 =	vunpack.c.0.s8.s32 v18;
	s15 =	sor.u32 s15, s11;
	[dreg:$0xb] =	wrdreg s19;
	s17 =	sor.u32 s17, s11;
	[tilespmem:$0x1FF90] =	vst v2;
	v2 =	vsel vm0, $0x3F000000, v10  }
0x15: {  	s18 =	sor.u32 s31, s11;
	s11 =	sor.u32 s13, s11;
	[dreg:$0x14] =	wrdreg s23;
	v11 =	vimm.s32 $0xEDCEDCEC;
	[tilespmem:$0x1FFA0] =	vst v2;
	v2 =	vimm.s32 $0x49249249;
	v1 =	vunpack.c.l.s4.s8 v1  }
0x16: {  	v18 =	vimm.s32 $0x54354353;
	s31 =	smax.u32 s10, $0x1;
	s10 =	simm.s32 $0x3;
	s12 =	sshrl.u32 s12, $0x3;
	v11 =	vunpack.c.l.s4.s8 v11;
	v2 =	vunpack.c.l.s2.s4 v2  }
0x17: {  	v18 =	vunpack.c.l.s4.s8 v18;
	s15 =	sshrl.u32 s15, $0x3;
	s22 =	sadd.s32 s6, s24;
	[dreg:$0x1a] =	wrdreg s31;
	v12 =	vunpack.c.l.s4.s8 v60;
	v1 =	vunpack.c.0.s8.s32 v1  }
0x18: {  	v22 =	vunpack.c.l.s4.s8 v19;
	s11 =	sshrl.u32 s11, $0x3;
	s12 =	sadd.s32 s9, s12;
	[dreg:$0x13] =	wrdreg s22;
	v11 =	vunpack.c.0.s8.s32 v11;
	v2 =	vunpack.c.l.s4.s8 v2  }
0x19: {  	v21 =	vunpack.c.0.s8.s32 v18;
	s4 =	sadd.s32 s4, s15;
	s20 =	sadd.s32 s9, s11;
	[dreg:$0xc] =	wrdreg s12;
	v12 =	vunpack.c.0.s8.s32 v12;
	v1 =	vand.u32 $0x3, v1  }
0x1a: {  	s25 =	sadd.s32 s7, s15;
	s26 =	sadd.s32 s6, s15;
	[dreg:$0xd] =	wrdreg s4;
	v11 =	vnsel vm3, $0xD, v11;
	v2 =	vunpack.c.0.s8.s32 v2;
	v1 =	vnsel vm5, $0x5, v1  }
0x1b: {  	s6 =	simm.s32 $0x6400;
	s12 =	sadd.s32 s5, s15;
	[dreg:$0x11] =	wrdreg s20;
	v13 =	vunpack.c.l.s4.s8 v61;
	v11 =	vsel vm4, v12, v11;
	v1 =	vsel vm2, $0x4, v1  }
0x1c: {  	s4 =	sshrl.u32 s17, $0x3;
	s5 =	sshrl.u32 s18, $0x3;
	[dreg:$0x16] =	wrdreg s25;
	v19 =	vand.u32 $0x3, v2;
	v2 =	vand.u32 $0xF, v11;
	[tilespmem:$0x1FFB0] =	vst v1;
	v1 =	vunpack.c.0.s8.s32 v63  }
0x1d: {  	v4 =	vor.u32 $0x2, v0;
	[dreg:$0x17] =	wrdreg s26;
	s25 =	simm.s32 $0x80;
	s26 =	simm.s32 $0x400;
	v13 =	vunpack.c.0.s8.s32 v13;
	[tilespmem:$0x1FFC0] =	vst v2;
	v2 =	vnsel vm3, $0x4, v21  }
0x1e: {  	v5 =	vor.u32 $0x3, v0;
	[dreg:$0xe] =	wrdreg s12;
	s1 =	sadd.s32 s21, s4;
	s19 =	sadd.s32 s3, s5;
	v11 =	vunpack.c.0.s8.s32 v22;
	v1 =	vsel vm4, v1, v2  }
0x1f: {  	v6 =	vor.u32 $0x41, v0;
	s21 =	sadd.s32 s7, s24;
	s24 =	sadd.s32 s8, s16;
	[dreg:$0xf] =	wrdreg s1;
	v13 =	vnsel vm3, $0x7, v13;
	[tilespmem:$0x1FFE0] =	vst v1;
	v1 =	vimm.s32 $0x9080808  }
.Ltmp0:
0x20: {  	s0 =	sadd.s32 s0, s4;
	[dreg:$0x10] =	wrdreg s19;
	vm3 =	vcmask $0x1F00;
	v2 =	vand.u32 $0xF, v11;
	v1 =	vunpack.c.0.s8.s32 v1;
	(pc) =	sbr.rel .LBB2_1-.Ltmp0, $4  }
0x21: {  	v7 =	vor.u32 $0x42, v0;
	s30 =	sadd.s32 s8, s4;
	s3 =	simm.s32 $0x4800;
	[dreg:$0x12] =	wrdreg s21;
	v12 =	vsel vm4, v62, v13;
	v2 =	vnsel vm3, $0xA, v2  }
0x22: {  	v8 =	vor.u32 $0x43, v0;
	s5 =	simm.s32 $0x2;
	s7 =	simm.s32 $0x3C00;
	[dreg:$0x15] =	wrdreg s24;
	v10 =	vand.u32 $0xF, v12;
	v1 =	vsel vm6, v1, v2  }
0x23: {  	v3 =	vor.u32 $0x1, v0;
	s8 =	simm.s32 $0x5400;
	s12 =	simm.s32 $0x0;
	[dreg:$0x18] =	wrdreg s0;
	vm0 =	vcmask $0xB00;
	[tilespmem:$0x1FFD0] =	vst v10;
	v1 =	vsel vm8, $0x9, v1  }
0x24: {  	[dreg:$0x19] =	wrdreg s30;
	s1 =	simm.s32 $0xC00;
	s0 =	simm.s32 $0x1;
	vm5 =	vcmask $0x3720;
	vm4 =	vcmask $0x700;
	vm6 =	vcmask $0x1F14;
	[tilespmem:$0x1FFF0] =	vst v1  }
.LBB2_17:
0x25: {  	s4 =	rddreg [dreg:$0x16]  }
0x26: {  	[hbm4b:s4+s25] =	stream.strided.scatter [tilespmem:s7], [sflag:$0x3], $0xC00, s26, s25, $0x38;
	[tilespmem:$0x8380] =	vst v63  }
0x27: {  	s22 =	rddreg [dreg:$0x17]  }
0x28: {  	[hbm4b:s22+s25] =	stream.strided.scatter [tilespmem:s8], [sflag:$0x3], $0xC00, s26, s25, $0x38;
	[tilespmem:$0x8380] =	vst v63  }
0x29: {  	s23 =	rddreg [dreg:$0x18];
	s9 =	simm.s32 $0x7400  }
0x2a: {  	[hbm4b:s23+s25] =	stream.strided.scatter [tilespmem:s9], [sflag:$0x3], $0x400, s26, s25, $0x38;
	[tilespmem:$0x8380] =	vst v63  }
0x2b: {  	s24 =	rddreg [dreg:$0x19];
	s30 =	simm.s32 $0x7C00  }
0x2c: {  	[hbm4b:s24+s25] =	stream.strided.scatter [tilespmem:s30], [sflag:$0x3], $0x400, s26, s25, $0x38;
	[tilespmem:$0x8380] =	vst v63  }
0x2d: {  	_ =	swait.ge [sflag:s10], $0xC00  }
0x2e: {  	[sflag:s10] =	ssyncset.done $0x0  }
0x2f: {  	[sflag:s10] =	ssyncadd.s32 $0xFFFFF400  }
0x30: {  	_ =	swait.ge [sflag:s10], $0xC00  }
0x31: {  	[sflag:s10] =	ssyncset.done $0x0  }
0x32: {  	[sflag:s10] =	ssyncadd.s32 $0xFFFFF400  }
0x33: {  	_ =	swait.ge [sflag:s10], $0x400  }
0x34: {  	[sflag:s10] =	ssyncset.done $0x0  }
0x35: {  	[sflag:s10] =	ssyncadd.s32 $0xFFFFFC00  }
0x36: {  	_ =	swait.ge [sflag:s10], $0x400  }
0x37: {  	[sflag:s10] =	ssyncset.done $0x0  }
0x38: {  	[sflag:s10] =	ssyncadd.s32 $0xFFFFFC00  }
0x39: {  	_ =	swait.ge [sflag:s10], $0xC00  }
0x3a: {  	[sflag:s10] =	ssyncset.done $0x0  }
0x3b: {  	[sflag:s10] =	ssyncadd.s32 $0xFFFFF400  }
0x3c: {  	_ =	swait.ge [sflag:s10], $0xC00  }
0x3d: {  	[sflag:s10] =	ssyncset.done $0x0  }
0x3e: {  	[sflag:s10] =	ssyncadd.s32 $0xFFFFF400  }
0x3f: {  	_ =	swait.ge [sflag:s10], $0x400  }
0x40: {  	[sflag:s10] =	ssyncset.done $0x0  }
0x41: {  	[sflag:s10] =	ssyncadd.s32 $0xFFFFFC00  }
0x42: {  	_ =	swait.ge [sflag:s10], $0x400  }
0x43: {  	s12 =	sadd.s32 $0x1, s12;
	s31 =	rddreg [dreg:$0x1a]  }
0x44: {  	p0 =	sne.s32 s12, s31  }
.Ltmp1:
0x45: {  	_ = 	snop;
	(pc) =	sbr.rel @!p0 .LBB2_18-.Ltmp1, $3  }
0x46: {  	_ =	sdelay $0x1  }
0x47: {  	[sflag:s10] =	ssyncset.done $0x0  }
0x48: {  	[sflag:s10] =	ssyncadd.s32 $0xFFFFFC00  }
.LBB2_1:
0x49: {  	[dreg:$0x1b] =	wrdreg s12  }
0x4a: {  	s4 =	rddreg [dreg:$0x7];
	s11 =	simm.s32 $0x8100;
	s22 =	simm.s32 $0x4  }
0x4b: {  	[tilespmem:s11], [sflag:$0x4] =	stream.linear.gather [hbm4b:s4+s2], $0x80, $0x38;
	[tilespmem:$0x8380] =	vst v63  }
0x4c: {  	_ =	swait.ge [sflag:s22], $0x80  }
0x4d: {  	[sflag:s22] =	ssyncset.done $0x0  }
0x4e: {  	s23 =	rddreg [dreg:$0x8];
	[sflag:s22] =	ssyncadd.s32 $0xFFFFFF80  }
0x4f: {  	[tilespmem:s2], [sflag:$0x1] =	stream.strided.gather [hbm4b:s23+s25], $0xC00, s26, s25, $0x38;
	[tilespmem:$0x8380] =	vst v63  }
0x50: {  	s9 =	simm.s32 $0x1800;
	s24 =	rddreg [dreg:$0x9]  }
0x51: {  	[tilespmem:s9], [sflag:$0x1] =	stream.strided.gather [hbm4b:s24+s25], $0xC00, s26, s25, $0x38;
	[tilespmem:$0x8380] =	vst v63  }
0x52: {  	s31 =	simm.s32 $0x6800;
	s30 =	rddreg [dreg:$0xa]  }
0x53: {  	[tilespmem:s31], [sflag:$0x1] =	stream.strided.gather [hbm4b:s30+s25], $0x400, s26, s25, $0x38;
	[tilespmem:$0x8380] =	vst v63  }
0x54: {  	s13 =	simm.s32 $0x8180;
	s12 =	rddreg [dreg:$0xb]  }
0x55: {  	[tilespmem:s13], [sflag:$0x1] =	stream.strided.gather [hbm4b:s12+s25], $0x100, s26, s25, $0x38;
	[tilespmem:$0x8380] =	vst v63  }
0x56: {  	s15 =	simm.s32 $0x8000;
	s14 =	rddreg [dreg:$0xc]  }
0x57: {  	[tilespmem:s15], [sflag:$0x1] =	stream.linear.gather [hbm4b:s14+s2], $0x80, $0x38;
	[tilespmem:$0x8380] =	vst v63  }
0x58: {  	s16 =	rddreg [dreg:$0xd]  }
0x59: {  	[tilespmem:s1], [sflag:$0x2] =	stream.strided.gather [hbm4b:s16+s25], $0xC00, s26, s25, $0x38;
	[tilespmem:$0x8380] =	vst v63  }
0x5a: {  	s18 =	simm.s32 $0x2400;
	s17 =	rddreg [dreg:$0xe]  }
0x5b: {  	[tilespmem:s18], [sflag:$0x2] =	stream.strided.gather [hbm4b:s17+s25], $0xC00, s26, s25, $0x38;
	[tilespmem:$0x8380] =	vst v63  }
0x5c: {  	s20 =	simm.s32 $0x6C00;
	s19 =	rddreg [dreg:$0xf]  }
0x5d: {  	[tilespmem:s20], [sflag:$0x2] =	stream.strided.gather [hbm4b:s19+s25], $0x400, s26, s25, $0x38;
	[tilespmem:$0x8380] =	vst v63  }
0x5e: {  	s21 =	rddreg [dreg:$0x10];
	s22 =	simm.s32 $0x8280  }
0x5f: {  	[tilespmem:s22], [sflag:$0x2] =	stream.strided.gather [hbm4b:s21+s25], $0x100, s26, s25, $0x38;
	[tilespmem:$0x8380] =	vst v63  }
0x60: {  	s23 =	rddreg [dreg:$0x11];
	s24 =	simm.s32 $0x8080  }
0x61: {  	[tilespmem:s24], [sflag:$0x2] =	stream.linear.gather [hbm4b:s23+s2], $0x80, $0x38;
	[tilespmem:$0x8380] =	vst v63  }
0x62: {  	_ =	swait.ge [sflag:s0], $0xC00  }
0x63: {  	[sflag:s0] =	ssyncset.done $0x0  }
0x64: {  	[sflag:s0] =	ssyncadd.s32 $0xFFFFF400  }
0x65: {  	_ =	swait.ge [sflag:s0], $0xC00  }
0x66: {  	[sflag:s0] =	ssyncset.done $0x0  }
0x67: {  	[sflag:s0] =	ssyncadd.s32 $0xFFFFF400  }
0x68: {  	_ =	swait.ge [sflag:s0], $0x400  }
0x69: {  	[sflag:s0] =	ssyncset.done $0x0  }
0x6a: {  	[sflag:s0] =	ssyncadd.s32 $0xFFFFFC00  }
0x6b: {  	_ =	swait.ge [sflag:s0], $0x100  }
0x6c: {  	[sflag:s0] =	ssyncset.done $0x0  }
0x6d: {  	[sflag:s0] =	ssyncadd.s32 $0xFFFFFF00  }
0x6e: {  	_ =	swait.ge [sflag:s0], $0x80  }
0x6f: {  	[sflag:s0] =	ssyncset.done $0x0  }
0x70: {  	s30 =	simm.s32 $0x0;
	[sflag:s0] =	ssyncadd.s32 $0xFFFFFF80  }
0x71: {  	v13 =	vld [tilespmem:s30+$0x8190];
	_ =	sdelay $0x1  }
0x72: {  	v25 =	vor.u32 s2, v0;
	v1 =	vor.u32 s2, v3;
	v10 =	vld [tilespmem:$0x1FF30]  }
0x73: {  	v2 =	vor.u32 s2, v4;
	v11 =	vor.u32 s2, v5;
	v26 =	vimm.f32 $0.0e+00;
	s31 =	simm.s32 $0x40  }
0x74: {  	v29 =	vor.u32 s31, v0;
	v33 =	vor.u32 s31, v6;
	v28 =	vor.u32 s31, v7;
	v27 =	vld [tilespmem:s30+$0x8180]  }
0x75: {  	v12 =	vor.u32 s31, v8;
	v24 =	vand.u32 $0x1, v13;
	v30 =	vshrl.u32 v13, $0x8  }
0x76: {  	v31 =	vshrl.u32 v13, $0x10;
	v24 =	vcvt.s32.f32 v24;
	v30 =	vand.u32 $0x1, v30  }
0x77: {  	v13 =	vshrl.u32 v13, $0x18;
	v31 =	vand.u32 $0x1, v31;
	v30 =	vcvt.s32.f32 v30  }
0x78: {  	v13 =	vand.u32 $0x1, v13;
	v31 =	vcvt.s32.f32 v31;
	v32 =	vsub.f32 $1.000000000e+00, v24  }
0x79: {  	v34 =	vshrl.u32 v27, $0x8;
	v36 =	vcvt.s32.f32 v13;
	v35 =	vsub.f32 $1.000000000e+00, v30  }
0x7a: {  	v37 =	vshrl.u32 v27, $0x10;
	v13 =	vshrl.u32 v27, $0x18;
	v24 =	vld.idx.msk [tilespmem:v10+s11+$0x0], $0xffff;
	v30 =	vsub.f32 $1.000000000e+00, v31;
	[tilespmem:v29+s28+$0x0] =	vst.idx.msk $0xffff, v32  }
0x7b: {  	s9 =	simm.s32 $0x0;
	s13 =	simm.s32 $0x80;
	v31 =	vand.u32 $0x1, v37;
	v32 =	vand.u32 $0x1, v34;
	v29 =	vsub.f32 $1.000000000e+00, v36;
	[tilespmem:v33+s28+$0x0] =	vst.idx.msk $0xffff, v35  }
.LBB2_2:
0x7c: {  	s14 =	sshra.s32 s13, $0x2;
	v33 =	vand.u32 $0x1, v27;
	v32 =	vcvt.s32.f32 v32;
	v13 =	vand.u32 $0x1, v13;
	[tilespmem:v28+s28+$0x0] =	vst.idx.msk $0xffff, v30;
	s12 =	simm.s32 $0x6020  }
0x7d: {  	v30 =	vor.u32 s13, v0;
	v28 =	vcvt.s32.f32 v31;
	s4 =	simm.s32 $0x1C20;
	v34 =	vld [tilespmem:s14+$0x8190];
	v13 =	vcvt.s32.f32 v13;
	[tilespmem:v12+s28+$0x0] =	vst.idx.msk $0xffff, v29  }
0x7e: {  	s9 =	sadd.s32 $0x2, s9;
	v29 =	vor.u32 s13, v3;
	v12 =	vcvt.s32.f32 v33;
	v27 =	vld [tilespmem:s14+$0x8180];
	v31 =	vsub.f32 $1.000000000e+00, v32  }
0x7f: {  	p0 =	slt.u32 s9, $0xE;
	v32 =	vor.u32 s13, v4;
	v33 =	vsub.f32 $1.000000000e+00, v28;
	v13 =	vsub.f32 $1.000000000e+00, v13  }
0x80: {  	v35 =	vor.u32 s13, v5;
	s14 =	sadd.s32 $0x40, s13;
	v36 =	vsub.f32 $1.000000000e+00, v12  }
0x81: {  	v37 =	vor.u32 s14, v0;
	v38 =	vor.u32 s14, v6;
	v28 =	vor.u32 s14, v7  }
0x82: {  	v12 =	vor.u32 s14, v8;
	v39 =	vand.u32 $0x1, v34;
	v40 =	vshrl.u32 v34, $0x8;
	[tilespmem:v25+s28+$0x0] =	vst.idx.msk $0xffff, v36;
	v25 =	vmovc v30  }
0x83: {  	v30 =	vcvt.s32.f32 v39;
	v36 =	vand.u32 $0x1, v40;
	v39 =	vshrl.u32 v34, $0x10;
	[tilespmem:v1+s28+$0x0] =	vst.idx.msk $0xffff, v31;
	v1 =	vmovc v29  }
.Ltmp2:
0x84: {  	v34 =	vshrl.u32 v34, $0x18;
	v29 =	vcvt.s32.f32 v36;
	v31 =	vand.u32 $0x1, v39;
	[tilespmem:v2+s28+$0x0] =	vst.idx.msk $0xffff, v33;
	v2 =	vmovc v32;
	(pc) =	sbr.rel @p0 .LBB2_2-.Ltmp2, $4  }
0x85: {  	v32 =	vand.u32 $0x1, v34;
	v30 =	vsub.f32 $1.000000000e+00, v30;
	v31 =	vcvt.s32.f32 v31;
	[tilespmem:v11+s28+$0x0] =	vst.idx.msk $0xffff, v13;
	v11 =	vmovc v35  }
0x86: {  	v33 =	vshrl.u32 v27, $0x8;
	v34 =	vcvt.s32.f32 v32;
	v29 =	vsub.f32 $1.000000000e+00, v29  }
0x87: {  	v35 =	vshrl.u32 v27, $0x10;
	v13 =	vshrl.u32 v27, $0x18;
	[tilespmem:v37+s28+$0x0] =	vst.idx.msk $0xffff, v30;
	v30 =	vsub.f32 $1.000000000e+00, v31  }
0x88: {  	s13 =	sadd.s32 $0x80, s13;
	v32 =	vand.u32 $0x1, v33;
	v31 =	vand.u32 $0x1, v35;
	[tilespmem:v38+s28+$0x0] =	vst.idx.msk $0xffff, v29;
	v29 =	vsub.f32 $1.000000000e+00, v34  }
0x89: {  	_ = 	snop  }
0x8a: {  	v27 =	vand.u32 $0x1, v27  }
0x8b: {  	v27 =	vcvt.s32.f32 v27  }
0x8c: {  	v32 =	vcvt.s32.f32 v32  }
0x8d: {  	v13 =	vand.u32 $0x1, v13;
	[tilespmem:v28+s28+$0x0] =	vst.idx.msk $0xffff, v30;
	v28 =	vcvt.s32.f32 v31;
	v27 =	vsub.f32 $1.000000000e+00, v27  }
0x8e: {  	v13 =	vcvt.s32.f32 v13;
	[tilespmem:v12+s28+$0x0] =	vst.idx.msk $0xffff, v29;
	v12 =	vsub.f32 $1.000000000e+00, v32  }
0x8f: {  	v28 =	vsub.f32 $1.000000000e+00, v28;
	[tilespmem:v25+s28+$0x0] =	vst.idx.msk $0xffff, v27  }
0x90: {  	v13 =	vsub.f32 $1.000000000e+00, v13;
	[tilespmem:v1+s28+$0x0] =	vst.idx.msk $0xffff, v12  }
0x91: {  	[tilespmem:v2+s28+$0x0] =	vst.idx.msk $0xffff, v28  }
0x92: {  	[tilespmem:v11+s28+$0x0] =	vst.idx.msk $0xffff, v13  }
0x93: {  	v27 =	vld [tilespmem:s12+$0x10]  }
0x94: {  	v2 =	vld [tilespmem:s4+$0xFFFFFC10]  }
0x95: {  	v29 =	vld [tilespmem:s12+$0x0]  }
0x96: {  	v11 =	vld [tilespmem:s4+$0xFFFFFC00]  }
0x97: {  	v1 =	vld [tilespmem:s12+$0xFFFFFFF0]  }
0x98: {  	v13 =	vld [tilespmem:s4+$0xFFFFFBF0]  }
0x99: {  	s9 =	simm.s32 $0x0;
	v25 =	vld [tilespmem:s12+$0xFFFFFFE0]  }
0x9a: {  	s31 =	sand.u32 $0x3C0, s9;
	v28 =	vld [tilespmem:s4+$0xFFFFFBE0]  }
0x9b: {  	v30 =	vld [tilespmem:s31+$0x1C00]  }
0x9c: {  	v63 =	vld [tilespmem:s31+$0x2000]  }
0x9d: {  	v34 =	vld [tilespmem:s4+$0xFFFFFFF0]  }
0x9e: {  	v12 =	vld [tilespmem:s4+$0x3F0]  }
0x9f: {  	v31 =	vld [tilespmem:s4+$0x0];
	v35 =	vmul.f32 v11, v29;
	v11 =	vmul.f32 v2, v27  }
0xa0: {  	v33 =	vld [tilespmem:s4+$0x400];
	v2 =	vmul.f32 v28, v25;
	v28 =	vmul.f32 v13, v1  }
0xa1: {  	v32 =	vimm.f32 $0.0e+00;
	v37 =	vmul.f32 v30, v25;
	v13 =	vmul.f32 v63, v25;
	v30 =	vld [tilespmem:s4+$0x10]  }
0xa2: {  	s13 =	simm.s32 $0x6060;
	s12 =	simm.s32 $0x0;
	v25 =	vadd.f32 v25, v26;
	v36 =	vmul.f32 v34, v1;
	v38 =	vadd.f32 v2, v26;
	v2 =	vld [tilespmem:s4+$0x410]  }
.LBB2_4:
0xa3: {  	v34 =	vld [tilespmem:s13+$0x10];
	v26 =	vadd.f32 v37, v26;
	v13 =	vadd.f32 v13, v32;
	v12 =	vmul.f32 v12, v1;
	s4 =	sadd.s32 $0x40, s4  }
0xa4: {  	v37 =	vld [tilespmem:s4+$0xFFFFFC10];
	v1 =	vadd.f32 v1, v25;
	v25 =	vadd.f32 v28, v38;
	v28 =	vmul.f32 v31, v29  }
0xa5: {  	v31 =	vld [tilespmem:s13+$0x0];
	v26 =	vadd.f32 v36, v26;
	v12 =	vadd.f32 v12, v13;
	v13 =	vmul.f32 v33, v29  }
0xa6: {  	v33 =	vld [tilespmem:s4+$0xFFFFFC00];
	v29 =	vadd.f32 v29, v1;
	v25 =	vadd.f32 v35, v25;
	v30 =	vmul.f32 v30, v27  }
0xa7: {  	v1 =	vld [tilespmem:s13+$0xFFFFFFF0];
	v26 =	vadd.f32 v28, v26;
	v12 =	vadd.f32 v13, v12;
	v2 =	vmul.f32 v2, v27  }
0xa8: {  	v13 =	vld [tilespmem:s4+$0xFFFFFBF0];
	v36 =	vadd.f32 v27, v29;
	v38 =	vadd.f32 v11, v25;
	v27 =	vmov v34  }
0xa9: {  	s9 =	sadd.s32 $0x40, s9;
	v25 =	vld [tilespmem:s13+$0xFFFFFFE0];
	v26 =	vadd.f32 v30, v26;
	v32 =	vadd.f32 v2, v12  }
0xaa: {  	s14 =	sand.u32 $0x3C0, s9;
	v2 =	vld [tilespmem:s4+$0xFFFFFBE0];
	v29 =	vmov v31  }
0xab: {  	s12 =	sadd.s32 $0x4, s12;
	v30 =	vld [tilespmem:s14+$0x1C00]  }
0xac: {  	p0 =	slt.u32 s12, $0x3C;
	v34 =	vld [tilespmem:s14+$0x2000]  }
0xad: {  	v39 =	vld [tilespmem:s4+$0xFFFFFFF0]  }
.Ltmp3:
0xae: {  	v12 =	vld [tilespmem:s4+$0x3F0];
	(pc) =	sbr.rel @p0 .LBB2_4-.Ltmp3, $4  }
0xaf: {  	v11 =	vmul.f32 v37, v27;
	v35 =	vmul.f32 v33, v29;
	v31 =	vld [tilespmem:s4+$0x0]  }
0xb0: {  	v28 =	vmul.f32 v13, v1;
	v2 =	vmul.f32 v2, v25;
	v33 =	vld [tilespmem:s4+$0x400]  }
0xb1: {  	v37 =	vmul.f32 v30, v25;
	v13 =	vmul.f32 v34, v25;
	v30 =	vld [tilespmem:s4+$0x10]  }
0xb2: {  	s13 =	sadd.s32 $0x40, s13;
	v25 =	vadd.f32 v25, v36;
	v38 =	vadd.f32 v2, v38;
	v36 =	vmul.f32 v39, v1;
	v2 =	vld [tilespmem:s4+$0x410]  }
0xb3: {  	_ = 	snop  }
0xb4: {  	v25 =	vadd.f32 v1, v25;
	_ =	sdelay $0x1  }
0xb5: {  	v25 =	vadd.f32 v29, v25;
	_ =	sdelay $0x1  }
0xb6: {  	v25 =	vadd.f32 v27, v25;
	_ =	sdelay $0x1  }
0xb7: {  	(xrf2) =	vadd.scan.msk.f32 $0xffff, v25;
	_ =	sdelay $0x2  }
0xb8: {  	s4 =	simm.s32 $0x6820  }
0xb9: {  	v25 =	vld [tilespmem:s4+$0x0]  }
0xba: {  	v34 =	vld [tilespmem:s4+$0xFFFFFFF0];
	_ =	sdelay $0x3  }
0xbb: {  	v39 =	vmul.f32 $1.500000000e+00, v25  }
0xbc: {  	v41 =	vld [tilespmem:s4+$0xFFFFFFE0];
	v34 =	vmul.f32 $1.500000000e+00, v34;
	v25, _, _ =	vpop (xrf2)  }
0xbd: {  	v39 =	vadd.f32 $-1.200000050e+00, v39;
	v40 =	vmax.f32 v25, $1.000000000e+00  }
0xbe: {  	v34 =	vadd.f32 $-1.200000050e+00, v34;
	v40 =	vbroadcast v40, $0xF  }
0xbf: {  	v39 =	vmul.f32 $1.442695020e+00, v39  }
0xc0: {  	v34 =	vmul.f32 $1.442695020e+00, v34;
	(erf) = vrcp.f32 v40  }
0xc1: {  	v60 =	vld [tilespmem:s4+$0x10];
	v61 =	vmul.f32 $1.500000000e+00, v41;
	(erf) = vpow2.f32 v39  }
0xc2: {  	(erf) = vpow2.f32 v34  }
0xc3: {  	v62 =	vadd.f32 $-1.200000050e+00, v61;
	_ =	sdelay $0x1  }
0xc4: {  	v34 =	vmul.f32 $1.442695020e+00, v62  }
0xc5: {  	v39 =	vmul.f32 $1.500000000e+00, v60  }
0xc6: {  	(erf) = vpow2.f32 v34  }
0xc7: {  	v21 =	vadd.f32 $-1.200000050e+00, v39  }
0xc8: {  	v63 =	vpop (erf)  }
0xc9: {  	v38 =	vadd.f32 v28, v38;
	v23 =	vmul.f32 $1.442695020e+00, v21;
	v22 =	vpop (erf)  }
0xca: {  	v34 =	vmul.f32 $5.000000000e-01, v22;
	v43 =	vpop (erf)  }
0xcb: {  	v35 =	vadd.f32 v35, v38;
	(erf) = vpow2.f32 v23;
	v28 =	vmul.f32 $5.000000000e-01, v43  }
0xcc: {  	v44 =	vmul.f32 v34, v34  }
0xcd: {  	v11 =	vadd.f32 v11, v35;
	v45 =	vmul.f32 v28, v28  }
0xce: {  	s30 =	simm.s32 $0x6860;
	(erf) = vrcp.f32 v44  }
0xcf: {  	v47 =	vld [tilespmem:s30+$0x0];
	(xrf2) =	vadd.scan.msk.f32 $0xffff, v11;
	v46 =	vpop (erf);
	(erf) = vrcp.f32 v45  }
0xd0: {  	v35 =	vmul.f32 $5.000000000e-01, v46;
	_ =	sdelay $0x1  }
0xd1: {  	v1 =	vmul.f32 v12, v1;
	v11 =	vld [tilespmem:s30+$0xFFFFFFF0];
	v12 =	vmul.f32 v35, v35  }
0xd2: {  	v48 =	vld [tilespmem:s30+$0xFFFFFFE0]  }
0xd3: {  	v26 =	vadd.f32 v37, v26;
	v49 =	vpop (erf);
	(erf) = vrcp.f32 v12;
	v12 =	vmul.f32 $1.500000000e+00, v47  }
0xd4: {  	v13 =	vadd.f32 v13, v32;
	v50 =	vsub.f32 $1.000000000e+00, v24;
	v42 =	vmul.f32 $5.000000000e-01, v49  }
0xd5: {  	v31 =	vmul.f32 v31, v29;
	v29 =	vmul.f32 v33, v29;
	v12 =	vadd.f32 $-1.200000050e+00, v12  }
0xd6: {  	s9 =	simm.s32 $0x6020;
	s12 =	simm.s32 $0x7020;
	v26 =	vadd.f32 v36, v26;
	v11 =	vmul.f32 $1.500000000e+00, v11;
	v58 =	vmul.f32 v42, v42;
	v56 =	vpop (erf)  }
0xd7: {  	v52 =	vld [tilespmem:s9+$0x0];
	v33 =	vmul.f32 $1.500000000e+00, v48;
	[tilespmem:s12+$0x0] =	vst v34;
	v12 =	vmul.f32 $1.442695020e+00, v12;
	v36 =	vadd.f32 $4.000000000e+00, v56;
	v57 =	vpop (erf)  }
0xd8: {  	s13 =	simm.s32 $0x7820;
	v11 =	vadd.f32 $-1.200000050e+00, v11;
	v59, _, _ =	vpop (xrf2);
	v40 =	vld [tilespmem:s9+$0xFFFFFFF0];
	[tilespmem:s12+$0xFFFFFFF0] =	vst v28;
	(erf) = vrcp.f32 v58;
	v37 =	vadd.f32 $4.000000000e+00, v57  }
0xd9: {  	s14 =	simm.s32 $0x1820;
	v1 =	vadd.f32 v1, v13;
	v13 =	vld [tilespmem:s30+$0x10];
	(erf) = vpow2.f32 v12;
	v12 =	vbroadcast v59, $0xF;
	[tilespmem:s13+$0x0] =	vst v36  }
0xda: {  	v30 =	vmul.f32 v30, v27;
	v11 =	vmul.f32 $1.442695020e+00, v11;
	[tilespmem:s13+$0xFFFFFFF0] =	vst v37;
	v36 =	vld [tilespmem:s14+$0x0]  }
0xdb: {  	v26 =	vadd.f32 v31, v26;
	v33 =	vadd.f32 $-1.200000050e+00, v33;
	v31 =	vmul.f32 v63, v50;
	v60 =	vld [tilespmem:s14+$0xFFFFFFF0]  }
0xdc: {  	v2 =	vmul.f32 v2, v27;
	v1 =	vadd.f32 v29, v1;
	(erf) = vpow2.f32 v11  }
0xdd: {  	s31 =	simm.s32 $0x60;
	v11 =	vadd.f32 v30, v26;
	v26 =	vmul.f32 $1.442695020e+00, v33;
	v39 =	vmul.f32 v31, v12;
	v12 =	vpop (erf)  }
0xde: {  	s11 =	simm.s32 $0x30;
	v13 =	vmul.f32 $1.500000000e+00, v13;
	v30 =	vadd.s32 s31, v9;
	v12 =	vadd.f32 $4.000000000e+00, v12  }
0xdf: {  	v53 =	vld [tilespmem:s9+$0xFFFFFFE0];
	v61 =	vadd.s32 s11, v9;
	[tilespmem:s12+$0xFFFFFFE0] =	vst v35;
	(erf) = vpow2.f32 v26;
	v26 =	vsub.f32 v36, v39  }
0xe0: {  	[tilespmem:s13+$0xFFFFFFE0] =	vst v12;
	v12 =	vsub.f32 v60, v39  }
0xe1: {  	v1 =	vadd.f32 v2, v1;
	v2 =	vadd.f32 $-1.200000050e+00, v13;
	v13 =	vmul.f32 v26, v52  }
0xe2: {  	(xrf2) =	vadd.scan.msk.f32 $0xffff, v11;
	v11 =	vld [tilespmem:s14+$0xFFFFFFE0];
	v12 =	vmul.f32 v12, v40  }
0xe3: {  	v48 =	vld [tilespmem:s9+$0x10];
	v26 =	vpop (erf);
	[tilespmem:v30+s29+$0x0] =	vst.idx.msk $0xffff, v13  }
0xe4: {  	(xrf2) =	vadd.scan.msk.f32 $0xffff, v1;
	v1 =	vmul.f32 $1.442695020e+00, v2;
	v2 =	vadd.f32 $4.000000000e+00, v26;
	v26 =	vpop (erf);
	v62 =	vld.idx.msk [tilespmem:v30+s2+$0x0], $0xffff;
	[tilespmem:v61+s29+$0x0] =	vst.idx.msk $0xffff, v12  }
0xe5: {  	[tilespmem:s12+$0x10] =	vst v42;
	s12 =	simm.s32 $0x0;
	v27 =	vmul.f32 $5.000000000e-01, v26;
	v26 =	vpop (erf);
	v63 =	vld.idx.msk [tilespmem:v61+s2+$0x0], $0xffff  }
0xe6: {  	(erf) = vpow2.f32 v1;
	v1 =	vor.u32 s12, v9;
	[tilespmem:s13+$0x10] =	vst v2;
	v26 =	vmul.f32 $5.000000000e-01, v26  }
0xe7: {  	v11 =	vsub.f32 v11, v39;
	v2 =	vmul.f32 v13, v34;
	v13 =	vld [tilespmem:s14+$0x10];
	v29 =	vmul.f32 v27, v27  }
0xe8: {  	v12 =	vmul.f32 v12, v28;
	v21 =	vmul.f32 v26, v26  }
0xe9: {  	s20 =	simm.s32 $0x68A0;
	v11 =	vmul.f32 v11, v53;
	(erf) = vrcp.f32 v29  }
0xea: {  	s17 =	simm.s32 $0x90;
	v44 =	vld [tilespmem:s20+$0x0];
	v22 =	vpop (erf);
	v2 =	vadd.f32 v2, v62;
	(erf) = vrcp.f32 v21;
	v12 =	vadd.f32 v12, v63  }
0xeb: {  	s18 =	simm.s32 $0x20;
	v23 =	vadd.s32 s17, v9;
	v45 =	vld [tilespmem:s20+$0xFFFFFFF0];
	[tilespmem:v1+s29+$0x0] =	vst.idx.msk $0xffff, v11;
	v29 =	vmul.f32 $5.000000000e-01, v22  }
0xec: {  	s9 =	sand.u32 $0x3E0, s18;
	v57, _, _ =	vpop (xrf2);
	v58 =	vld.idx.msk [tilespmem:v1+s2+$0x0], $0xffff;
	[tilespmem:v30+s3+$0x0] =	vst.idx.msk $0xffff, v2;
	v2 =	vsub.f32 v13, v39  }
0xed: {  	v59 =	vmul.f32 v29, v29;
	v13 =	vbroadcast v57, $0xF;
	v43 =	vld [tilespmem:s9+$0x1C00]  }
0xee: {  	s19 =	simm.s32 $0x10;
	s15 =	simm.s32 $0x91;
	v51 =	vld [tilespmem:s20+$0x10];
	[tilespmem:v61+s3+$0x0] =	vst.idx.msk $0xffff, v12;
	v12, _, _ =	vpop (xrf2);
	v2 =	vmul.f32 v2, v48  }
0xef: {  	s22 =	simm.s32 $0x31;
	v54 =	vadd.s32 s15, v9;
	s4 =	sand.u32 $0x3D0, s19;
	v61 =	vld [tilespmem:s20+$0xFFFFFFE0];
	(erf) = vrcp.f32 v59;
	v12 =	vbroadcast v12, $0xF  }
0xf0: {  	s17 =	simm.s32 $0x61;
	v49 =	vadd.s32 s22, v9;
	v11 =	vmul.f32 v11, v35;
	v60 =	vld [tilespmem:s4+$0x1C00];
	v37 =	vmul.f32 v31, v13;
	[tilespmem:v23+s29+$0x0] =	vst.idx.msk $0xffff, v2  }
0xf1: {  	s21 =	simm.s32 $0x7060;
	v47 =	vadd.s32 s17, v9;
	v45 =	vmul.f32 $1.500000000e+00, v45;
	s14 =	simm.s32 $0x6060;
	v13 =	vpop (erf);
	v31 =	vmul.f32 v31, v12;
	v12 =	vld.idx.msk [tilespmem:v23+s2+$0x0], $0xffff  }
0xf2: {  	v44 =	vmul.f32 $1.500000000e+00, v44;
	v32 =	vld [tilespmem:s14+$0x0];
	[tilespmem:s21+$0x0] =	vst v27;
	v11 =	vadd.f32 v11, v58;
	v43 =	vsub.f32 v43, v37;
	v46 =	vpop (erf)  }
0xf3: {  	s23 =	simm.s32 $0x0;
	v45 =	vadd.f32 $-1.200000050e+00, v45;
	v33 =	vld [tilespmem:s14+$0xFFFFFFF0];
	[tilespmem:s21+$0xFFFFFFF0] =	vst v26;
	v2 =	vmul.f32 v2, v42;
	v50 =	vpop (erf);
	v46 =	vadd.f32 $4.000000000e+00, v46  }
0xf4: {  	s24 =	sand.u32 $0x3C0, s23;
	s15 =	simm.s32 $0x7860;
	v41 =	vld [tilespmem:s14+$0xFFFFFFE0];
	[tilespmem:v1+s3+$0x0] =	vst.idx.msk $0xffff, v11;
	v30 =	vmul.f32 $5.000000000e-01, v13;
	v43 =	vmul.f32 v43, v52;
	v11 =	vadd.f32 $4.000000000e+00, v50  }
0xf5: {  	s17 =	simm.s32 $0x1860;
	v63 =	vadd.f32 $-1.200000050e+00, v44;
	v21 =	vmul.f32 $1.500000000e+00, v51;
	v62 =	vld [tilespmem:s24+$0x1C00];
	v1 =	vsub.f32 v60, v37;
	[tilespmem:s15+$0x0] =	vst v46  }
0xf6: {  	v55 =	vmul.f32 v30, v30;
	[tilespmem:v47+s29+$0x0] =	vst.idx.msk $0xffff, v43;
	v2 =	vadd.f32 v2, v12;
	v12 =	vmul.f32 $1.500000000e+00, v61;
	v22 =	vld [tilespmem:s17+$0x0]  }
0xf7: {  	s30 =	simm.s32 $0x30;
	v59 =	vmul.f32 $1.442695020e+00, v45;
	v1 =	vmul.f32 v1, v40;
	[tilespmem:s15+$0xFFFFFFF0] =	vst v11;
	v61 =	vld.idx.msk [tilespmem:v47+s2+$0x0], $0xffff  }
0xf8: {  	s16 =	simm.s32 $0x1;
	s23 =	sand.u32 $0x3F0, s30;
	(erf) = vrcp.f32 v55;
	v44 =	vld [tilespmem:s17+$0xFFFFFFF0];
	v11 =	vpop (erf);
	[tilespmem:v23+s3+$0x0] =	vst.idx.msk $0xffff, v2;
	v2 =	vadd.f32 $-1.200000050e+00, v12;
	v12 =	vmul.f32 $1.442695020e+00, v63  }
0xf9: {  	v13 =	vadd.s32 s16, v9;
	v56 =	vmul.f32 v43, v34;
	[tilespmem:v49+s29+$0x0] =	vst.idx.msk $0xffff, v1;
	v11 =	vadd.f32 $4.000000000e+00, v11;
	v23 =	vld [tilespmem:s23+$0x1C00]  }
0xfa: {  	s31 =	simm.s32 $0x120;
	[tilespmem:s21+$0xFFFFFFE0] =	vst v29;
	v60 =	vsub.f32 v62, v37;
	v58 =	vld.idx.msk [tilespmem:v49+s2+$0x0], $0xffff;
	v2 =	vmul.f32 $1.442695020e+00, v2;
	(erf) = vpow2.f32 v12  }
0xfb: {  	v38 =	vld [tilespmem:s14+$0x10];
	v46 =	vadd.f32 $-1.200000050e+00, v21;
	v12 =	vadd.s32 s31, v9;
	(erf) = vpow2.f32 v59;
	[tilespmem:s15+$0xFFFFFFE0] =	vst v11  }
0xfc: {  	s11 =	simm.s32 $0xF0;
	s20 =	simm.s32 $0x60A0;
	v11 =	vmul.f32 v60, v53;
	v63 =	vsub.f32 v22, v39;
	(erf) = vpow2.f32 v2;
	v2 =	vld [tilespmem:s17+$0xFFFFFFE0]  }
0xfd: {  	v57 =	vadd.s32 s11, v9;
	v36 =	vld [tilespmem:s20+$0x0];
	[tilespmem:s21+$0x10] =	vst v30;
	v1 =	vmul.f32 v1, v28;
	v50 =	vadd.f32 v56, v61  }
0xfe: {  	v45 =	vld [tilespmem:s20+$0x10];
	v62 =	vmul.f32 $1.442695020e+00, v46;
	[tilespmem:v13+s29+$0x0] =	vst.idx.msk $0xffff, v11;
	v46 =	vmul.f32 v63, v32;
	v21 =	vsub.f32 v23, v37  }
0xff: {  	s16 =	simm.s32 $0xC0;
	v44 =	vsub.f32 v44, v39;
	v1 =	vadd.f32 v1, v58;
	[tilespmem:v47+s3+$0x0] =	vst.idx.msk $0xffff, v50;
	v55 =	vld.idx.msk [tilespmem:v13+s2+$0x0], $0xffff  }
0x100: {  	v43 =	vld [tilespmem:s20+$0xFFFFFFF0];
	v56 =	vor.u32 s16, v9;
	(erf) = vpow2.f32 v62;
	[tilespmem:v12+s29+$0x0] =	vst.idx.msk $0xffff, v46;
	v51 =	vmul.f32 v21, v48  }
0x101: {  	v44 =	vmul.f32 v44, v33;
	v22 =	vpop (erf);
	[tilespmem:v49+s3+$0x0] =	vst.idx.msk $0xffff, v1;
	v60 =	vld.idx.msk [tilespmem:v12+s2+$0x0], $0xffff;
	v2 =	vsub.f32 v2, v39  }
0x102: {  	v11 =	vmul.f32 v11, v35;
	v16 =	vld [tilespmem:s9+$0x2000];
	v23 =	vadd.f32 $4.000000000e+00, v22;
	[tilespmem:v54+s29+$0x0] =	vst.idx.msk $0xffff, v51  }
0x103: {  	v59 =	vmul.f32 v46, v27;
	[tilespmem:v57+s29+$0x0] =	vst.idx.msk $0xffff, v44;
	v63 =	vld.idx.msk [tilespmem:v54+s2+$0x0], $0xffff;
	v62 =	vpop (erf);
	v2 =	vmul.f32 v2, v41  }
0x104: {  	s19 =	simm.s32 $0x32;
	v61 =	vmul.f32 v44, v26;
	v14 =	vld.idx.msk [tilespmem:v57+s2+$0x0], $0xffff;
	[tilespmem:s15+$0x10] =	vst v23;
	v11 =	vadd.f32 v11, v55;
	v47 =	vmul.f32 $5.000000000e-01, v62;
	v21 =	vpop (erf)  }
0x105: {  	s18 =	simm.s32 $0x92;
	v50 =	vadd.s32 s19, v9;
	v49 =	vld [tilespmem:s20+$0xFFFFFFE0];
	v15 =	vmul.f32 v51, v42;
	v46 =	vmul.f32 $5.000000000e-01, v21;
	[tilespmem:v56+s29+$0x0] =	vst.idx.msk $0xffff, v2  }
0x106: {  	s21 =	simm.s32 $0x62;
	v17 =	vld [tilespmem:s17+$0x10];
	v51 =	vadd.s32 s18, v9;
	v22 =	vpop (erf);
	[tilespmem:v13+s3+$0x0] =	vst.idx.msk $0xffff, v11;
	v13 =	vadd.f32 v59, v60;
	v23 =	vmul.f32 v47, v47  }
0x107: {  	s30 =	simm.s32 $0x150;
	s22 =	simm.s32 $0x70A0;
	v55 =	vadd.s32 s21, v9;
	v44 =	vmul.f32 $5.000000000e-01, v22;
	v18 =	vld.idx.msk [tilespmem:v56+s2+$0x0], $0xffff;
	v11 =	vmul.f32 v46, v46  }
0x108: {  	s12 =	simm.s32 $0x212;
	s13 =	simm.s32 $0x152;
	v62 =	vld [tilespmem:s24+$0x2000];
	s24 =	simm.s32 $0x60;
	[tilespmem:v12+s3+$0x0] =	vst.idx.msk $0xffff, v13;
	v12 =	vsub.f32 v16, v31;
	(erf) = vrcp.f32 v23;
	v15 =	vadd.f32 v15, v63  }
0x109: {  	s31 =	simm.s32 $0x50;
	s16 =	simm.s32 $0x1E1;
	v1 =	vld [tilespmem:s4+$0x2000];
	[tilespmem:s22+$0x0] =	vst v47;
	s18 =	sand.u32 $0x3E0, s24;
	v60 =	vmul.f32 v44, v44;
	(erf) = vrcp.f32 v11;
	v11 =	vadd.f32 v61, v14  }
0x10a: {  	s14 =	sand.u32 $0x3D0, s31;
	s31 =	simm.s32 $0x2;
	s19 =	simm.s32 $0x70;
	v2 =	vmul.f32 v2, v29;
	v59 =	vadd.s32 s30, v9;
	v63 =	vld [tilespmem:s18+$0x1C00];
	v13 =	vpop (erf);
	v61 =	vmul.f32 v12, v52;
	[tilespmem:v54+s3+$0x0] =	vst.idx.msk $0xffff, v15  }
0x10b: {  	s9 =	simm.s32 $0x2D2;
	s4 =	simm.s32 $0x8;
	s30 =	simm.s32 $0x151;
	v58 =	vsub.f32 v17, v39;
	(erf) = vrcp.f32 v60;
	v54 =	vmul.f32 $5.000000000e-01, v13;
	[tilespmem:v57+s3+$0x0] =	vst.idx.msk $0xffff, v11;
	v12 =	vld [tilespmem:s23+$0x2000]  }
0x10c: {  	s21 =	simm.s32 $0x121;
	s24 =	simm.s32 $0xC1;
	[tilespmem:s22+$0xFFFFFFE0] =	vst v44;
	v52 =	vadd.s32 s30, v9;
	s23 =	simm.s32 $0x68E0;
	v13 =	vadd.f32 v2, v18;
	v57 =	vadd.s32 s31, v9;
	v11 =	vld [tilespmem:s14+$0x1C00]  }
.LBB2_6:
0x10d: {  	s30 =	sadd.s32 $0xFFFFFFCF, s9;
	s4 =	sadd.s32 $0x4, s4;
	[tilespmem:s22+$0x10] =	vst v54  }
0x10e: {  	v2 =	vld [tilespmem:s23+$0x0];
	v60 =	vadd.s32 s24, v9;
	v14 =	vmul.f32 v58, v38;
	v15 =	vsub.f32 v62, v31;
	v58 =	vmovc v30;
	v30 =	vmovc v54;
	s24 =	smov.u32 s13;
	s13 =	smov.u32 s12;
	s12 =	smov.u32 s9  }
0x10f: {  	v62 =	vadd.s32 s21, v9;
	v1 =	vsub.f32 v1, v31;
	v17 =	vmul.f32 v61, v34;
	s21 =	smov.u32 s16;
	v16 =	vld [tilespmem:s23+$0xFFFFFFF0];
	p0 =	slt.u32 s4, $0x3C;
	s31 =	sadd.s32 $0xFFFFFF9F, s24;
	[tilespmem:v55+s29+$0x0] =	vst.idx.msk $0xffff, v61  }
0x110: {  	s16 =	smov.u32 s30;
	v18 =	vld [tilespmem:s23+$0xFFFFFFE0];
	v61 =	vadd.s32 s31, v9;
	[tilespmem:v59+s29+$0x0] =	vst.idx.msk $0xffff, v14;
	v14 =	vmul.f32 v14, v58;
	v15 =	vmul.f32 v15, v53  }
0x111: {  	s15 =	sadd.s32 $0x40, s15;
	[tilespmem:v56+s3+$0x0] =	vst.idx.msk $0xffff, v13;
	v13 =	vsub.f32 v63, v37;
	v34 =	vld.idx.msk [tilespmem:v59+s2+$0x0], $0xffff;
	v12 =	vsub.f32 v12, v31  }
0x112: {  	v1 =	vmul.f32 v1, v40;
	v53 =	vpop (erf);
	v11 =	vsub.f32 v11, v37;
	[tilespmem:v57+s29+$0x0] =	vst.idx.msk $0xffff, v15;
	v40 =	vld.idx.msk [tilespmem:v55+s2+$0x0], $0xffff  }
0x113: {  	s30 =	sadd.s32 $0xFFFFFFD0, s19;
	[tilespmem:s22+$0xFFFFFFF0] =	vst v46;
	v53 =	vadd.f32 $4.000000000e+00, v53;
	v56 =	vpop (erf);
	v13 =	vmul.f32 v13, v32;
	v63 =	vld.idx.msk [tilespmem:v57+s2+$0x0], $0xffff;
	v12 =	vmul.f32 v12, v48  }
0x114: {  	s17 =	sadd.s32 $0x40, s17;
	v20 =	vmul.f32 v54, v30;
	s31 =	sand.u32 $0x3C0, s30;
	v48 =	vld [tilespmem:s23+$0x10];
	v56 =	vadd.f32 $4.000000000e+00, v56;
	v54 =	vpop (erf);
	v11 =	vmul.f32 v11, v33;
	[tilespmem:v50+s29+$0x0] =	vst.idx.msk $0xffff, v1  }
0x115: {  	s30 =	sadd.s32 $0xFFFFFFCE, s13;
	v15 =	vmul.f32 v15, v35;
	v21 =	vadd.f32 $4.000000000e+00, v54;
	v22 =	vld [tilespmem:s31+$0x1C00];
	v23 =	vmul.f32 v13, v27;
	[tilespmem:v51+s29+$0x0] =	vst.idx.msk $0xffff, v12  }
0x116: {  	v2 =	vmul.f32 $1.500000000e+00, v2;
	v54 =	vadd.s32 s30, v9;
	v12 =	vmul.f32 v12, v42;
	[tilespmem:v61+s29+$0x0] =	vst.idx.msk $0xffff, v11;
	v35 =	vld.idx.msk [tilespmem:v51+s2+$0x0], $0xffff  }
0x117: {  	v16 =	vmul.f32 $1.500000000e+00, v16;
	v1 =	vmul.f32 v1, v28;
	v14 =	vadd.f32 v14, v34;
	[tilespmem:s15+$0xFFFFFFF0] =	vst v56;
	v42 =	vld.idx.msk [tilespmem:v50+s2+$0x0], $0xffff  }
0x118: {  	v18 =	vmul.f32 $1.500000000e+00, v18;
	v2 =	vadd.f32 $-1.200000050e+00, v2;
	v17 =	vadd.f32 v17, v40;
	v40 =	vmovc v33;
	v33 =	vmovc v43;
	v56 =	vld [tilespmem:s17+$0xFFFFFFF0];
	[tilespmem:s15+$0x0] =	vst v53  }
0x119: {  	s30 =	sand.u32 $0x3F0, s19;
	v16 =	vadd.f32 $-1.200000050e+00, v16;
	v28 =	vmul.f32 $1.500000000e+00, v48;
	v43 =	vld [tilespmem:s17+$0x0];
	[tilespmem:v59+s3+$0x0] =	vst.idx.msk $0xffff, v14;
	v14 =	vadd.f32 v15, v63;
	v48 =	vmovc v38  }
0x11a: {  	v34 =	vmovc v27;
	v2 =	vmul.f32 $1.442695020e+00, v2;
	v15 =	vadd.f32 $-1.200000050e+00, v18;
	v38 =	vmovc v45;
	(erf) = vrcp.f32 v20;
	[tilespmem:v62+s29+$0x0] =	vst.idx.msk $0xffff, v13;
	v13 =	vld [tilespmem:s30+$0x1C00]  }
0x11b: {  	v16 =	vmul.f32 $1.442695020e+00, v16;
	v20 =	vsub.f32 v22, v37;
	v18 =	vadd.f32 $-1.200000050e+00, v28;
	v22 =	vld.idx.msk [tilespmem:v62+s2+$0x0], $0xffff;
	[tilespmem:v57+s3+$0x0] =	vst.idx.msk $0xffff, v14  }
0x11c: {  	s20 =	sadd.s32 $0x40, s20;
	v27 =	vmovc v47;
	v14 =	vmul.f32 $1.442695020e+00, v15;
	v12 =	vadd.f32 v12, v35;
	(erf) = vpow2.f32 v2;
	[tilespmem:v55+s3+$0x0] =	vst.idx.msk $0xffff, v17  }
0x11d: {  	v15 =	vmul.f32 v20, v41;
	v1 =	vadd.f32 v1, v42;
	v2 =	vld [tilespmem:s20+$0x0];
	(erf) = vpow2.f32 v16;
	[tilespmem:s15+$0xFFFFFFE0] =	vst v21;
	v28 =	vmovc v26  }
0x11e: {  	s11 =	sadd.s32 $0xFFFFFF9E, s13;
	v16 =	vmul.f32 $1.442695020e+00, v18;
	v26 =	vmovc v46;
	(erf) = vpow2.f32 v14;
	v14 =	vld [tilespmem:s17+$0xFFFFFFE0];
	v17 =	vsub.f32 v43, v39;
	[tilespmem:v51+s3+$0x0] =	vst.idx.msk $0xffff, v12  }
0x11f: {  	v18 =	vsub.f32 v56, v39;
	v12 =	vadd.s32 s11, v9;
	v43 =	vld [tilespmem:s20+$0xFFFFFFF0];
	[tilespmem:v60+s29+$0x0] =	vst.idx.msk $0xffff, v15;
	v13 =	vsub.f32 v13, v37  }
0x120: {  	v35 =	vmov v29;
	(erf) = vpow2.f32 v16;
	v16 =	vmul.f32 v17, v36;
	v17 =	vld.idx.msk [tilespmem:v60+s2+$0x0], $0xffff;
	[tilespmem:v50+s3+$0x0] =	vst.idx.msk $0xffff, v1  }
0x121: {  	s11 =	sadd.s32 $0xFFFFFF6E, s13;
	v1 =	vmul.f32 v18, v33;
	v20 =	vadd.f32 v23, v22;
	v18 =	vld.idx.msk [tilespmem:v61+s2+$0x0], $0xffff;
	v13 =	vmul.f32 v13, v48  }
0x122: {  	v56 =	vor.u32 s11, v9;
	v15 =	vmul.f32 v15, v35;
	v45 =	vld [tilespmem:s20+$0x10];
	[tilespmem:v54+s29+$0x0] =	vst.idx.msk $0xffff, v16;
	v16 =	vmul.f32 v16, v27  }
0x123: {  	v21 =	vmul.f32 v1, v26;
	v14 =	vsub.f32 v14, v39;
	v22 =	vld.idx.msk [tilespmem:v54+s2+$0x0], $0xffff;
	v23 =	vpop (erf);
	[tilespmem:v52+s29+$0x0] =	vst.idx.msk $0xffff, v13  }
0x124: {  	v29 =	vmov v44;
	v13 =	vmul.f32 v13, v58;
	[tilespmem:v12+s29+$0x0] =	vst.idx.msk $0xffff, v1;
	v1 =	vadd.f32 $4.000000000e+00, v23;
	v23 =	vld.idx.msk [tilespmem:v52+s2+$0x0], $0xffff  }
0x125: {  	v11 =	vmul.f32 v11, v28;
	v42 =	vpop (erf);
	v14 =	vmul.f32 v14, v49;
	v57 =	vld.idx.msk [tilespmem:v12+s2+$0x0], $0xffff;
	[tilespmem:v62+s3+$0x0] =	vst.idx.msk $0xffff, v20  }
0x126: {  	s19 =	sadd.s32 $0x40, s19;
	v53 =	vmov v41;
	v47 =	vmul.f32 $5.000000000e-01, v42;
	v20 =	vpop (erf);
	[tilespmem:s15+$0x10] =	vst v1;
	v1 =	vadd.f32 v15, v17;
	v15 =	vld [tilespmem:s18+$0x2000]  }
0x127: {  	v51 =	vadd.s32 s24, v9;
	s11 =	sadd.s32 $0xFFFFFFA0, s24;
	v11 =	vadd.f32 v11, v18;
	v46 =	vmul.f32 $5.000000000e-01, v20;
	v17 =	vpop (erf);
	[tilespmem:v56+s29+$0x0] =	vst.idx.msk $0xffff, v14;
	v20 =	vld [tilespmem:s17+$0x10]  }
0x128: {  	v50 =	vadd.s32 s11, v9;
	s11 =	sadd.s32 $0xFFFFFFD0, s24;
	v44 =	vmul.f32 $5.000000000e-01, v17;
	v17 =	vmul.f32 v47, v47;
	v18 =	vld.idx.msk [tilespmem:v56+s2+$0x0], $0xffff;
	[tilespmem:v60+s3+$0x0] =	vst.idx.msk $0xffff, v1  }
0x129: {  	s22 =	sadd.s32 $0x40, s22;
	v55 =	vadd.s32 s11, v9;
	v16 =	vadd.f32 v16, v22;
	v10 =	vmul.f32 v46, v46;
	v60 =	vpop (erf);
	v62 =	vld [tilespmem:s31+$0x2000];
	[tilespmem:v61+s3+$0x0] =	vst.idx.msk $0xffff, v11  }
.Ltmp4:
0x12a: {  	v41 =	vmovc v49;
	s11 =	sadd.s32 $0xFFFFFFF0, s19;
	v13 =	vadd.f32 v13, v23;
	v11 =	vmul.f32 v44, v44;
	[tilespmem:s22+$0x0] =	vst v47;
	(erf) = vrcp.f32 v17;
	v1 =	vld [tilespmem:s14+$0x2000];
	(pc) =	sbr.rel @p0 .LBB2_6-.Ltmp4, $4  }
0x12b: {  	s18 =	sand.u32 $0x3E0, s11;
	s11 =	sadd.s32 $0xFFFFFFFE, s13;
	v17 =	vadd.f32 v21, v57;
	v49 =	vld [tilespmem:s20+$0xFFFFFFE0];
	(erf) = vrcp.f32 v10;
	[tilespmem:v54+s3+$0x0] =	vst.idx.msk $0xffff, v16;
	v15 =	vsub.f32 v15, v31  }
0x12c: {  	v42 =	vmovc v58;
	v59 =	vadd.s32 s11, v9;
	s14 =	sadd.s32 $0xFFFFFFE0, s19;
	(erf) = vrcp.f32 v11;
	v11 =	vmul.f32 v14, v29;
	v63 =	vld [tilespmem:s18+$0x1C00];
	[tilespmem:v52+s3+$0x0] =	vst.idx.msk $0xffff, v13  }
0x12d: {  	s11 =	sadd.s32 $0xFFFFFFFF, s13;
	s31 =	sadd.s32 $0xFFFFFF70, s24;
	v54 =	vmul.f32 $5.000000000e-01, v60;
	s14 =	sand.u32 $0x3D0, s14;
	v58 =	vsub.f32 v20, v39;
	[tilespmem:v12+s3+$0x0] =	vst.idx.msk $0xffff, v17;
	v61 =	vmul.f32 v15, v32;
	v12 =	vld [tilespmem:s30+$0x2000]  }
0x12e: {  	s9 =	sadd.s32 $0xC0, s9;
	s23 =	sadd.s32 $0x40, s23;
	s24 =	sadd.s32 $0xFFFFFF6F, s13;
	v57 =	vadd.s32 s31, v9;
	v52 =	vadd.s32 s11, v9;
	v32 =	vmovc v36;
	v36 =	vmovc v2;
	[tilespmem:s22+$0xFFFFFFE0] =	vst v44;
	v13 =	vadd.f32 v11, v18;
	v11 =	vld [tilespmem:s14+$0x1C00]  }
0x12f: {  	v2 =	vmul.f32 v54, v54;
	_ =	sdelay $0x1  }
0x130: {  	(erf) = vrcp.f32 v2;
	_ =	sdelay $0x1  }
0x131: {  	v2 =	vpop (erf)  }
0x132: {  	v14 =	vpop (erf)  }
0x133: {  	v15 =	vpop (erf)  }
0x134: {  	v15 =	vadd.f32 $4.000000000e+00, v15  }
0x135: {  	s4 =	sadd.s32 $0x40, s15  }
0x136: {  	s9 =	sadd.s32 $0x40, s17;
	v2 =	vadd.f32 $4.000000000e+00, v2;
	[tilespmem:s4+$0xFFFFFFE0] =	vst v15  }
0x137: {  	v16 =	vmul.f32 v58, v38;
	[tilespmem:s22+$0x10] =	vst v54;
	v15 =	vld [tilespmem:s9+$0xFFFFFFE0]  }
0x138: {  	[tilespmem:s4+$0x0] =	vst v2;
	v17 =	vpop (erf)  }
0x139: {  	[tilespmem:v59+s29+$0x0] =	vst.idx.msk $0xffff, v16;
	v20 =	vld [tilespmem:s9+$0x0];
	v17 =	vadd.f32 $4.000000000e+00, v17  }
0x13a: {  	[tilespmem:s22+$0xFFFFFFF0] =	vst v46;
	s11 =	sadd.s32 $0xFFFFFF6E, s12;
	v18 =	vld.idx.msk [tilespmem:v59+s2+$0x0], $0xffff;
	v14 =	vadd.f32 $4.000000000e+00, v14  }
0x13b: {  	v21 =	vor.u32 s11, v9;
	[tilespmem:s4+$0x10] =	vst v17  }
0x13c: {  	s31 =	sadd.s32 $0xFFFFFFCE, s12;
	v2 =	vsub.f32 v62, v31;
	[tilespmem:s4+$0xFFFFFFF0] =	vst v14;
	v62 =	vsub.f32 v15, v39;
	v58 =	vld [tilespmem:s9+$0x10]  }
0x13d: {  	[tilespmem:v55+s29+$0x0] =	vst.idx.msk $0xffff, v61;
	v60 =	vmul.f32 v16, v30;
	v16 =	vadd.s32 s31, v9;
	v12 =	vsub.f32 v12, v31;
	v17 =	vld [tilespmem:s9+$0xFFFFFFF0]  }
0x13e: {  	[tilespmem:v56+s3+$0x0] =	vst.idx.msk $0xffff, v13;
	v20 =	vsub.f32 v20, v39;
	v13 =	vmul.f32 v62, v49  }
0x13f: {  	v1 =	vsub.f32 v1, v31;
	s15 =	sadd.s32 $0xFFFFFF9E, s12;
	s11 =	sadd.s32 $0xFFFFFFFE, s12;
	v12 =	vmul.f32 v12, v48;
	v14 =	vadd.f32 v60, v18  }
0x140: {  	v48 =	vadd.s32 s11, v9;
	v18 =	vadd.s32 s15, v9;
	v20 =	vmul.f32 v20, v36;
	[tilespmem:v21+s29+$0x0] =	vst.idx.msk $0xffff, v13  }
0x141: {  	v2 =	vmul.f32 v2, v53;
	[tilespmem:v59+s3+$0x0] =	vst.idx.msk $0xffff, v14;
	v53 =	vld.idx.msk [tilespmem:v21+s2+$0x0], $0xffff;
	v15 =	vsub.f32 v58, v39  }
0x142: {  	[tilespmem:v16+s29+$0x0] =	vst.idx.msk $0xffff, v20;
	v17 =	vsub.f32 v17, v39  }
0x143: {  	s30 =	sadd.s32 $0xFFFFFFD0, s19;
	v1 =	vmul.f32 v1, v40;
	[tilespmem:v57+s29+$0x0] =	vst.idx.msk $0xffff, v2;
	v40 =	vld.idx.msk [tilespmem:v16+s2+$0x0], $0xffff;
	v14 =	vmul.f32 v15, v45  }
0x144: {  	v60 =	vld.idx.msk [tilespmem:v57+s2+$0x0], $0xffff;
	s4 =	sand.u32 $0x3C0, s30;
	v13 =	vmul.f32 v13, v44;
	v39 =	vadd.s32 s21, v9;
	v17 =	vmul.f32 v17, v43  }
0x145: {  	v23 =	vld [tilespmem:s4+$0x1C00];
	v62 =	vsub.f32 v63, v37;
	[tilespmem:v48+s29+$0x0] =	vst.idx.msk $0xffff, v14  }
0x146: {  	v20 =	vmul.f32 v20, v47;
	[tilespmem:v18+s29+$0x0] =	vst.idx.msk $0xffff, v17;
	v13 =	vadd.f32 v13, v53;
	v53 =	vld.idx.msk [tilespmem:v48+s2+$0x0], $0xffff  }
0x147: {  	[tilespmem:v50+s29+$0x0] =	vst.idx.msk $0xffff, v1;
	v2 =	vmul.f32 v2, v35;
	v59 =	vmul.f32 v62, v32;
	v62 =	vld.idx.msk [tilespmem:v18+s2+$0x0], $0xffff  }
0x148: {  	s20 =	sadd.s32 $0x40, s19;
	v56 =	vld.idx.msk [tilespmem:v55+s2+$0x0], $0xffff;
	[tilespmem:v51+s29+$0x0] =	vst.idx.msk $0xffff, v12;
	s9 =	sand.u32 $0x3F0, s19;
	v20 =	vadd.f32 v20, v40  }
0x149: {  	v22 =	vadd.s32 s24, v9;
	s22 =	sadd.s32 $0xFFFFFFF0, s20;
	v63 =	vld [tilespmem:s9+$0x1C00];
	v2 =	vadd.f32 v2, v60;
	v14 =	vmul.f32 v14, v54;
	[tilespmem:v39+s29+$0x0] =	vst.idx.msk $0xffff, v59  }
0x14a: {  	s17 =	sadd.s32 $0xFFFFFF9F, s13;
	s23 =	sand.u32 $0x3E0, s22;
	v23 =	vsub.f32 v23, v37;
	v17 =	vmul.f32 v17, v46;
	[tilespmem:v16+s3+$0x0] =	vst.idx.msk $0xffff, v20;
	v40 =	vld.idx.msk [tilespmem:v39+s2+$0x0], $0xffff  }
0x14b: {  	v11 =	vsub.f32 v11, v37;
	[tilespmem:v57+s3+$0x0] =	vst.idx.msk $0xffff, v2;
	v58 =	vadd.s32 s17, v9;
	s21 =	sadd.s32 $0xFFFFFFD0, s20;
	v20 =	vld [tilespmem:s23+$0x1C00];
	v14 =	vadd.f32 v14, v53  }
0x14c: {  	s15 =	sand.u32 $0x3C0, s21;
	[tilespmem:v21+s3+$0x0] =	vst.idx.msk $0xffff, v13;
	v21 =	vmul.f32 v23, v41;
	v23 =	vld.idx.msk [tilespmem:v50+s2+$0x0], $0xffff;
	v17 =	vadd.f32 v17, v62  }
0x14d: {  	v34 =	vmul.f32 v61, v34;
	s24 =	sadd.s32 $0xFFFFFFE0, s20;
	v1 =	vmul.f32 v1, v28;
	s20 =	sand.u32 $0x3F0, s20;
	v16 =	vld [tilespmem:s15+$0x1C00];
	[tilespmem:v48+s3+$0x0] =	vst.idx.msk $0xffff, v14  }
0x14e: {  	v11 =	vmul.f32 v11, v33;
	s17 =	sand.u32 $0x3D0, s24;
	v13 =	vsub.f32 v63, v37;
	[tilespmem:v18+s3+$0x0] =	vst.idx.msk $0xffff, v17;
	v17 =	vld [tilespmem:s20+$0x1C00]  }
0x14f: {  	s30 =	sadd.s32 $0xFFFFFF6F, s12;
	[tilespmem:v22+s29+$0x0] =	vst.idx.msk $0xffff, v21;
	v62 =	vadd.f32 v34, v56;
	v18 =	vmul.f32 v59, v27;
	v63 =	vld [tilespmem:s17+$0x1C00]  }
0x150: {  	[tilespmem:v58+s29+$0x0] =	vst.idx.msk $0xffff, v11;
	v2 =	vmul.f32 v13, v38;
	v56 =	vadd.s32 s16, v9;
	v35 =	vld.idx.msk [tilespmem:v22+s2+$0x0], $0xffff;
	v53 =	vadd.s32 s30, v9  }
0x151: {  	s31 =	sadd.s32 $0xFFFFFFFF, s12;
	[tilespmem:v55+s3+$0x0] =	vst.idx.msk $0xffff, v62;
	v55 =	vld.idx.msk [tilespmem:v58+s2+$0x0], $0xffff;
	v20 =	vsub.f32 v20, v37;
	v18 =	vadd.f32 v18, v40  }
0x152: {  	s16 =	sadd.s32 $0xFFFFFF9F, s12;
	[tilespmem:v52+s29+$0x0] =	vst.idx.msk $0xffff, v2;
	v59 =	vadd.s32 s31, v9;
	v1 =	vadd.f32 v1, v23;
	v16 =	vsub.f32 v16, v37  }
0x153: {  	v20 =	vmul.f32 v20, v36;
	[tilespmem:v39+s3+$0x0] =	vst.idx.msk $0xffff, v18;
	v18 =	vadd.s32 s16, v9;
	v17 =	vsub.f32 v17, v37  }
0x154: {  	v57 =	vld.idx.msk [tilespmem:v52+s2+$0x0], $0xffff;
	[tilespmem:v50+s3+$0x0] =	vst.idx.msk $0xffff, v1;
	v16 =	vmul.f32 v16, v49;
	v13 =	vsub.f32 v63, v37  }
0x155: {  	v21 =	vmul.f32 v21, v29;
	[tilespmem:v56+s29+$0x0] =	vst.idx.msk $0xffff, v20;
	v39 =	vld [tilespmem:s18+$0x2000];
	v17 =	vmul.f32 v17, v45  }
0x156: {  	v11 =	vmul.f32 v11, v26;
	v61 =	vld.idx.msk [tilespmem:v56+s2+$0x0], $0xffff;
	[tilespmem:v53+s29+$0x0] =	vst.idx.msk $0xffff, v16;
	v13 =	vmul.f32 v13, v43  }
0x157: {  	v2 =	vmul.f32 v2, v30;
	v21 =	vadd.f32 v21, v35;
	v60 =	vld.idx.msk [tilespmem:v53+s2+$0x0], $0xffff;
	[tilespmem:v59+s29+$0x0] =	vst.idx.msk $0xffff, v17  }
0x158: {  	v1 =	vadd.f32 v11, v55;
	[tilespmem:v18+s29+$0x0] =	vst.idx.msk $0xffff, v13;
	v62 =	vld.idx.msk [tilespmem:v59+s2+$0x0], $0xffff  }
0x159: {  	v11 =	vmul.f32 v20, v47;
	[tilespmem:v22+s3+$0x0] =	vst.idx.msk $0xffff, v21;
	v2 =	vadd.f32 v2, v57;
	v63 =	vld.idx.msk [tilespmem:v18+s2+$0x0], $0xffff  }
0x15a: {  	v15 =	vld.idx.msk [tilespmem:v51+s2+$0x0], $0xffff;
	v16 =	vmul.f32 v16, v44;
	[tilespmem:v58+s3+$0x0] =	vst.idx.msk $0xffff, v1  }
0x15b: {  	v21 =	vld [tilespmem:s4+$0x2000];
	[tilespmem:v52+s3+$0x0] =	vst.idx.msk $0xffff, v2;
	v11 =	vadd.f32 v11, v61;
	v2 =	vmul.f32 v17, v54  }
0x15c: {  	v13 =	vmul.f32 v13, v46;
	v17 =	vsub.f32 v39, v31;
	v28 =	vadd.f32 v16, v60;
	v16 =	vld [tilespmem:s9+$0x2000]  }
0x15d: {  	(v2sf) =	vpush v24, $0x0;
	v12 =	vmul.f32 v12, v42;
	s18 =	sadd.s32 $0xFFFFFFD0, s13;
	v37 =	vld [tilespmem:s14+$0x2000];
	[tilespmem:v56+s3+$0x0] =	vst.idx.msk $0xffff, v11;
	v2 =	vadd.f32 v2, v62  }
0x15e: {  	s24 =	sadd.s32 $0xFFFFFFD0, s12;
	s21 =	sadd.s32 $0xFFFFFF70, s13;
	v1 =	vadd.s32 s18, v9;
	v48 =	vmul.f32 v17, v32;
	v17 =	vld [tilespmem:s23+$0x2000];
	[tilespmem:v53+s3+$0x0] =	vst.idx.msk $0xffff, v28;
	v11 =	vadd.f32 v13, v63  }
0x15f: {  	v24 =	vadd.s32 s24, v9;
	v20 =	vadd.s32 s21, v9;
	v42 =	vld [tilespmem:s15+$0x2000];
	[tilespmem:v59+s3+$0x0] =	vst.idx.msk $0xffff, v2  }
0x160: {  	s22 =	sadd.s32 $0xFFFFFFA0, s13;
	v12 =	vadd.f32 v12, v15;
	v39 =	vsub.f32 v21, v31;
	[tilespmem:v18+s3+$0x0] =	vst.idx.msk $0xffff, v11;
	v2 =	vadd.s32 s13, v9;
	v11 =	vld [tilespmem:s20+$0x2000]  }
0x161: {  	s30 =	sadd.s32 $0xFFFFFFA0, s12;
	v55 =	vadd.s32 s12, v9;
	v16 =	vsub.f32 v16, v31;
	v18 =	vadd.s32 s22, v9;
	v50 =	vld [tilespmem:s17+$0x2000]  }
0x162: {  	[tilespmem:v51+s3+$0x0] =	vst.idx.msk $0xffff, v12;
	v56 =	vadd.s32 s30, v9;
	s23 =	sadd.s32 $0xFFFFFF70, s12;
	v15 =	vsub.f32 v37, v31;
	v14 =	vmul.f32 v39, v41  }
0x163: {  	v51 =	vadd.s32 s23, v9;
	[tilespmem:v1+s29+$0x0] =	vst.idx.msk $0xffff, v48;
	v17 =	vsub.f32 v17, v31;
	v16 =	vmul.f32 v16, v38  }
0x164: {  	v15 =	vmul.f32 v15, v33;
	[tilespmem:v20+s29+$0x0] =	vst.idx.msk $0xffff, v14;
	v52 =	vld.idx.msk [tilespmem:v1+s2+$0x0], $0xffff;
	v12 =	vsub.f32 v42, v31  }
0x165: {  	v53 =	vld.idx.msk [tilespmem:v20+s2+$0x0], $0xffff;
	v17 =	vmul.f32 v17, v36;
	[tilespmem:v2+s29+$0x0] =	vst.idx.msk $0xffff, v16;
	v11 =	vsub.f32 v11, v31  }
0x166: {  	v12 =	vmul.f32 v12, v49;
	[tilespmem:v18+s29+$0x0] =	vst.idx.msk $0xffff, v15;
	v21 =	vsub.f32 v50, v31;
	v57 =	vld.idx.msk [tilespmem:v2+s2+$0x0], $0xffff  }
0x167: {  	v13 =	vmul.f32 v48, v27;
	[tilespmem:v24+s29+$0x0] =	vst.idx.msk $0xffff, v17;
	v58 =	vld.idx.msk [tilespmem:v18+s2+$0x0], $0xffff;
	v11 =	vmul.f32 v11, v45  }
0x168: {  	v14 =	vmul.f32 v14, v29;
	v59 =	vld.idx.msk [tilespmem:v24+s2+$0x0], $0xffff;
	[tilespmem:v51+s29+$0x0] =	vst.idx.msk $0xffff, v12;
	v21 =	vmul.f32 v21, v43  }
0x169: {  	v13 =	vadd.f32 v13, v52;
	v16 =	vmul.f32 v16, v30;
	v27 =	vld.idx.msk [tilespmem:v51+s2+$0x0], $0xffff;
	[tilespmem:v55+s29+$0x0] =	vst.idx.msk $0xffff, v11  }
0x16a: {  	v14 =	vadd.f32 v14, v53;
	v15 =	vmul.f32 v15, v26;
	[tilespmem:v56+s29+$0x0] =	vst.idx.msk $0xffff, v21;
	v60 =	vld.idx.msk [tilespmem:v55+s2+$0x0], $0xffff  }
0x16b: {  	v62 =	vmul.f32 v17, v47;
	[tilespmem:v1+s3+$0x0] =	vst.idx.msk $0xffff, v13;
	v61 =	vadd.f32 v16, v57;
	v16 =	vld.idx.msk [tilespmem:v56+s2+$0x0], $0xffff  }
0x16c: {  	s31 =	spop (v2sf);
	[tilespmem:v20+s3+$0x0] =	vst.idx.msk $0xffff, v14;
	v12 =	vmul.f32 v12, v44;
	v1 =	vadd.f32 v15, v58  }
0x16d: {  	p0 =	sgt.f32 s31, $5.000000000e-01;
	v63 =	vadd.f32 v62, v59;
	[tilespmem:v2+s3+$0x0] =	vst.idx.msk $0xffff, v61;
	v2 =	vmul.f32 v11, v54  }
.Ltmp5:
0x16e: {  	[tilespmem:v18+s3+$0x0] =	vst.idx.msk $0xffff, v1;
	v1 =	vmul.f32 v21, v46;
	v11 =	vadd.f32 v12, v27;
	(pc) =	sbr.rel @!p0 .LBB2_9-.Ltmp5, $4  }
0x16f: {  	[tilespmem:v24+s3+$0x0] =	vst.idx.msk $0xffff, v63;
	v2 =	vadd.f32 v2, v60  }
0x170: {  	[tilespmem:v51+s3+$0x0] =	vst.idx.msk $0xffff, v11;
	v1 =	vadd.f32 v1, v16  }
0x171: {  	[tilespmem:v55+s3+$0x0] =	vst.idx.msk $0xffff, v2  }
0x172: {  	[tilespmem:v56+s3+$0x0] =	vst.idx.msk $0xffff, v1  }
0x173: {  	(v2sf) =	vpush v25, $0xF  }
0x174: {  	v10 =	vld [tilespmem:$0x1FF50]  }
0x175: {  	v2 =	vld [tilespmem:$0x1FF60];
	_ =	sdelay $0x4  }
0x176: {  	v11 =	vld [tilespmem:$0x1FF70]  }
0x177: {  	s9 =	simm.s32 $0x8000;
	v12 =	vld [tilespmem:$0x1FF80]  }
0x178: {  	v1 =	vld.idx.msk [tilespmem:v10+s9+$0x0], $0xffff  }
0x179: {  	v2 =	vld.idx.msk [tilespmem:v2+s9+$0x0], $0xffff;
	_ =	sdelay $0x1  }
0x17a: {  	v16 =	vld [tilespmem:$0x1FF90]  }
0x17b: {  	v13 =	vld [tilespmem:$0x1FFB0];
	_ =	sdelay $0x1  }
0x17c: {  	v11 =	vld.idx.msk [tilespmem:v11+s9+$0x0], $0xffff;
	v2 =	vsub.f32 v2, v1;
	s4 =	spop (v2sf)  }
0x17d: {  	v12 =	vld.idx.msk [tilespmem:v12+s9+$0x0], $0xffff;
	s4 =	scvt.f32.s32 s4  }
0x17e: {  	v2 =	vmul.f32 v16, v2;
	v16 =	vld [tilespmem:$0x1FFA0]  }
0x17f: {  	v13 =	vadd.s32 s4, v13  }
0x180: {  	vm8 =	vlt.s32 v13, $0x3FF  }
0x181: {  	v15 =	vimm.f32 $5.000000000e-01;
	v11 =	vsub.f32 v11, v1;
	v13 =	vnsel vm8, $0x3FF, v13  }
0x182: {  	v56 =	vsel vm0, $0xBF000000, v15;
	v14 =	vmul.u32 $0x3, v13  }
0x183: {  	v1 =	vsub.f32 v12, v1;
	v12 =	vsel vm1, $0xBF000000, v56;
	v11 =	vmul.f32 v16, v11  }
0x184: {  	v12 =	vsel vm2, $0xBF000000, v12;
	v14 =	vadd.s32 v10, v14  }
0x185: {  	v1 =	vmul.f32 v12, v1;
	v2 =	vadd.f32 v11, v2;
	_ =	sdelay $0x1  }
0x186: {  	v1 =	vadd.f32 v1, v2;
	_ =	sdelay $0x1  }
0x187: {  	s11 =	simm.s32 $0x7000;
	[tilespmem:v14+s29+$0x0] =	vst.idx.msk $0xffff, v1  }
0x188: {  	v2 =	vld.idx.msk [tilespmem:v13+s11+$0x0], $0xffff  }
0x189: {  	v10 =	vld [tilespmem:$0x1FFD0]  }
0x18a: {  	v11 =	vld.idx.msk [tilespmem:v14+s2+$0x0], $0xffff;
	_ =	sdelay $0x2  }
0x18b: {  	v1 =	vmul.f32 v1, v2;
	_ =	sdelay $0x1  }
0x18c: {  	v1 =	vadd.f32 v1, v11;
	_ =	sdelay $0x1  }
0x18d: {  	[tilespmem:v14+s3+$0x0] =	vst.idx.msk $0xffff, v1  }
0x18e: {  	v11 =	vld.idx.msk [tilespmem:v10+s9+$0x0], $0xffff  }
0x18f: {  	v10 =	vld [tilespmem:$0x1FFE0];
	_ =	sdelay $0x2  }
0x190: {  	v2 =	vld [tilespmem:$0x1FFC0];
	_ =	sdelay $0x3  }
0x191: {  	v1 =	vld.idx.msk [tilespmem:v19+s9+$0x0], $0xffff  }
0x192: {  	v57 =	vld.idx.msk [tilespmem:v10+s9+$0x0], $0xffff  }
0x193: {  	v10 =	vld [tilespmem:$0x1FFF0];
	_ =	sdelay $0x1  }
0x194: {  	v2 =	vld.idx.msk [tilespmem:v2+s9+$0x0], $0xffff;
	_ =	sdelay $0x1  }
0x195: {  	v60 =	vsel vm4, $0xBF000000, v15;
	v11 =	vsub.f32 v11, v1  }
0x196: {  	v14 =	vsel vm5, $0xBF000000, v60;
	v58 =	vadd.s32 s4, v10  }
0x197: {  	v11 =	vmul.f32 v14, v11;
	vm8 =	vlt.s32 v58, $0x3FF  }
0x198: {  	v2 =	vsub.f32 v2, v1;
	v10 =	vimm.f32 $-5.000000000e-01;
	v13 =	vnsel vm8, $0x3FF, v58  }
0x199: {  	v59 =	vsel vm3, $0x3F000000, v10;
	v61 =	vsel vm4, $0x3F000000, v10;
	v16 =	vmul.u32 $0x3, v13  }
0x19a: {  	v1 =	vsub.f32 v57, v1;
	v2 =	vmul.f32 v59, v2;
	v62 =	vsel vm6, $0x3F000000, v61  }
0x19b: {  	v12 =	vsel vm7, $0x3F000000, v62;
	v63 =	vadd.s32 v19, v16  }
0x19c: {  	v2 =	vadd.f32 v11, v2;
	v1 =	vmul.f32 v12, v1;
	_ =	sdelay $0x1  }
0x19d: {  	v1 =	vadd.f32 v1, v2;
	_ =	sdelay $0x1  }
0x19e: {  	[tilespmem:v63+s29+$0x0] =	vst.idx.msk $0xff, v1  }
0x19f: {  	v2 =	vld.idx.msk [tilespmem:v13+s11+$0x0], $0xffff;
	_ =	sdelay $0x1  }
0x1a0: {  	v11 =	vld.idx.msk [tilespmem:v63+s2+$0x0], $0xffff;
	_ =	sdelay $0x2  }
0x1a1: {  	v1 =	vmul.f32 v1, v2;
	_ =	sdelay $0x1  }
0x1a2: {  	v1 =	vadd.f32 v1, v11;
	_ =	sdelay $0x1  }
0x1a3: {  	[tilespmem:v63+s3+$0x0] =	vst.idx.msk $0xff, v1  }
.LBB2_9:
0x1a4: {  	s4 =	rddreg [dreg:$0x12]  }
0x1a5: {  	[hbm4b:s4+s25] =	stream.strided.scatter [tilespmem:s29], [sflag:$0x3], $0xC00, s26, s25, $0x38;
	[tilespmem:$0x8380] =	vst v63  }
0x1a6: {  	s21 =	rddreg [dreg:$0x13]  }
0x1a7: {  	[hbm4b:s21+s25] =	stream.strided.scatter [tilespmem:s3], [sflag:$0x3], $0xC00, s26, s25, $0x38;
	[tilespmem:$0x8380] =	vst v63  }
0x1a8: {  	s22 =	rddreg [dreg:$0x14];
	s9 =	simm.s32 $0x7000  }
0x1a9: {  	[hbm4b:s22+s25] =	stream.strided.scatter [tilespmem:s9], [sflag:$0x3], $0x400, s26, s25, $0x38;
	[tilespmem:$0x8380] =	vst v63  }
0x1aa: {  	s23 =	rddreg [dreg:$0x15];
	s24 =	simm.s32 $0x7800  }
0x1ab: {  	[hbm4b:s23+s25] =	stream.strided.scatter [tilespmem:s24], [sflag:$0x3], $0x400, s26, s25, $0x38;
	[tilespmem:$0x8380] =	vst v63  }
0x1ac: {  	_ =	swait.ge [sflag:s5], $0xC00  }
0x1ad: {  	[sflag:s5] =	ssyncset.done $0x0  }
0x1ae: {  	[sflag:s5] =	ssyncadd.s32 $0xFFFFF400  }
0x1af: {  	_ =	swait.ge [sflag:s5], $0xC00  }
0x1b0: {  	[sflag:s5] =	ssyncset.done $0x0  }
0x1b1: {  	[sflag:s5] =	ssyncadd.s32 $0xFFFFF400  }
0x1b2: {  	_ =	swait.ge [sflag:s5], $0x400  }
0x1b3: {  	[sflag:s5] =	ssyncset.done $0x0  }
0x1b4: {  	[sflag:s5] =	ssyncadd.s32 $0xFFFFFC00  }
0x1b5: {  	_ =	swait.ge [sflag:s5], $0x100  }
0x1b6: {  	[sflag:s5] =	ssyncset.done $0x0  }
0x1b7: {  	[sflag:s5] =	ssyncadd.s32 $0xFFFFFF00  }
0x1b8: {  	_ =	swait.ge [sflag:s5], $0x80  }
0x1b9: {  	[sflag:s5] =	ssyncset.done $0x0  }
0x1ba: {  	s30 =	simm.s32 $0x0;
	[sflag:s5] =	ssyncadd.s32 $0xFFFFFF80  }
0x1bb: {  	v13 =	vld [tilespmem:s30+$0x8290]  }
0x1bc: {  	s11 =	simm.s32 $0x40  }
0x1bd: {  	v14 =	vor.u32 s11, v0;
	v10 =	vld [tilespmem:$0x1FF40]  }
0x1be: {  	s4 =	simm.s32 $0x0;
	v15 =	vor.u32 s11, v6;
	v28 =	vor.u32 s11, v7;
	v12 =	vor.u32 s11, v8  }
0x1bf: {  	v25 =	vor.u32 s4, v0;
	v1 =	vor.u32 s4, v3;
	v2 =	vor.u32 s4, v4;
	v26 =	vld [tilespmem:s30+$0x8280]  }
0x1c0: {  	v11 =	vor.u32 s4, v5;
	v16 =	vand.u32 $0x1, v13;
	v17 =	vshrl.u32 v13, $0x8  }
0x1c1: {  	v18 =	vshrl.u32 v13, $0x10;
	v16 =	vcvt.s32.f32 v16;
	v17 =	vand.u32 $0x1, v17  }
0x1c2: {  	v13 =	vshrl.u32 v13, $0x18;
	v18 =	vand.u32 $0x1, v18;
	v17 =	vcvt.s32.f32 v17  }
0x1c3: {  	v13 =	vand.u32 $0x1, v13;
	v18 =	vcvt.s32.f32 v18;
	v16 =	vsub.f32 $1.000000000e+00, v16  }
0x1c4: {  	s31 =	simm.s32 $0x8100;
	v20 =	vshrl.u32 v26, $0x8;
	v21 =	vcvt.s32.f32 v13;
	v17 =	vsub.f32 $1.000000000e+00, v17  }
0x1c5: {  	v22 =	vshrl.u32 v26, $0x10;
	v24 =	vld.idx.msk [tilespmem:v10+s31+$0x0], $0xffff;
	v32 =	vand.u32 $0x1, v20;
	v29 =	vsub.f32 $1.000000000e+00, v18;
	[tilespmem:v14+s6+$0x0] =	vst.idx.msk $0xffff, v16  }
0x1c6: {  	s13 =	simm.s32 $0x0;
	s14 =	simm.s32 $0x80;
	v31 =	vand.u32 $0x1, v22;
	v13 =	vshrl.u32 v26, $0x18;
	v30 =	vsub.f32 $1.000000000e+00, v21;
	[tilespmem:v15+s6+$0x0] =	vst.idx.msk $0xffff, v17  }
.LBB2_10:
0x1c7: {  	s11 =	sshra.s32 s14, $0x2;
	v14 =	vand.u32 $0x1, v26;
	v15 =	vcvt.s32.f32 v32;
	v13 =	vand.u32 $0x1, v13;
	[tilespmem:v28+s6+$0x0] =	vst.idx.msk $0xffff, v29  }
0x1c8: {  	v16 =	vor.u32 s14, v0;
	v18 =	vcvt.s32.f32 v31;
	s9 =	simm.s32 $0x2820;
	s12 =	simm.s32 $0x6420;
	v17 =	vld [tilespmem:s11+$0x8290];
	v13 =	vcvt.s32.f32 v13;
	[tilespmem:v12+s6+$0x0] =	vst.idx.msk $0xffff, v30  }
0x1c9: {  	v20 =	vor.u32 s14, v3;
	s13 =	sadd.s32 $0x2, s13;
	v12 =	vcvt.s32.f32 v14;
	v26 =	vld [tilespmem:s11+$0x8280];
	v14 =	vsub.f32 $1.000000000e+00, v15  }
0x1ca: {  	p0 =	slt.u32 s13, $0xE;
	v15 =	vor.u32 s14, v4;
	v18 =	vsub.f32 $1.000000000e+00, v18;
	v13 =	vsub.f32 $1.000000000e+00, v13  }
0x1cb: {  	v21 =	vor.u32 s14, v5;
	v27 =	vimm.f32 $0.0e+00;
	s11 =	sadd.s32 $0x40, s14;
	v22 =	vsub.f32 $1.000000000e+00, v12  }
0x1cc: {  	v23 =	vor.u32 s11, v0;
	v30 =	vor.u32 s11, v6;
	v28 =	vor.u32 s11, v7  }
0x1cd: {  	v12 =	vor.u32 s11, v8;
	v29 =	vand.u32 $0x1, v17;
	v31 =	vshrl.u32 v17, $0x8;
	[tilespmem:v25+s6+$0x0] =	vst.idx.msk $0xffff, v22;
	v25 =	vmovc v16  }
0x1ce: {  	v16 =	vcvt.s32.f32 v29;
	v22 =	vand.u32 $0x1, v31;
	v29 =	vshrl.u32 v17, $0x10;
	[tilespmem:v1+s6+$0x0] =	vst.idx.msk $0xffff, v14;
	v1 =	vmovc v20  }
.Ltmp6:
0x1cf: {  	v17 =	vshrl.u32 v17, $0x18;
	v14 =	vcvt.s32.f32 v22;
	v20 =	vand.u32 $0x1, v29;
	[tilespmem:v2+s6+$0x0] =	vst.idx.msk $0xffff, v18;
	v2 =	vmovc v15;
	(pc) =	sbr.rel @p0 .LBB2_10-.Ltmp6, $4  }
0x1d0: {  	v17 =	vand.u32 $0x1, v17;
	v15 =	vsub.f32 $1.000000000e+00, v16;
	v16 =	vcvt.s32.f32 v20;
	[tilespmem:v11+s6+$0x0] =	vst.idx.msk $0xffff, v13;
	v11 =	vmovc v21  }
0x1d1: {  	v18 =	vshrl.u32 v26, $0x8;
	v17 =	vcvt.s32.f32 v17;
	v14 =	vsub.f32 $1.000000000e+00, v14  }
0x1d2: {  	v20 =	vshrl.u32 v26, $0x10;
	v13 =	vshrl.u32 v26, $0x18;
	[tilespmem:v23+s6+$0x0] =	vst.idx.msk $0xffff, v15;
	v29 =	vsub.f32 $1.000000000e+00, v16  }
0x1d3: {  	s14 =	sadd.s32 $0x80, s14;
	v32 =	vand.u32 $0x1, v18;
	v31 =	vand.u32 $0x1, v20;
	[tilespmem:v30+s6+$0x0] =	vst.idx.msk $0xffff, v14;
	v30 =	vsub.f32 $1.000000000e+00, v17  }
0x1d4: {  	_ = 	snop  }
0x1d5: {  	v14 =	vand.u32 $0x1, v26  }
0x1d6: {  	v14 =	vcvt.s32.f32 v14  }
0x1d7: {  	v15 =	vcvt.s32.f32 v32  }
0x1d8: {  	v13 =	vand.u32 $0x1, v13;
	[tilespmem:v28+s6+$0x0] =	vst.idx.msk $0xffff, v29;
	v16 =	vcvt.s32.f32 v31;
	v14 =	vsub.f32 $1.000000000e+00, v14  }
0x1d9: {  	v13 =	vcvt.s32.f32 v13;
	[tilespmem:v12+s6+$0x0] =	vst.idx.msk $0xffff, v30;
	v12 =	vsub.f32 $1.000000000e+00, v15  }
0x1da: {  	v15 =	vsub.f32 $1.000000000e+00, v16;
	[tilespmem:v25+s6+$0x0] =	vst.idx.msk $0xffff, v14  }
0x1db: {  	v13 =	vsub.f32 $1.000000000e+00, v13;
	[tilespmem:v1+s6+$0x0] =	vst.idx.msk $0xffff, v12  }
0x1dc: {  	[tilespmem:v2+s6+$0x0] =	vst.idx.msk $0xffff, v15  }
0x1dd: {  	[tilespmem:v11+s6+$0x0] =	vst.idx.msk $0xffff, v13  }
0x1de: {  	v26 =	vld [tilespmem:s12+$0x10]  }
0x1df: {  	v11 =	vld [tilespmem:s9+$0xFFFFFC10]  }
0x1e0: {  	v2 =	vld [tilespmem:s12+$0x0]  }
0x1e1: {  	v12 =	vld [tilespmem:s9+$0xFFFFFC00]  }
0x1e2: {  	v1 =	vld [tilespmem:s12+$0xFFFFFFF0]  }
0x1e3: {  	v13 =	vld [tilespmem:s9+$0xFFFFFBF0]  }
0x1e4: {  	v14 =	vld [tilespmem:s12+$0xFFFFFFE0]  }
0x1e5: {  	s11 =	sand.u32 $0x3C0, s4;
	v15 =	vld [tilespmem:s9+$0xFFFFFBE0]  }
0x1e6: {  	v16 =	vld [tilespmem:s11+$0x2800]  }
0x1e7: {  	v17 =	vld [tilespmem:s11+$0x2C00]  }
0x1e8: {  	v18 =	vld [tilespmem:s9+$0xFFFFFFF0]  }
0x1e9: {  	v33 =	vld [tilespmem:s9+$0x3F0]  }
0x1ea: {  	v31 =	vld [tilespmem:s9+$0x0];
	v35 =	vmul.f32 v12, v2;
	v11 =	vmul.f32 v11, v26  }
0x1eb: {  	v15 =	vmul.f32 v15, v14;
	v28 =	vmul.f32 v13, v1;
	v12 =	vld [tilespmem:s9+$0x400]  }
0x1ec: {  	v32 =	vimm.f32 $0.0e+00;
	v30 =	vld [tilespmem:s9+$0x10];
	v37 =	vmul.f32 v16, v14;
	v13 =	vmul.f32 v17, v14  }
0x1ed: {  	s13 =	simm.s32 $0x6460;
	s12 =	simm.s32 $0x0;
	v29 =	vld [tilespmem:s9+$0x410];
	v25 =	vadd.f32 v14, v27;
	v36 =	vmul.f32 v18, v1;
	v38 =	vadd.f32 v15, v27  }
.LBB2_12:
0x1ee: {  	v14 =	vld [tilespmem:s13+$0x10];
	v15 =	vadd.f32 v37, v27;
	v13 =	vadd.f32 v13, v32;
	v16 =	vmul.f32 v33, v1;
	s9 =	sadd.s32 $0x40, s9  }
0x1ef: {  	v17 =	vld [tilespmem:s9+$0xFFFFFC10];
	v1 =	vadd.f32 v1, v25;
	v18 =	vadd.f32 v28, v38;
	v20 =	vmul.f32 v31, v2  }
0x1f0: {  	v21 =	vld [tilespmem:s13+$0x0];
	v15 =	vadd.f32 v36, v15;
	v13 =	vadd.f32 v16, v13;
	v12 =	vmul.f32 v12, v2  }
0x1f1: {  	v16 =	vld [tilespmem:s9+$0xFFFFFC00];
	v2 =	vadd.f32 v2, v1;
	v18 =	vadd.f32 v35, v18;
	v22 =	vmul.f32 v30, v26  }
0x1f2: {  	v1 =	vld [tilespmem:s13+$0xFFFFFFF0];
	v15 =	vadd.f32 v20, v15;
	v12 =	vadd.f32 v12, v13;
	v13 =	vmul.f32 v29, v26  }
0x1f3: {  	v20 =	vld [tilespmem:s9+$0xFFFFFBF0];
	v23 =	vadd.f32 v26, v2;
	v18 =	vadd.f32 v11, v18;
	v26 =	vmov v14  }
0x1f4: {  	s4 =	sadd.s32 $0x40, s4;
	v14 =	vld [tilespmem:s13+$0xFFFFFFE0];
	v27 =	vadd.f32 v22, v15;
	v32 =	vadd.f32 v13, v12  }
0x1f5: {  	s11 =	sand.u32 $0x3C0, s4;
	v12 =	vld [tilespmem:s9+$0xFFFFFBE0];
	v2 =	vmov v21  }
0x1f6: {  	s12 =	sadd.s32 $0x4, s12;
	v13 =	vld [tilespmem:s11+$0x2800]  }
0x1f7: {  	p0 =	slt.u32 s12, $0x3C;
	v15 =	vld [tilespmem:s11+$0x2C00]  }
0x1f8: {  	v21 =	vld [tilespmem:s9+$0xFFFFFFF0]  }
.Ltmp7:
0x1f9: {  	v33 =	vld [tilespmem:s9+$0x3F0];
	(pc) =	sbr.rel @p0 .LBB2_12-.Ltmp7, $4  }
0x1fa: {  	v11 =	vmul.f32 v17, v26;
	v35 =	vmul.f32 v16, v2;
	v31 =	vld [tilespmem:s9+$0x0]  }
0x1fb: {  	v28 =	vmul.f32 v20, v1;
	v16 =	vmul.f32 v12, v14;
	v12 =	vld [tilespmem:s9+$0x400]  }
0x1fc: {  	v37 =	vmul.f32 v13, v14;
	v13 =	vmul.f32 v15, v14;
	v30 =	vld [tilespmem:s9+$0x10]  }
0x1fd: {  	s13 =	sadd.s32 $0x40, s13;
	v25 =	vadd.f32 v14, v23;
	v38 =	vadd.f32 v16, v18;
	v36 =	vmul.f32 v21, v1;
	v29 =	vld [tilespmem:s9+$0x410]  }
0x1fe: {  	_ = 	snop  }
0x1ff: {  	v14 =	vadd.f32 v1, v25;
	_ =	sdelay $0x1  }
0x200: {  	v14 =	vadd.f32 v2, v14;
	_ =	sdelay $0x1  }
0x201: {  	v14 =	vadd.f32 v26, v14;
	_ =	sdelay $0x1  }
0x202: {  	(xrf2) =	vadd.scan.msk.f32 $0xffff, v14;
	_ =	sdelay $0x2  }
0x203: {  	s4 =	simm.s32 $0x6C20  }
0x204: {  	v14 =	vld [tilespmem:s4+$0x0]  }
0x205: {  	v15 =	vld [tilespmem:s4+$0xFFFFFFF0];
	_ =	sdelay $0x3  }
0x206: {  	v14 =	vmul.f32 $1.500000000e+00, v14  }
0x207: {  	v17 =	vld [tilespmem:s4+$0xFFFFFFE0];
	v15 =	vmul.f32 $1.500000000e+00, v15;
	v25, _, _ =	vpop (xrf2)  }
0x208: {  	v14 =	vadd.f32 $-1.200000050e+00, v14;
	v16 =	vmax.f32 v25, $1.000000000e+00  }
0x209: {  	v15 =	vadd.f32 $-1.200000050e+00, v15;
	v16 =	vbroadcast v16, $0xF  }
0x20a: {  	v14 =	vmul.f32 $1.442695020e+00, v14  }
0x20b: {  	v15 =	vmul.f32 $1.442695020e+00, v15;
	(erf) = vrcp.f32 v16  }
0x20c: {  	v16 =	vmul.f32 $1.500000000e+00, v17;
	(erf) = vpow2.f32 v14  }
0x20d: {  	v14 =	vld [tilespmem:s4+$0x10];
	(erf) = vpow2.f32 v15  }
0x20e: {  	v15 =	vadd.f32 $-1.200000050e+00, v16;
	_ =	sdelay $0x1  }
0x20f: {  	v15 =	vmul.f32 $1.442695020e+00, v15;
	_ =	sdelay $0x1  }
0x210: {  	v14 =	vmul.f32 $1.500000000e+00, v14  }
0x211: {  	(erf) = vpow2.f32 v15  }
0x212: {  	v14 =	vadd.f32 $-1.200000050e+00, v14;
	v15 =	vpop (erf)  }
0x213: {  	v16 =	vpop (erf)  }
0x214: {  	v17 =	vadd.f32 v28, v38;
	v14 =	vmul.f32 $1.442695020e+00, v14;
	v34 =	vmul.f32 $5.000000000e-01, v16;
	v16 =	vpop (erf)  }
0x215: {  	v28 =	vmul.f32 $5.000000000e-01, v16  }
0x216: {  	(erf) = vpow2.f32 v14;
	v16 =	vadd.f32 v35, v17;
	v14 =	vmul.f32 v34, v34;
	_ =	sdelay $0x1  }
0x217: {  	v17 =	vmul.f32 v28, v28;
	v11 =	vadd.f32 v11, v16  }
0x218: {  	s22 =	simm.s32 $0x6C60;
	(erf) = vrcp.f32 v14  }
0x219: {  	v16 =	vld [tilespmem:s22+$0x0];
	(erf) = vrcp.f32 v17;
	(xrf2) =	vadd.scan.msk.f32 $0xffff, v11;
	v14 =	vpop (erf)  }
0x21a: {  	v35 =	vmul.f32 $5.000000000e-01, v14  }
0x21b: {  	v18 =	vmul.f32 v31, v2;
	v2 =	vmul.f32 v12, v2;
	v12 =	vld [tilespmem:s22+$0xFFFFFFE0]  }
0x21c: {  	v11 =	vld [tilespmem:s22+$0xFFFFFFF0];
	v14 =	vmul.f32 v35, v35  }
0x21d: {  	v1 =	vmul.f32 v33, v1  }
0x21e: {  	v13 =	vadd.f32 v13, v32;
	v20 =	vpop (erf);
	(erf) = vrcp.f32 v14;
	v14 =	vmul.f32 $1.500000000e+00, v16  }
0x21f: {  	v17 =	vadd.f32 v37, v27;
	v42 =	vmul.f32 $5.000000000e-01, v20  }
0x220: {  	v1 =	vadd.f32 v1, v13;
	v12 =	vmul.f32 $1.500000000e+00, v12;
	v14 =	vadd.f32 $-1.200000050e+00, v14  }
0x221: {  	s9 =	simm.s32 $0x6420;
	s11 =	simm.s32 $0x7420;
	v11 =	vmul.f32 $1.500000000e+00, v11;
	v16 =	vadd.f32 v36, v17;
	v21 =	vpop (erf);
	v23 =	vmul.f32 v42, v42  }
0x222: {  	v52 =	vld [tilespmem:s9+$0x0];
	[tilespmem:s11+$0x0] =	vst v34;
	v20 =	vsub.f32 $1.000000000e+00, v24;
	v21 =	vadd.f32 $4.000000000e+00, v21;
	v22 =	vpop (erf);
	v14 =	vmul.f32 $1.442695020e+00, v14  }
0x223: {  	s12 =	simm.s32 $0x7C20;
	v40 =	vld [tilespmem:s9+$0xFFFFFFF0];
	[tilespmem:s11+$0xFFFFFFF0] =	vst v28;
	v16 =	vadd.f32 v18, v16;
	v22 =	vadd.f32 $4.000000000e+00, v22;
	(erf) = vrcp.f32 v23;
	v18, _, _ =	vpop (xrf2)  }
0x224: {  	s13 =	simm.s32 $0x2420;
	v13 =	vld [tilespmem:s22+$0x10];
	v11 =	vadd.f32 $-1.200000050e+00, v11;
	[tilespmem:s12+$0x0] =	vst v21;
	(erf) = vpow2.f32 v14;
	v14 =	vbroadcast v18, $0xF  }
0x225: {  	v12 =	vadd.f32 $-1.200000050e+00, v12;
	v15 =	vmul.f32 v15, v20;
	[tilespmem:s12+$0xFFFFFFF0] =	vst v22;
	v20 =	vld [tilespmem:s13+$0x0]  }
0x226: {  	v11 =	vmul.f32 $1.442695020e+00, v11;
	v18 =	vld [tilespmem:s13+$0xFFFFFFF0]  }
0x227: {  	v12 =	vmul.f32 $1.442695020e+00, v12;
	v17 =	vmul.f32 v30, v26  }
0x228: {  	s23 =	simm.s32 $0x60;
	v1 =	vadd.f32 v2, v1;
	(erf) = vpow2.f32 v11;
	v39 =	vmul.f32 v15, v14;
	v14 =	vpop (erf)  }
0x229: {  	s24 =	simm.s32 $0x30;
	v11 =	vadd.f32 v17, v16;
	v16 =	vadd.s32 s23, v9;
	v14 =	vadd.f32 $4.000000000e+00, v14  }
0x22a: {  	v53 =	vld [tilespmem:s9+$0xFFFFFFE0];
	[tilespmem:s11+$0xFFFFFFE0] =	vst v35;
	v17 =	vadd.s32 s24, v9;
	(erf) = vpow2.f32 v12;
	v12 =	vsub.f32 v20, v39  }
0x22b: {  	v2 =	vmul.f32 v29, v26;
	v13 =	vmul.f32 $1.500000000e+00, v13;
	[tilespmem:s12+$0xFFFFFFE0] =	vst v14;
	v14 =	vsub.f32 v18, v39  }
0x22c: {  	v12 =	vmul.f32 v12, v52  }
0x22d: {  	v1 =	vadd.f32 v2, v1;
	v2 =	vadd.f32 $-1.200000050e+00, v13;
	(xrf2) =	vadd.scan.msk.f32 $0xffff, v11;
	v11 =	vld [tilespmem:s13+$0xFFFFFFE0];
	v13 =	vmul.f32 v14, v40  }
0x22e: {  	[tilespmem:v16+s7+$0x0] =	vst.idx.msk $0xffff, v12  }
0x22f: {  	(xrf2) =	vadd.scan.msk.f32 $0xffff, v1;
	v1 =	vmul.f32 $1.442695020e+00, v2;
	v18 =	vld.idx.msk [tilespmem:v16+s1+$0x0], $0xffff;
	v14 =	vpop (erf);
	[tilespmem:v17+s7+$0x0] =	vst.idx.msk $0xffff, v13  }
0x230: {  	s30 =	simm.s32 $0x0;
	v2 =	vadd.f32 $4.000000000e+00, v14;
	v20 =	vld.idx.msk [tilespmem:v17+s1+$0x0], $0xffff  }
0x231: {  	v48 =	vld [tilespmem:s9+$0x10];
	[tilespmem:s11+$0x10] =	vst v42;
	(erf) = vpow2.f32 v1;
	v1 =	vor.u32 s30, v9;
	v14 =	vpop (erf)  }
0x232: {  	v13 =	vmul.f32 v13, v28;
	v27 =	vmul.f32 $5.000000000e-01, v14;
	v14 =	vpop (erf);
	v11 =	vsub.f32 v11, v39;
	[tilespmem:s12+$0x10] =	vst v2  }
0x233: {  	v26 =	vmul.f32 $5.000000000e-01, v14;
	v2 =	vmul.f32 v12, v34;
	v12 =	vld [tilespmem:s13+$0x10]  }
0x234: {  	v14 =	vmul.f32 v27, v27;
	v11 =	vmul.f32 v11, v53  }
0x235: {  	s31 =	simm.s32 $0x6460;
	v47 =	vmul.f32 v26, v26;
	v2 =	vadd.f32 v2, v18;
	v13 =	vadd.f32 v13, v20  }
0x236: {  	s17 =	simm.s32 $0x90;
	s18 =	simm.s32 $0x20;
	v32 =	vld [tilespmem:s31+$0x0];
	v49 =	vpop (erf);
	(erf) = vrcp.f32 v14;
	[tilespmem:v1+s7+$0x0] =	vst.idx.msk $0xffff, v11  }
0x237: {  	s9 =	sand.u32 $0x3E0, s18;
	v29 =	vmul.f32 $5.000000000e-01, v49;
	v18, _, _ =	vpop (xrf2);
	v14 =	vadd.s32 s17, v9;
	(erf) = vrcp.f32 v47;
	v20 =	vld.idx.msk [tilespmem:v1+s1+$0x0], $0xffff;
	[tilespmem:v16+s8+$0x0] =	vst.idx.msk $0xffff, v2  }
0x238: {  	s19 =	simm.s32 $0x10;
	s20 =	simm.s32 $0x6CA0;
	v16 =	vld [tilespmem:s9+$0x2800];
	v2 =	vsub.f32 v12, v39;
	v12 =	vbroadcast v18, $0xF  }
0x239: {  	v51 =	vld [tilespmem:s20+$0xFFFFFFF0];
	s4 =	sand.u32 $0x3D0, s19;
	v50 =	vmul.f32 v29, v29;
	[tilespmem:v17+s8+$0x0] =	vst.idx.msk $0xffff, v13;
	v13, _, _ =	vpop (xrf2)  }
0x23a: {  	v17 =	vld [tilespmem:s4+$0x2800];
	v2 =	vmul.f32 v2, v48;
	v13 =	vbroadcast v13, $0xF  }
0x23b: {  	s16 =	simm.s32 $0x61;
	v11 =	vmul.f32 v11, v35;
	v18 =	vld [tilespmem:s20+$0x0];
	v37 =	vmul.f32 v15, v12  }
0x23c: {  	v22 =	vadd.s32 s16, v9;
	(erf) = vrcp.f32 v50;
	v12 =	vpop (erf);
	[tilespmem:v14+s7+$0x0] =	vst.idx.msk $0xffff, v2;
	v31 =	vmul.f32 v15, v13;
	v15 =	vld [tilespmem:s20+$0xFFFFFFE0]  }
0x23d: {  	s14 =	simm.s32 $0x7460;
	v11 =	vadd.f32 v11, v20;
	v16 =	vsub.f32 v16, v37;
	v30 =	vmul.f32 $5.000000000e-01, v12;
	v12 =	vld.idx.msk [tilespmem:v14+s1+$0x0], $0xffff  }
0x23e: {  	v58 =	vld [tilespmem:s20+$0x10];
	s22 =	simm.s32 $0x31;
	v21 =	vmul.f32 $1.500000000e+00, v51;
	s23 =	simm.s32 $0x0;
	[tilespmem:s14+$0x0] =	vst v27  }
0x23f: {  	v33 =	vld [tilespmem:s31+$0xFFFFFFF0];
	v23 =	vadd.s32 s22, v9;
	s12 =	sand.u32 $0x3C0, s23;
	v2 =	vmul.f32 v2, v42;
	[tilespmem:v1+s8+$0x0] =	vst.idx.msk $0xffff, v11;
	v20 =	vpop (erf);
	v16 =	vmul.f32 v16, v52  }
0x240: {  	s15 =	simm.s32 $0x1;
	[tilespmem:s14+$0xFFFFFFF0] =	vst v26;
	v1 =	vsub.f32 v17, v37;
	v18 =	vmul.f32 $1.500000000e+00, v18;
	v57 =	vpop (erf);
	v17 =	vadd.f32 $4.000000000e+00, v20;
	v20 =	vld [tilespmem:s12+$0x2800]  }
0x241: {  	v13 =	vadd.s32 s15, v9;
	s15 =	simm.s32 $0x7C60;
	v59 =	vmul.f32 v30, v30;
	v11 =	vadd.f32 $4.000000000e+00, v57;
	[tilespmem:v22+s7+$0x0] =	vst.idx.msk $0xffff, v16  }
0x242: {  	v41 =	vld [tilespmem:s31+$0xFFFFFFE0];
	[tilespmem:s15+$0x0] =	vst v17;
	v2 =	vadd.f32 v2, v12;
	v12 =	vmul.f32 $1.500000000e+00, v15;
	v15 =	vadd.f32 $-1.200000050e+00, v18  }
0x243: {  	v60 =	vmul.f32 $1.500000000e+00, v58;
	s17 =	simm.s32 $0x2460;
	v1 =	vmul.f32 v1, v40;
	v17 =	vadd.f32 $-1.200000050e+00, v21;
	v61 =	vld.idx.msk [tilespmem:v22+s1+$0x0], $0xffff;
	[tilespmem:s15+$0xFFFFFFF0] =	vst v11  }
0x244: {  	s24 =	simm.s32 $0x30;
	(erf) = vrcp.f32 v59;
	v43 =	vld [tilespmem:s17+$0x0];
	[tilespmem:v14+s8+$0x0] =	vst.idx.msk $0xffff, v2;
	v2 =	vadd.f32 $-1.200000050e+00, v12;
	v12 =	vmul.f32 $1.442695020e+00, v15  }
0x245: {  	s23 =	sand.u32 $0x3F0, s24;
	v18 =	vld [tilespmem:s17+$0xFFFFFFF0];
	v11 =	vpop (erf);
	v15 =	vmul.f32 v16, v34;
	v16 =	vmul.f32 $1.442695020e+00, v17;
	v17 =	vsub.f32 v20, v37  }
0x246: {  	s21 =	simm.s32 $0x91;
	[tilespmem:s14+$0xFFFFFFE0] =	vst v29;
	v20 =	vadd.f32 $-1.200000050e+00, v60;
	v11 =	vadd.f32 $4.000000000e+00, v11;
	v14 =	vld [tilespmem:s23+$0x2800];
	(erf) = vpow2.f32 v12  }
0x247: {  	v54 =	vadd.s32 s21, v9;
	v38 =	vld [tilespmem:s31+$0x10];
	s30 =	simm.s32 $0x120;
	[tilespmem:v23+s7+$0x0] =	vst.idx.msk $0xffff, v1;
	v2 =	vmul.f32 $1.442695020e+00, v2;
	(erf) = vpow2.f32 v16  }
0x248: {  	s31 =	simm.s32 $0xF0;
	v44 =	vld.idx.msk [tilespmem:v23+s1+$0x0], $0xffff;
	v12 =	vadd.s32 s30, v9;
	[tilespmem:s15+$0xFFFFFFE0] =	vst v11;
	v11 =	vmul.f32 v17, v53;
	v16 =	vmul.f32 $1.442695020e+00, v20  }
0x249: {  	s20 =	simm.s32 $0x64A0;
	v17 =	vsub.f32 v43, v39;
	v20 =	vadd.s32 s31, v9;
	(erf) = vpow2.f32 v2;
	v2 =	vld [tilespmem:s17+$0xFFFFFFE0]  }
0x24a: {  	v36 =	vld [tilespmem:s20+$0x0];
	[tilespmem:s14+$0x10] =	vst v30;
	v1 =	vmul.f32 v1, v28;
	v15 =	vadd.f32 v15, v61;
	v18 =	vsub.f32 v18, v39  }
0x24b: {  	v45 =	vld [tilespmem:s20+$0x10];
	[tilespmem:v13+s7+$0x0] =	vst.idx.msk $0xffff, v11;
	(erf) = vpow2.f32 v16;
	v16 =	vmul.f32 v17, v32;
	v14 =	vsub.f32 v14, v37  }
0x24c: {  	s13 =	simm.s32 $0xC0;
	[tilespmem:v22+s8+$0x0] =	vst.idx.msk $0xffff, v15;
	v17 =	vld.idx.msk [tilespmem:v13+s1+$0x0], $0xffff;
	v18 =	vmul.f32 v18, v33  }
0x24d: {  	v56 =	vor.u32 s13, v9;
	v43 =	vld [tilespmem:s20+$0xFFFFFFF0];
	v1 =	vadd.f32 v1, v44;
	[tilespmem:v12+s7+$0x0] =	vst.idx.msk $0xffff, v16;
	v14 =	vmul.f32 v14, v48  }
0x24e: {  	v11 =	vmul.f32 v11, v35;
	v46 =	vpop (erf);
	v62 =	vld.idx.msk [tilespmem:v12+s1+$0x0], $0xffff;
	[tilespmem:v20+s7+$0x0] =	vst.idx.msk $0xffff, v18;
	v2 =	vsub.f32 v2, v39  }
0x24f: {  	v57 =	vmul.f32 v18, v26;
	v18 =	vadd.f32 $4.000000000e+00, v46;
	v58 =	vld.idx.msk [tilespmem:v20+s1+$0x0], $0xffff;
	[tilespmem:v54+s7+$0x0] =	vst.idx.msk $0xffff, v14  }
0x250: {  	[tilespmem:v23+s8+$0x0] =	vst.idx.msk $0xffff, v1;
	v49 =	vld.idx.msk [tilespmem:v54+s1+$0x0], $0xffff;
	v63 =	vpop (erf);
	v2 =	vmul.f32 v2, v41  }
0x251: {  	s18 =	simm.s32 $0x62;
	v16 =	vmul.f32 v16, v27;
	[tilespmem:s15+$0x10] =	vst v18;
	v11 =	vadd.f32 v11, v17;
	v17 =	vld [tilespmem:s9+$0x2C00];
	v47 =	vmul.f32 $5.000000000e-01, v63;
	v15 =	vpop (erf)  }
0x252: {  	v55 =	vadd.s32 s18, v9;
	v1 =	vld [tilespmem:s4+$0x2C00];
	v14 =	vmul.f32 v14, v42;
	v46 =	vmul.f32 $5.000000000e-01, v15;
	v15 =	vpop (erf);
	[tilespmem:v56+s7+$0x0] =	vst.idx.msk $0xffff, v2  }
0x253: {  	s16 =	simm.s32 $0x32;
	s14 =	simm.s32 $0x92;
	v18 =	vld [tilespmem:s17+$0x10];
	[tilespmem:v13+s8+$0x0] =	vst.idx.msk $0xffff, v11;
	v13 =	vadd.f32 v16, v62;
	v44 =	vmul.f32 $5.000000000e-01, v15;
	v15 =	vmul.f32 v47, v47  }
0x254: {  	s19 =	simm.s32 $0x60;
	s22 =	simm.s32 $0x74A0;
	v50 =	vadd.s32 s16, v9;
	v51 =	vadd.s32 s14, v9;
	v22 =	vld.idx.msk [tilespmem:v56+s1+$0x0], $0xffff;
	v11 =	vmul.f32 v46, v46  }
0x255: {  	s21 =	simm.s32 $0x121;
	s18 =	sand.u32 $0x3E0, s19;
	s19 =	simm.s32 $0x70;
	v62 =	vld [tilespmem:s12+$0x2C00];
	[tilespmem:s22+$0x0] =	vst v47;
	v16 =	vmul.f32 v44, v44;
	(erf) = vrcp.f32 v15;
	v14 =	vadd.f32 v14, v49  }
0x256: {  	s24 =	simm.s32 $0x150;
	s13 =	simm.s32 $0x152;
	s30 =	simm.s32 $0x50;
	[tilespmem:v12+s8+$0x0] =	vst.idx.msk $0xffff, v13;
	v49 =	vld [tilespmem:s20+$0xFFFFFFE0];
	v12 =	vsub.f32 v17, v31;
	(erf) = vrcp.f32 v11;
	v11 =	vadd.f32 v57, v58  }
0x257: {  	s16 =	simm.s32 $0x1E1;
	v59 =	vadd.s32 s24, v9;
	s24 =	simm.s32 $0xC1;
	s14 =	sand.u32 $0x3D0, s30;
	v2 =	vmul.f32 v2, v29;
	v63 =	vld [tilespmem:s18+$0x2800];
	v13 =	vpop (erf);
	(erf) = vrcp.f32 v16;
	[tilespmem:v54+s8+$0x0] =	vst.idx.msk $0xffff, v14  }
0x258: {  	s31 =	simm.s32 $0x151;
	s30 =	simm.s32 $0x2;
	s4 =	simm.s32 $0x8;
	v58 =	vsub.f32 v18, v39;
	v54 =	vmul.f32 $5.000000000e-01, v13;
	v61 =	vmul.f32 v12, v52;
	[tilespmem:v20+s8+$0x0] =	vst.idx.msk $0xffff, v11;
	v12 =	vld [tilespmem:s23+$0x2C00]  }
0x259: {  	s9 =	simm.s32 $0x2D2;
	s12 =	simm.s32 $0x212;
	[tilespmem:s22+$0xFFFFFFE0] =	vst v44;
	v57 =	vadd.s32 s30, v9;
	v52 =	vadd.s32 s31, v9;
	s23 =	simm.s32 $0x6CE0;
	v13 =	vadd.f32 v2, v22;
	v11 =	vld [tilespmem:s14+$0x2800]  }
.LBB2_14:
0x25a: {  	s11 =	sadd.s32 $0xFFFFFFCF, s9;
	s4 =	sadd.s32 $0x4, s4;
	[tilespmem:s22+$0x10] =	vst v54  }
0x25b: {  	v2 =	vld [tilespmem:s23+$0x0];
	v60 =	vadd.s32 s24, v9;
	v14 =	vmul.f32 v58, v38;
	v15 =	vsub.f32 v62, v31;
	v58 =	vmovc v30;
	v30 =	vmovc v54;
	s24 =	smov.u32 s13;
	s13 =	smov.u32 s12;
	s12 =	smov.u32 s9  }
0x25c: {  	v62 =	vadd.s32 s21, v9;
	v1 =	vsub.f32 v1, v31;
	v17 =	vmul.f32 v61, v34;
	s21 =	smov.u32 s16;
	v16 =	vld [tilespmem:s23+$0xFFFFFFF0];
	p0 =	slt.u32 s4, $0x3C;
	s30 =	sadd.s32 $0xFFFFFF9F, s24;
	[tilespmem:v55+s7+$0x0] =	vst.idx.msk $0xffff, v61  }
0x25d: {  	s16 =	smov.u32 s11;
	v18 =	vld [tilespmem:s23+$0xFFFFFFE0];
	v61 =	vadd.s32 s30, v9;
	[tilespmem:v59+s7+$0x0] =	vst.idx.msk $0xffff, v14;
	v14 =	vmul.f32 v14, v58;
	v15 =	vmul.f32 v15, v53  }
0x25e: {  	s15 =	sadd.s32 $0x40, s15;
	[tilespmem:v56+s8+$0x0] =	vst.idx.msk $0xffff, v13;
	v13 =	vsub.f32 v63, v37;
	v20 =	vld.idx.msk [tilespmem:v59+s1+$0x0], $0xffff;
	v12 =	vsub.f32 v12, v31  }
0x25f: {  	v1 =	vmul.f32 v1, v40;
	v21 =	vpop (erf);
	v11 =	vsub.f32 v11, v37;
	[tilespmem:v57+s7+$0x0] =	vst.idx.msk $0xffff, v15;
	v22 =	vld.idx.msk [tilespmem:v55+s1+$0x0], $0xffff  }
0x260: {  	s11 =	sadd.s32 $0xFFFFFFD0, s19;
	[tilespmem:s22+$0xFFFFFFF0] =	vst v46;
	v21 =	vadd.f32 $4.000000000e+00, v21;
	v23 =	vpop (erf);
	v13 =	vmul.f32 v13, v32;
	v34 =	vld.idx.msk [tilespmem:v57+s1+$0x0], $0xffff;
	v12 =	vmul.f32 v12, v48  }
0x261: {  	s17 =	sadd.s32 $0x40, s17;
	v53 =	vmul.f32 v54, v30;
	s31 =	sand.u32 $0x3C0, s11;
	v48 =	vld [tilespmem:s23+$0x10];
	v23 =	vadd.f32 $4.000000000e+00, v23;
	v40 =	vpop (erf);
	v11 =	vmul.f32 v11, v33;
	[tilespmem:v50+s7+$0x0] =	vst.idx.msk $0xffff, v1  }
0x262: {  	s11 =	sadd.s32 $0xFFFFFFCE, s13;
	v15 =	vmul.f32 v15, v35;
	v56 =	vadd.f32 $4.000000000e+00, v40;
	v63 =	vld [tilespmem:s31+$0x2800];
	v10 =	vmul.f32 v13, v27;
	[tilespmem:v51+s7+$0x0] =	vst.idx.msk $0xffff, v12  }
0x263: {  	v54 =	vadd.s32 s11, v9;
	v2 =	vmul.f32 $1.500000000e+00, v2;
	v12 =	vmul.f32 v12, v42;
	[tilespmem:v61+s7+$0x0] =	vst.idx.msk $0xffff, v11;
	v35 =	vld.idx.msk [tilespmem:v51+s1+$0x0], $0xffff  }
0x264: {  	v16 =	vmul.f32 $1.500000000e+00, v16;
	v1 =	vmul.f32 v1, v28;
	v14 =	vadd.f32 v14, v20;
	[tilespmem:s15+$0xFFFFFFF0] =	vst v23;
	v20 =	vld.idx.msk [tilespmem:v50+s1+$0x0], $0xffff  }
0x265: {  	v18 =	vmul.f32 $1.500000000e+00, v18;
	v2 =	vadd.f32 $-1.200000050e+00, v2;
	v40 =	vmovc v33;
	v33 =	vmovc v43;
	v17 =	vadd.f32 v17, v22;
	v23 =	vld [tilespmem:s17+$0xFFFFFFF0];
	[tilespmem:s15+$0x0] =	vst v21  }
0x266: {  	s30 =	sand.u32 $0x3F0, s19;
	v16 =	vadd.f32 $-1.200000050e+00, v16;
	v21 =	vmul.f32 $1.500000000e+00, v48;
	v22 =	vld [tilespmem:s17+$0x0];
	[tilespmem:v59+s8+$0x0] =	vst.idx.msk $0xffff, v14;
	v14 =	vadd.f32 v15, v34;
	v48 =	vmovc v38  }
0x267: {  	v2 =	vmul.f32 $1.442695020e+00, v2;
	v15 =	vadd.f32 $-1.200000050e+00, v18;
	v38 =	vmovc v45;
	v34 =	vmovc v27;
	(erf) = vrcp.f32 v53;
	[tilespmem:v62+s7+$0x0] =	vst.idx.msk $0xffff, v13;
	v13 =	vld [tilespmem:s30+$0x2800]  }
0x268: {  	v16 =	vmul.f32 $1.442695020e+00, v16;
	v18 =	vadd.f32 $-1.200000050e+00, v21;
	v21 =	vsub.f32 v63, v37;
	v42 =	vld.idx.msk [tilespmem:v62+s1+$0x0], $0xffff;
	[tilespmem:v57+s8+$0x0] =	vst.idx.msk $0xffff, v14  }
0x269: {  	s20 =	sadd.s32 $0x40, s20;
	v27 =	vmovc v47;
	v14 =	vmul.f32 $1.442695020e+00, v15;
	v12 =	vadd.f32 v12, v35;
	(erf) = vpow2.f32 v2;
	[tilespmem:v55+s8+$0x0] =	vst.idx.msk $0xffff, v17  }
0x26a: {  	v28 =	vmovc v26;
	v1 =	vadd.f32 v1, v20;
	v2 =	vld [tilespmem:s20+$0x0];
	(erf) = vpow2.f32 v16;
	[tilespmem:s15+$0xFFFFFFE0] =	vst v56;
	v15 =	vmul.f32 v21, v41  }
0x26b: {  	s11 =	sadd.s32 $0xFFFFFF9E, s13;
	v26 =	vmovc v46;
	v16 =	vmul.f32 $1.442695020e+00, v18;
	(erf) = vpow2.f32 v14;
	v14 =	vld [tilespmem:s17+$0xFFFFFFE0];
	v17 =	vsub.f32 v22, v39;
	[tilespmem:v51+s8+$0x0] =	vst.idx.msk $0xffff, v12  }
0x26c: {  	v18 =	vsub.f32 v23, v39;
	v12 =	vadd.s32 s11, v9;
	v43 =	vld [tilespmem:s20+$0xFFFFFFF0];
	[tilespmem:v60+s7+$0x0] =	vst.idx.msk $0xffff, v15;
	v13 =	vsub.f32 v13, v37  }
0x26d: {  	v35 =	vmov v29;
	(erf) = vpow2.f32 v16;
	v16 =	vmul.f32 v17, v36;
	v17 =	vld.idx.msk [tilespmem:v60+s1+$0x0], $0xffff;
	[tilespmem:v50+s8+$0x0] =	vst.idx.msk $0xffff, v1  }
0x26e: {  	s11 =	sadd.s32 $0xFFFFFF6E, s13;
	v1 =	vmul.f32 v18, v33;
	v10 =	vadd.f32 v10, v42;
	v18 =	vld.idx.msk [tilespmem:v61+s1+$0x0], $0xffff;
	v13 =	vmul.f32 v13, v48  }
0x26f: {  	v56 =	vor.u32 s11, v9;
	v15 =	vmul.f32 v15, v35;
	v45 =	vld [tilespmem:s20+$0x10];
	[tilespmem:v54+s7+$0x0] =	vst.idx.msk $0xffff, v16;
	v16 =	vmul.f32 v16, v27  }
0x270: {  	v20 =	vmul.f32 v1, v26;
	v14 =	vsub.f32 v14, v39;
	v21 =	vld.idx.msk [tilespmem:v54+s1+$0x0], $0xffff;
	v22 =	vpop (erf);
	[tilespmem:v52+s7+$0x0] =	vst.idx.msk $0xffff, v13  }
0x271: {  	v29 =	vmov v44;
	v13 =	vmul.f32 v13, v58;
	[tilespmem:v12+s7+$0x0] =	vst.idx.msk $0xffff, v1;
	v1 =	vadd.f32 $4.000000000e+00, v22;
	v22 =	vld.idx.msk [tilespmem:v52+s1+$0x0], $0xffff  }
0x272: {  	v11 =	vmul.f32 v11, v28;
	v23 =	vpop (erf);
	v14 =	vmul.f32 v14, v49;
	v42 =	vld.idx.msk [tilespmem:v12+s1+$0x0], $0xffff;
	[tilespmem:v62+s8+$0x0] =	vst.idx.msk $0xffff, v10  }
0x273: {  	s19 =	sadd.s32 $0x40, s19;
	v53 =	vmov v41;
	v47 =	vmul.f32 $5.000000000e-01, v23;
	v10 =	vpop (erf);
	[tilespmem:s15+$0x10] =	vst v1;
	v1 =	vadd.f32 v15, v17;
	v15 =	vld [tilespmem:s18+$0x2C00]  }
0x274: {  	v51 =	vadd.s32 s24, v9;
	s11 =	sadd.s32 $0xFFFFFFA0, s24;
	v11 =	vadd.f32 v11, v18;
	v46 =	vmul.f32 $5.000000000e-01, v10;
	v10 =	vpop (erf);
	[tilespmem:v56+s7+$0x0] =	vst.idx.msk $0xffff, v14;
	v17 =	vld [tilespmem:s17+$0x10]  }
0x275: {  	v50 =	vadd.s32 s11, v9;
	s11 =	sadd.s32 $0xFFFFFFD0, s24;
	v44 =	vmul.f32 $5.000000000e-01, v10;
	v10 =	vmul.f32 v47, v47;
	v18 =	vld.idx.msk [tilespmem:v56+s1+$0x0], $0xffff;
	[tilespmem:v60+s8+$0x0] =	vst.idx.msk $0xffff, v1  }
0x276: {  	s22 =	sadd.s32 $0x40, s22;
	v55 =	vadd.s32 s11, v9;
	v16 =	vadd.f32 v16, v21;
	v23 =	vmul.f32 v46, v46;
	v57 =	vpop (erf);
	v62 =	vld [tilespmem:s31+$0x2C00];
	[tilespmem:v61+s8+$0x0] =	vst.idx.msk $0xffff, v11  }
.Ltmp8:
0x277: {  	v41 =	vmovc v49;
	s11 =	sadd.s32 $0xFFFFFFF0, s19;
	v11 =	vmul.f32 v44, v44;
	[tilespmem:s22+$0x0] =	vst v47;
	(erf) = vrcp.f32 v10;
	v1 =	vld [tilespmem:s14+$0x2C00];
	v10 =	vadd.f32 v13, v22;
	(pc) =	sbr.rel @p0 .LBB2_14-.Ltmp8, $4  }
0x278: {  	s18 =	sand.u32 $0x3E0, s11;
	s11 =	sadd.s32 $0xFFFFFFFE, s13;
	v13 =	vadd.f32 v20, v42;
	v49 =	vld [tilespmem:s20+$0xFFFFFFE0];
	(erf) = vrcp.f32 v23;
	[tilespmem:v54+s8+$0x0] =	vst.idx.msk $0xffff, v16;
	v15 =	vsub.f32 v15, v31  }
0x279: {  	v59 =	vadd.s32 s11, v9;
	s14 =	sadd.s32 $0xFFFFFFE0, s19;
	v42 =	vmovc v58;
	(erf) = vrcp.f32 v11;
	v11 =	vmul.f32 v14, v29;
	v63 =	vld [tilespmem:s18+$0x2800];
	[tilespmem:v52+s8+$0x0] =	vst.idx.msk $0xffff, v10  }
0x27a: {  	s11 =	sadd.s32 $0xFFFFFFFF, s13;
	s31 =	sadd.s32 $0xFFFFFF70, s24;
	v54 =	vmul.f32 $5.000000000e-01, v57;
	s14 =	sand.u32 $0x3D0, s14;
	v58 =	vsub.f32 v17, v39;
	[tilespmem:v12+s8+$0x0] =	vst.idx.msk $0xffff, v13;
	v61 =	vmul.f32 v15, v32;
	v12 =	vld [tilespmem:s30+$0x2C00]  }
0x27b: {  	s9 =	sadd.s32 $0xC0, s9;
	s23 =	sadd.s32 $0x40, s23;
	s24 =	sadd.s32 $0xFFFFFF6F, s13;
	v57 =	vadd.s32 s31, v9;
	v52 =	vadd.s32 s11, v9;
	v32 =	vmovc v36;
	v36 =	vmovc v2;
	[tilespmem:s22+$0xFFFFFFE0] =	vst v44;
	v13 =	vadd.f32 v11, v18;
	v11 =	vld [tilespmem:s14+$0x2800]  }
0x27c: {  	v2 =	vmul.f32 v54, v54;
	_ =	sdelay $0x1  }
0x27d: {  	(erf) = vrcp.f32 v2;
	_ =	sdelay $0x1  }
0x27e: {  	v2 =	vpop (erf)  }
0x27f: {  	v10 =	vpop (erf)  }
0x280: {  	v14 =	vpop (erf)  }
0x281: {  	v14 =	vadd.f32 $4.000000000e+00, v14  }
0x282: {  	s4 =	sadd.s32 $0x40, s15  }
0x283: {  	s9 =	sadd.s32 $0x40, s17;
	v2 =	vadd.f32 $4.000000000e+00, v2;
	[tilespmem:s4+$0xFFFFFFE0] =	vst v14  }
0x284: {  	[tilespmem:s22+$0x10] =	vst v54;
	v14 =	vld [tilespmem:s9+$0xFFFFFFE0]  }
0x285: {  	v15 =	vmul.f32 v58, v38;
	[tilespmem:s4+$0x0] =	vst v2;
	v16 =	vpop (erf)  }
0x286: {  	[tilespmem:s22+$0xFFFFFFF0] =	vst v46;
	v18 =	vld [tilespmem:s9+$0x0];
	v16 =	vadd.f32 $4.000000000e+00, v16  }
0x287: {  	s11 =	sadd.s32 $0xFFFFFF6E, s12;
	[tilespmem:v59+s7+$0x0] =	vst.idx.msk $0xffff, v15;
	v10 =	vadd.f32 $4.000000000e+00, v10  }
0x288: {  	v20 =	vor.u32 s11, v9;
	v17 =	vld.idx.msk [tilespmem:v59+s1+$0x0], $0xffff;
	[tilespmem:s4+$0x10] =	vst v16  }
0x289: {  	s31 =	sadd.s32 $0xFFFFFFCE, s12;
	[tilespmem:s4+$0xFFFFFFF0] =	vst v10;
	v10 =	vsub.f32 v14, v39;
	v58 =	vld [tilespmem:s9+$0x10]  }
0x28a: {  	v1 =	vsub.f32 v1, v31;
	v60 =	vmul.f32 v15, v30;
	v15 =	vadd.s32 s31, v9;
	v16 =	vld [tilespmem:s9+$0xFFFFFFF0]  }
0x28b: {  	v18 =	vsub.f32 v18, v39;
	v10 =	vmul.f32 v10, v49  }
0x28c: {  	[tilespmem:v56+s8+$0x0] =	vst.idx.msk $0xffff, v13;
	s11 =	sadd.s32 $0xFFFFFFFE, s12;
	v1 =	vmul.f32 v1, v40  }
0x28d: {  	s15 =	sadd.s32 $0xFFFFFF9E, s12;
	v23 =	vadd.s32 s11, v9;
	v2 =	vsub.f32 v62, v31;
	v18 =	vmul.f32 v18, v36;
	[tilespmem:v20+s7+$0x0] =	vst.idx.msk $0xffff, v10  }
0x28e: {  	v13 =	vadd.f32 v60, v17;
	v17 =	vadd.s32 s15, v9;
	v62 =	vld.idx.msk [tilespmem:v20+s1+$0x0], $0xffff;
	v14 =	vsub.f32 v58, v39  }
0x28f: {  	s30 =	sadd.s32 $0xFFFFFFD0, s19;
	v2 =	vmul.f32 v2, v53;
	[tilespmem:v15+s7+$0x0] =	vst.idx.msk $0xffff, v18;
	v16 =	vsub.f32 v16, v39  }
0x290: {  	v12 =	vsub.f32 v12, v31;
	[tilespmem:v59+s8+$0x0] =	vst.idx.msk $0xffff, v13;
	s4 =	sand.u32 $0x3C0, s30;
	v40 =	vld.idx.msk [tilespmem:v15+s1+$0x0], $0xffff;
	v13 =	vmul.f32 v14, v45  }
0x291: {  	[tilespmem:v57+s7+$0x0] =	vst.idx.msk $0xffff, v2;
	v22 =	vld [tilespmem:s4+$0x2800];
	v10 =	vmul.f32 v10, v44;
	v39 =	vadd.s32 s21, v9;
	v16 =	vmul.f32 v16, v43  }
0x292: {  	v12 =	vmul.f32 v12, v48;
	v60 =	vsub.f32 v63, v37;
	v58 =	vld.idx.msk [tilespmem:v57+s1+$0x0], $0xffff;
	[tilespmem:v23+s7+$0x0] =	vst.idx.msk $0xffff, v13  }
0x293: {  	v18 =	vmul.f32 v18, v47;
	[tilespmem:v17+s7+$0x0] =	vst.idx.msk $0xffff, v16;
	v10 =	vadd.f32 v10, v62;
	v48 =	vld.idx.msk [tilespmem:v23+s1+$0x0], $0xffff  }
0x294: {  	[tilespmem:v55+s7+$0x0] =	vst.idx.msk $0xffff, v61;
	v59 =	vmul.f32 v60, v32;
	s9 =	sand.u32 $0x3F0, s19;
	v60 =	vld.idx.msk [tilespmem:v17+s1+$0x0], $0xffff  }
0x295: {  	s20 =	sadd.s32 $0x40, s19;
	v34 =	vmul.f32 v61, v34;
	v18 =	vadd.f32 v18, v40;
	[tilespmem:v20+s8+$0x0] =	vst.idx.msk $0xffff, v10;
	v10 =	vld [tilespmem:s9+$0x2800]  }
0x296: {  	s22 =	sadd.s32 $0xFFFFFFF0, s20;
	v11 =	vsub.f32 v11, v37;
	v53 =	vld.idx.msk [tilespmem:v55+s1+$0x0], $0xffff;
	v13 =	vmul.f32 v13, v54;
	[tilespmem:v39+s7+$0x0] =	vst.idx.msk $0xffff, v59  }
0x297: {  	s17 =	sadd.s32 $0xFFFFFF9F, s13;
	s23 =	sand.u32 $0x3E0, s22;
	v2 =	vmul.f32 v2, v35;
	s21 =	sadd.s32 $0xFFFFFFD0, s20;
	v16 =	vmul.f32 v16, v46;
	[tilespmem:v15+s8+$0x0] =	vst.idx.msk $0xffff, v18;
	v62 =	vld.idx.msk [tilespmem:v39+s1+$0x0], $0xffff  }
0x298: {  	v56 =	vadd.s32 s17, v9;
	[tilespmem:v50+s7+$0x0] =	vst.idx.msk $0xffff, v1;
	v22 =	vsub.f32 v22, v37;
	s15 =	sand.u32 $0x3C0, s21;
	v18 =	vld [tilespmem:s23+$0x2800];
	v13 =	vadd.f32 v13, v48  }
0x299: {  	v21 =	vadd.s32 s24, v9;
	[tilespmem:v51+s7+$0x0] =	vst.idx.msk $0xffff, v12;
	v2 =	vadd.f32 v2, v58;
	v16 =	vadd.f32 v16, v60;
	v48 =	vld [tilespmem:s15+$0x2800]  }
0x29a: {  	s24 =	sadd.s32 $0xFFFFFFE0, s20;
	s20 =	sand.u32 $0x3F0, s20;
	v20 =	vmul.f32 v22, v41;
	v22 =	vld.idx.msk [tilespmem:v50+s1+$0x0], $0xffff;
	v10 =	vsub.f32 v10, v37;
	[tilespmem:v23+s8+$0x0] =	vst.idx.msk $0xffff, v13  }
0x29b: {  	s17 =	sand.u32 $0x3D0, s24;
	v11 =	vmul.f32 v11, v33;
	[tilespmem:v17+s8+$0x0] =	vst.idx.msk $0xffff, v16;
	v17 =	vmul.f32 v59, v27;
	v16 =	vld [tilespmem:s20+$0x2800]  }
0x29c: {  	v1 =	vmul.f32 v1, v28;
	s30 =	sadd.s32 $0xFFFFFF6F, s12;
	[tilespmem:v57+s8+$0x0] =	vst.idx.msk $0xffff, v2;
	v2 =	vmul.f32 v10, v38;
	v10 =	vld [tilespmem:s17+$0x2800]  }
0x29d: {  	s31 =	sadd.s32 $0xFFFFFFFF, s12;
	[tilespmem:v56+s7+$0x0] =	vst.idx.msk $0xffff, v11;
	v14 =	vld.idx.msk [tilespmem:v51+s1+$0x0], $0xffff;
	v57 =	vadd.s32 s30, v9;
	v17 =	vadd.f32 v17, v62  }
0x29e: {  	v61 =	vadd.s32 s31, v9;
	v58 =	vld.idx.msk [tilespmem:v56+s1+$0x0], $0xffff;
	[tilespmem:v21+s7+$0x0] =	vst.idx.msk $0xffff, v20;
	v59 =	vadd.s32 s16, v9;
	v15 =	vsub.f32 v48, v37  }
0x29f: {  	v63 =	vld.idx.msk [tilespmem:v21+s1+$0x0], $0xffff;
	s16 =	sadd.s32 $0xFFFFFF9F, s12;
	v18 =	vsub.f32 v18, v37;
	v1 =	vadd.f32 v1, v22;
	[tilespmem:v39+s8+$0x0] =	vst.idx.msk $0xffff, v17  }
0x2a0: {  	v17 =	vadd.s32 s16, v9;
	[tilespmem:v52+s7+$0x0] =	vst.idx.msk $0xffff, v2;
	v15 =	vmul.f32 v15, v49;
	v16 =	vsub.f32 v16, v37  }
0x2a1: {  	v18 =	vmul.f32 v18, v36;
	[tilespmem:v50+s8+$0x0] =	vst.idx.msk $0xffff, v1;
	v60 =	vld.idx.msk [tilespmem:v52+s1+$0x0], $0xffff;
	v10 =	vsub.f32 v10, v37  }
0x2a2: {  	v20 =	vmul.f32 v20, v29;
	v39 =	vld [tilespmem:s18+$0x2C00];
	[tilespmem:v57+s7+$0x0] =	vst.idx.msk $0xffff, v15;
	v16 =	vmul.f32 v16, v45  }
0x2a3: {  	v11 =	vmul.f32 v11, v26;
	[tilespmem:v59+s7+$0x0] =	vst.idx.msk $0xffff, v18;
	v62 =	vld.idx.msk [tilespmem:v57+s1+$0x0], $0xffff;
	v10 =	vmul.f32 v10, v43  }
0x2a4: {  	v20 =	vadd.f32 v20, v63;
	v2 =	vmul.f32 v2, v30;
	v63 =	vld.idx.msk [tilespmem:v59+s1+$0x0], $0xffff;
	[tilespmem:v61+s7+$0x0] =	vst.idx.msk $0xffff, v16  }
0x2a5: {  	v12 =	vmul.f32 v12, v42;
	v1 =	vadd.f32 v11, v58;
	[tilespmem:v17+s7+$0x0] =	vst.idx.msk $0xffff, v10;
	v28 =	vld.idx.msk [tilespmem:v61+s1+$0x0], $0xffff  }
0x2a6: {  	[tilespmem:v21+s8+$0x0] =	vst.idx.msk $0xffff, v20;
	v15 =	vmul.f32 v15, v44;
	v2 =	vadd.f32 v2, v60;
	v37 =	vld.idx.msk [tilespmem:v17+s1+$0x0], $0xffff  }
0x2a7: {  	v12 =	vadd.f32 v12, v14;
	v11 =	vmul.f32 v18, v47;
	[tilespmem:v56+s8+$0x0] =	vst.idx.msk $0xffff, v1;
	v20 =	vld [tilespmem:s4+$0x2C00]  }
0x2a8: {  	v48 =	vld [tilespmem:s14+$0x2C00];
	[tilespmem:v52+s8+$0x0] =	vst.idx.msk $0xffff, v2;
	v2 =	vmul.f32 v16, v54;
	v40 =	vadd.f32 v15, v62  }
0x2a9: {  	[tilespmem:v51+s8+$0x0] =	vst.idx.msk $0xffff, v12;
	v11 =	vadd.f32 v11, v63;
	v10 =	vmul.f32 v10, v46;
	v42 =	vld [tilespmem:s9+$0x2C00]  }
0x2aa: {  	s21 =	sadd.s32 $0xFFFFFF70, s13;
	v16 =	vsub.f32 v39, v31;
	[tilespmem:v57+s8+$0x0] =	vst.idx.msk $0xffff, v40;
	v2 =	vadd.f32 v2, v28  }
0x2ab: {  	(v2sf) =	vpush v24, $0x0;
	s18 =	sadd.s32 $0xFFFFFFD0, s13;
	v18 =	vadd.s32 s21, v9;
	[tilespmem:v59+s8+$0x0] =	vst.idx.msk $0xffff, v11;
	v11 =	vld [tilespmem:s15+$0x2C00];
	v10 =	vadd.f32 v10, v37  }
0x2ac: {  	v1 =	vadd.s32 s18, v9;
	v50 =	vsub.f32 v20, v31;
	v51 =	vmul.f32 v16, v32;
	v16 =	vld [tilespmem:s23+$0x2C00];
	[tilespmem:v61+s8+$0x0] =	vst.idx.msk $0xffff, v2  }
0x2ad: {  	s22 =	sadd.s32 $0xFFFFFFA0, s13;
	v53 =	vadd.f32 v34, v53;
	v14 =	vsub.f32 v48, v31;
	v2 =	vadd.s32 s13, v9;
	[tilespmem:v17+s8+$0x0] =	vst.idx.msk $0xffff, v10;
	v10 =	vld [tilespmem:s20+$0x2C00]  }
0x2ae: {  	v13 =	vmul.f32 v50, v41;
	s23 =	sadd.s32 $0xFFFFFF70, s12;
	v15 =	vsub.f32 v42, v31;
	v17 =	vadd.s32 s22, v9;
	v20 =	vld [tilespmem:s17+$0x2C00]  }
0x2af: {  	s24 =	sadd.s32 $0xFFFFFFD0, s12;
	[tilespmem:v55+s8+$0x0] =	vst.idx.msk $0xffff, v53;
	v14 =	vmul.f32 v14, v33;
	v52 =	vadd.s32 s23, v9  }
0x2b0: {  	v55 =	vadd.s32 s24, v9;
	s30 =	sadd.s32 $0xFFFFFFA0, s12;
	[tilespmem:v18+s7+$0x0] =	vst.idx.msk $0xffff, v13;
	v15 =	vmul.f32 v15, v38;
	v11 =	vsub.f32 v11, v31  }
0x2b1: {  	v56 =	vadd.s32 s12, v9;
	v57 =	vadd.s32 s30, v9;
	[tilespmem:v1+s7+$0x0] =	vst.idx.msk $0xffff, v51;
	v24 =	vld.idx.msk [tilespmem:v18+s1+$0x0], $0xffff;
	v16 =	vsub.f32 v16, v31  }
0x2b2: {  	v53 =	vld.idx.msk [tilespmem:v1+s1+$0x0], $0xffff;
	[tilespmem:v2+s7+$0x0] =	vst.idx.msk $0xffff, v15;
	v11 =	vmul.f32 v11, v49;
	v10 =	vsub.f32 v10, v31  }
0x2b3: {  	v16 =	vmul.f32 v16, v36;
	[tilespmem:v17+s7+$0x0] =	vst.idx.msk $0xffff, v14;
	v58 =	vld.idx.msk [tilespmem:v2+s1+$0x0], $0xffff;
	v20 =	vsub.f32 v20, v31  }
0x2b4: {  	v13 =	vmul.f32 v13, v29;
	v59 =	vld.idx.msk [tilespmem:v17+s1+$0x0], $0xffff;
	[tilespmem:v52+s7+$0x0] =	vst.idx.msk $0xffff, v11;
	v10 =	vmul.f32 v10, v45  }
0x2b5: {  	v12 =	vmul.f32 v51, v27;
	[tilespmem:v55+s7+$0x0] =	vst.idx.msk $0xffff, v16;
	v27 =	vld.idx.msk [tilespmem:v52+s1+$0x0], $0xffff;
	v20 =	vmul.f32 v20, v43  }
0x2b6: {  	v13 =	vadd.f32 v13, v24;
	v15 =	vmul.f32 v15, v30;
	v24 =	vld.idx.msk [tilespmem:v55+s1+$0x0], $0xffff;
	[tilespmem:v56+s7+$0x0] =	vst.idx.msk $0xffff, v10  }
0x2b7: {  	v12 =	vadd.f32 v12, v53;
	v14 =	vmul.f32 v14, v26;
	[tilespmem:v57+s7+$0x0] =	vst.idx.msk $0xffff, v20;
	v60 =	vld.idx.msk [tilespmem:v56+s1+$0x0], $0xffff  }
0x2b8: {  	[tilespmem:v18+s8+$0x0] =	vst.idx.msk $0xffff, v13;
	v11 =	vmul.f32 v11, v44;
	v61 =	vadd.f32 v15, v58;
	v62 =	vld.idx.msk [tilespmem:v57+s1+$0x0], $0xffff  }
0x2b9: {  	v63 =	vmul.f32 v16, v47;
	[tilespmem:v1+s8+$0x0] =	vst.idx.msk $0xffff, v12;
	v1 =	vadd.f32 v14, v59  }
0x2ba: {  	s31 =	spop (v2sf);
	[tilespmem:v2+s8+$0x0] =	vst.idx.msk $0xffff, v61;
	v2 =	vmul.f32 v10, v54;
	v10 =	vadd.f32 v11, v27  }
0x2bb: {  	p0 =	sgt.f32 s31, $5.000000000e-01;
	v11 =	vadd.f32 v63, v24;
	[tilespmem:v17+s8+$0x0] =	vst.idx.msk $0xffff, v1;
	v1 =	vmul.f32 v20, v46  }
.Ltmp9:
0x2bc: {  	[tilespmem:v52+s8+$0x0] =	vst.idx.msk $0xffff, v10;
	v2 =	vadd.f32 v2, v60;
	(pc) =	sbr.rel @!p0 .LBB2_17-.Ltmp9, $4  }
0x2bd: {  	[tilespmem:v55+s8+$0x0] =	vst.idx.msk $0xffff, v11;
	v1 =	vadd.f32 v1, v62  }
0x2be: {  	[tilespmem:v56+s8+$0x0] =	vst.idx.msk $0xffff, v2  }
0x2bf: {  	[tilespmem:v57+s8+$0x0] =	vst.idx.msk $0xffff, v1  }
0x2c0: {  	s12 =	rddreg [dreg:$0x1b]  }
0x2c1: {  	(v2sf) =	vpush v25, $0xF  }
0x2c2: {  	v14 =	vld [tilespmem:$0x1FF50]  }
0x2c3: {  	v2 =	vld [tilespmem:$0x1FF60];
	_ =	sdelay $0x4  }
0x2c4: {  	v10 =	vld [tilespmem:$0x1FF70]  }
0x2c5: {  	s9 =	simm.s32 $0x8080;
	v11 =	vld [tilespmem:$0x1FF80]  }
0x2c6: {  	v1 =	vld.idx.msk [tilespmem:v14+s9+$0x0], $0xffff  }
0x2c7: {  	v2 =	vld.idx.msk [tilespmem:v2+s9+$0x0], $0xffff;
	_ =	sdelay $0x1  }
0x2c8: {  	v16 =	vld [tilespmem:$0x1FF90]  }
0x2c9: {  	v12 =	vld [tilespmem:$0x1FFB0];
	_ =	sdelay $0x1  }
0x2ca: {  	v10 =	vld.idx.msk [tilespmem:v10+s9+$0x0], $0xffff;
	v2 =	vsub.f32 v2, v1;
	s4 =	spop (v2sf)  }
0x2cb: {  	v11 =	vld.idx.msk [tilespmem:v11+s9+$0x0], $0xffff;
	s4 =	scvt.f32.s32 s4  }
0x2cc: {  	v2 =	vmul.f32 v16, v2;
	v16 =	vld [tilespmem:$0x1FFA0]  }
0x2cd: {  	v12 =	vadd.s32 s4, v12  }
0x2ce: {  	vm8 =	vlt.s32 v12, $0x3FF  }
0x2cf: {  	v15 =	vimm.f32 $5.000000000e-01;
	v10 =	vsub.f32 v10, v1;
	v12 =	vnsel vm8, $0x3FF, v12  }
0x2d0: {  	v1 =	vsub.f32 v11, v1;
	v11 =	vsel vm0, $0xBF000000, v15;
	v13 =	vmul.u32 $0x3, v12  }
0x2d1: {  	v11 =	vsel vm1, $0xBF000000, v11;
	v10 =	vmul.f32 v16, v10  }
0x2d2: {  	v11 =	vsel vm2, $0xBF000000, v11;
	v13 =	vadd.s32 v14, v13  }
0x2d3: {  	v1 =	vmul.f32 v11, v1;
	v2 =	vadd.f32 v10, v2;
	_ =	sdelay $0x1  }
0x2d4: {  	v1 =	vadd.f32 v1, v2;
	_ =	sdelay $0x1  }
0x2d5: {  	s11 =	simm.s32 $0x7400;
	[tilespmem:v13+s7+$0x0] =	vst.idx.msk $0xffff, v1  }
0x2d6: {  	v2 =	vld.idx.msk [tilespmem:v12+s11+$0x0], $0xffff;
	_ =	sdelay $0x1  }
0x2d7: {  	v10 =	vld.idx.msk [tilespmem:v13+s1+$0x0], $0xffff;
	_ =	sdelay $0x2  }
0x2d8: {  	v1 =	vmul.f32 v1, v2  }
0x2d9: {  	v2 =	vld [tilespmem:$0x1FFC0]  }
0x2da: {  	v1 =	vadd.f32 v1, v10;
	v10 =	vld [tilespmem:$0x1FFD0]  }
0x2db: {  	v11 =	vld [tilespmem:$0x1FFE0];
	_ =	sdelay $0x3  }
0x2dc: {  	v59 =	vld [tilespmem:$0x1FFF0];
	[tilespmem:v13+s8+$0x0] =	vst.idx.msk $0xffff, v1  }
0x2dd: {  	v1 =	vld.idx.msk [tilespmem:v19+s9+$0x0], $0xffff  }
0x2de: {  	v2 =	vld.idx.msk [tilespmem:v2+s9+$0x0], $0xffff  }
0x2df: {  	v10 =	vld.idx.msk [tilespmem:v10+s9+$0x0], $0xffff  }
0x2e0: {  	v11 =	vld.idx.msk [tilespmem:v11+s9+$0x0], $0xffff  }
0x2e1: {  	v12 =	vadd.s32 s4, v59  }
0x2e2: {  	v60 =	vimm.f32 $-5.000000000e-01;
	vm8 =	vlt.s32 v12, $0x3FF  }
0x2e3: {  	v61 =	vsel vm4, $0xBF000000, v15;
	v14 =	vsel vm4, $0x3F000000, v60;
	v12 =	vnsel vm8, $0x3FF, v12  }
0x2e4: {  	v62 =	vmul.u32 $0x3, v12;
	v2 =	vsub.f32 v2, v1;
	v10 =	vsub.f32 v10, v1  }
0x2e5: {  	v13 =	vsel vm5, $0xBF000000, v61;
	v1 =	vsub.f32 v11, v1;
	v11 =	vsel vm3, $0x3F000000, v60  }
0x2e6: {  	v2 =	vmul.f32 v11, v2;
	v11 =	vsel vm6, $0x3F000000, v14;
	v10 =	vmul.f32 v13, v10  }
0x2e7: {  	v63 =	vadd.s32 v19, v62;
	v11 =	vsel vm7, $0x3F000000, v11  }
0x2e8: {  	v1 =	vmul.f32 v11, v1;
	v2 =	vadd.f32 v10, v2;
	_ =	sdelay $0x1  }
0x2e9: {  	v1 =	vadd.f32 v1, v2;
	_ =	sdelay $0x1  }
0x2ea: {  	[tilespmem:v63+s7+$0x0] =	vst.idx.msk $0xff, v1  }
0x2eb: {  	v2 =	vld.idx.msk [tilespmem:v12+s11+$0x0], $0xffff;
	_ =	sdelay $0x1  }
0x2ec: {  	v10 =	vld.idx.msk [tilespmem:v63+s1+$0x0], $0xffff;
	_ =	sdelay $0x2  }
.Ltmp10:
0x2ed: {  	v1 =	vmul.f32 v1, v2;
	(pc) =	sbr.rel .LBB2_17-.Ltmp10, $3  }
0x2ee: {  	_ = 	snop  }
0x2ef: {  	v1 =	vadd.f32 v1, v10;
	_ =	sdelay $0x1  }
0x2f0: {  	[tilespmem:v63+s8+$0x0] =	vst.idx.msk $0xff, v1  }
.LBB2_18:
0x2f1: {  	_ =	sfence.sel $0x180000  }
0x2f2: {  	[bflag:$0x0] =	sbarrier.arrive $0xFFFF  }
0x2f3: {  	_ =	strace $0x90000047  }
0x2f4: {  	s0 =	stileid.u32;
	[bflag:$0x2] =	sbarrier.arrive $0xFFFF  }
0x2f5: {  	p0 =	sne.s32 s0, $0x0;
	s0 =	rddreg [dreg:$0x6]  }
0x2f6: {  	s0 =	sadd.s32 @!p0 $0x100000, s0  }
0x2f7: {  	[sflag:s0] =	ssyncadd.tile.s32 @!p0 $0x1;
	_ =	shalt  }
.Lfunc_end2:
_tile_overlayer_lowered:
.L_overlay_start_2:
0x2f8: {  	(tag) =	ssettag $0x2  }
0x2f9: {  	s0 =	rddreg [dreg:$0x0];
	s2 =	stileid.u32  }
0x2fa: {  	s1 =	rddreg [dreg:$0x1];
	p0 =	sne.s32 s2, $0x0  }
0x2fb: {  	s3 =	rddreg [dreg:$0x2];
	[bflag:$0x3] =	sbarrier.arrive $0xFFFF;
	s2 =	simm.s32 @!p0 $0x1C04  }
0x2fc: {  	[timem:s3], [sflag:s2] =	dma.local @!p0 [hbm:s0], s1  }
0x2fd: {  	s0 =	simm.s32 @!p0 $0x4  }
0x2fe: {  	_ =	swait.ge @!p0 [sflag:s0], s1  }
0x2ff: {  	s1 =	ssub.s32 @!p0 $0x0, s1;
	[sflag:s0] =	ssyncset.done @!p0 $0x0  }
0x300: {  	[sflag:s0] =	ssyncadd.s32 @!p0 s1  }
0x301: {  	[bflag:$0x3] =	sbarrier.arrive $0xFFFF  }
0x302: {  	_ =	shalt  }

</sc_bundles>
